<compile_context>
chip_gen: v7x
topology: tpu7x:2x2x1
jax: 0.10.2.dev20260603
libtpu: 0.0.44.dev20260713+nightly
codegen_flags: <defaults>
</compile_context>

<pallas_src>
import functools

import jax
import jax.numpy as jnp
from jax import lax
from jax.experimental import pallas as pl
from jax.experimental.pallas import tpu as pltpu
from jax.experimental.pallas import tpu_sc as plsc

BATCH = 16384
FEAT = 64
PAIR = 128
LANES = 16
NUM_CORES = 2
NUM_SUBCORES = 16
NUM_WORKERS = NUM_CORES * NUM_SUBCORES
CK = 512
NCHUNK = 62
LAST_FULL_CID = 1952
TAIL_CID = 1953
TAIL_START = 999936
TAIL_W = 64
NVREG = BATCH // LANES

_mesh = plsc.VectorSubcoreMesh(core_axis_name="c", subcore_axis_name="s")


@functools.partial(
    pl.kernel,
    mesh=_mesh,
    compiler_params=pltpu.CompilerParams(needs_layout_passes=False),
    out_type=jax.ShapeDtypeStruct((NUM_WORKERS, LANES), jnp.float32),
    scratch_types=[
        pltpu.VMEM((BATCH,), jnp.int32),
        pltpu.VMEM((BATCH,), jnp.int32),
        pltpu.VMEM((BATCH,), jnp.int32),
        pltpu.VMEM((2, FEAT, CK), jnp.float32),
        pltpu.VMEM((LANES, PAIR), jnp.float32),
        pltpu.VMEM((LANES,), jnp.float32),
        pltpu.SemaphoreType.DMA,
        pltpu.SemaphoreType.DMA,
        pltpu.SemaphoreType.DMA,
    ],
)
def _center_loss_sc(x2_hbm, lab_hbm, cent_hbm, tail_hbm, out_hbm, lab_all,
                    blist, clist, cbuf, xg, acc_v, csem0, csem1, xsem):
    wid = lax.axis_index("s") * NUM_CORES + lax.axis_index("c")
    iota = lax.iota(jnp.int32, LANES)
    zi = jnp.zeros((LANES,), jnp.int32)
    zf = jnp.zeros((LANES,), jnp.float32)
    wsplat = jnp.full((LANES,), wid, jnp.int32)

    def stage(j):
        cid = NUM_WORKERS * j + wid
        jm = lax.rem(j, 2)
        start = pl.multiple_of(cid * CK, CK)
        sem = csem0

        for sel, sem in ((0, csem0), (1, csem1)):
            @pl.when(lax.rem(j, 2) == sel)
            def _(sem=sem):
                @pl.when(cid <= LAST_FULL_CID)
                def _():
                    pltpu.async_copy(
                        cent_hbm.at[:, pl.ds(start, CK)],
                        cbuf.at[jm], sem)

                @pl.when(cid == TAIL_CID)
                def _():
                    pltpu.async_copy(
                        tail_hbm, cbuf.at[jm, :, pl.ds(0, PAIR)], sem)

    def drain(j):
        cid = NUM_WORKERS * j + wid
        jm = lax.rem(j, 2)
        for sel, sem in ((0, csem0), (1, csem1)):
            @pl.when(lax.rem(j, 2) == sel)
            def _(sem=sem):
                @pl.when(cid <= LAST_FULL_CID)
                def _():
                    pltpu.make_async_copy(
                        cent_hbm.at[:, pl.ds(0, CK)],
                        cbuf.at[jm], sem).wait()

                @pl.when(cid == TAIL_CID)
                def _():
                    pltpu.make_async_copy(
                        tail_hbm, cbuf.at[jm, :, pl.ds(0, PAIR)],
                        sem).wait()

    def z_body(i, bv):
        plsc.store_scatter(clist, [bv], zi)
        plsc.store_scatter(blist, [bv], zi)
        return bv + LANES

    lax.fori_loop(0, NVREG, z_body, iota)

    pltpu.sync_copy(lab_hbm, lab_all)
    stage(0)

    AUN = 4

    def a_body(i, carry):
        bv, cnt = carry
        labs = []
        for u in range(AUN):
            labs.append((bv + u * LANES,
                         plsc.load_gather(lab_all, [bv + u * LANES])))
        for u, (bu, lab) in enumerate(labs):
            cid = lax.shift_right_logical(lab, 9)
            wm = lax.bitwise_xor(lax.bitwise_and(cid, 31), wsplat)
            mi = 1 - jnp.minimum(wm, 1)
            msk = wm == 0
            pos = cnt + plsc.cumsum(mi) - 1
            packed = lax.bitwise_or(
                lax.shift_left(bu, 9), lax.bitwise_and(lab, CK - 1))
            plsc.store_scatter(blist, [pos], packed, mask=msk)
            plsc.store_scatter(lab_all, [pos], cid, mask=msk)
            cnt = cnt + plsc.all_reduce_population_count(msk)
        return bv + AUN * LANES, cnt

    _, cntv = lax.fori_loop(0, NVREG // AUN, a_body, (iota, zi))
    count = jnp.max(cntv)
    csplat = jnp.full((LANES,), count, jnp.int32)
    nv2 = (count + 2 * LANES - 1) // (2 * LANES)

    def b_body(j, accs):
        cid = NUM_WORKERS * j + wid
        jm = lax.rem(j, 2)
        jmsplat = jnp.full((LANES,), jm, jnp.int32)
        cidsplat = jnp.full((LANES,), cid, jnp.int32)

        @pl.when(j + 1 < NCHUNK)
        def _():
            stage(j + 1)

        drain(j)

        def f_body(m, carry):
            wcnt, iv = carry
            pre = []
            for u in range(2):
                ivu = iv + u * LANES
                pre.append((ivu, plsc.load_gather(lab_all, [ivu]),
                            plsc.load_gather(blist, [ivu])))
            for ivu, cidv, pk in pre:
                inb = jnp.minimum(jnp.maximum(csplat - ivu, 0), 1)
                cm = lax.bitwise_xor(cidv, cidsplat)
                mi = (1 - jnp.minimum(cm, 1)) * inb
                msk = mi == 1
                pos = wcnt + plsc.cumsum(mi) - 1
                plsc.store_scatter(clist, [pos], pk, mask=msk)
                wcnt = wcnt + plsc.all_reduce_population_count(msk)
            return (wcnt, iv + 2 * LANES)

        wcntv, _ = lax.fori_loop(0, nv2, f_body, (zi, iota))
        nc = jnp.max(wcntv)
        ncsplat = jnp.full((LANES,), nc, jnp.int32)
        ngroups = (nc + LANES - 1) // LANES

        def g_body(g, accs):
            sl = iota + g * LANES
            pk = plsc.load_gather(clist, [jnp.minimum(sl, BATCH - 1)])
            b = lax.shift_right_logical(pk, 9)
            off = lax.bitwise_and(pk, CK - 1)
            par64 = lax.shift_left(lax.bitwise_and(b, 1), 6)
            pairv = lax.shift_right_logical(b, 1)
            pltpu.async_copy(x2_hbm.at[pairv], xg, xsem).wait()
            vf = jnp.minimum(jnp.maximum(ncsplat - sl, 0), 1).astype(
                jnp.float32)
            new = list(accs)
            for f in range(FEAT):
                cv = plsc.load_gather(
                    cbuf, [jmsplat, jnp.full((LANES,), f, jnp.int32), off])
                xv = plsc.load_gather(xg, [iota, par64 + f])
                d = (xv - cv) * vf
                new[f % 4] = new[f % 4] + d * d
            return tuple(new)

        return lax.fori_loop(0, ngroups, g_body, accs)

    accs = lax.fori_loop(0, NCHUNK, b_body, (zf,) * 4)
    acc_v[...] = (accs[0] + accs[1]) + (accs[2] + accs[3])
    pltpu.sync_copy(acc_v, out_hbm.at[wid])


def kernel(x, labels, centers):
    x2 = x.reshape(x.shape[0] // 2, PAIR)
    tail = jnp.pad(centers[TAIL_START:].T, ((0, 0), (0, PAIR - TAIL_W)))
    partials = _center_loss_sc(x2, labels.astype(jnp.int32), centers.T,
                               tail)
    return jnp.sum(partials) / x.shape[0]

# --- scband reference (transcript-rebuilt; emitter-appended) ---
"""Pipeline reference for scband-center-loss-28965259444688 (READ-ONLY COPY).

The authoritative reference and input builder live on the scoring server;
editing this copy changes nothing except your own understanding.
"""

import jax, jax.numpy as jnp
import numpy as np

NUM_CLASSES = 1000000
FEAT_DIM = 64
BATCH = 16384

def setup_inputs(seed: int = 0) -> dict:
    key = jax.random.key(seed)
    k1, k2, k3 = jax.random.split(key, 3)
    x = jax.random.normal(k1, (BATCH, FEAT_DIM), dtype=jnp.float32)
    labels = jax.random.randint(k2, (BATCH,), 0, NUM_CLASSES, dtype=jnp.int64)
    centers = jax.random.normal(k3, (NUM_CLASSES, FEAT_DIM), dtype=jnp.float32)
    return {"x": x, "labels": labels, "centers": centers}

def reference(x, labels, centers):
    batch_size = x.shape[0]
    centers_batch = jnp.take(centers, labels, axis=0)
    return jnp.sum((x - centers_batch) ** 2) / batch_size

if __name__ == "__main__":
    import jax
    _d = setup_inputs()
    print(jax.jit(kernel)(*tuple(_d.values())))

</pallas_src>

<mosaic_0001>
#map = affine_map<(d0, d1) -> (0, 0)>
#map1 = affine_map<(d0, d1) -> (0)>
module attributes {stable_mosaic.version = 14 : i64} {
  func.func @_center_loss_sc(%arg0: i32, %arg1: i32, %arg2: memref<8192x128xf32, #tpu.memory_space<hbm>>, %arg3: memref<16384xi32, #tpu.memory_space<hbm>>, %arg4: memref<64x1000000xf32, #tpu.memory_space<hbm>>, %arg5: memref<64x128xf32, #tpu.memory_space<hbm>>, %arg6: memref<32x16xf32, #tpu.memory_space<hbm>>, %arg7: memref<16384xi32, #tpu.memory_space<vmem>>, %arg8: memref<16384xi32, #tpu.memory_space<vmem>>, %arg9: memref<16384xi32, #tpu.memory_space<vmem>>, %arg10: memref<2x64x512xf32, #tpu.memory_space<vmem>>, %arg11: memref<16x128xf32, #tpu.memory_space<vmem>>, %arg12: memref<16xf32, #tpu.memory_space<vmem>>, %arg13: memref<!tpu.dma_semaphore, #tpu.memory_space<semaphore_mem>>, %arg14: memref<!tpu.dma_semaphore, #tpu.memory_space<semaphore_mem>>, %arg15: memref<!tpu.dma_semaphore, #tpu.memory_space<semaphore_mem>>) attributes {dimension_semantics = [#tpu.dimension_semantics<core_parallel>, #tpu.dimension_semantics<subcore_parallel>], iteration_bounds = array<i64: 2, 16>, scalar_prefetch = 0 : i64, scratch_operands = 9 : i64, tpu.core_type = #tpu.core_type<sc_vector_subcore>, window_params = [{transform_indices = #map}, {transform_indices = #map1}, {transform_indices = #map}, {transform_indices = #map}, {transform_indices = #map}]} {
    %mul3A = arith.constant 2 : i32
    %mul3A_0 = arith.muli %arg1, %mul3A : i32
    %add3A = arith.addi %mul3A_0, %arg0 : i32
    %iota3A = tpu.iota {dimensions = array<i32: 0>} : vector<16xi32>
    %broadcast_in_dim3A = arith.constant 0 : i32
    %broadcast_in_dim3A_1 = vector.broadcast %broadcast_in_dim3A : i32 to vector<16xi32>
    %broadcast_in_dim3A_2 = arith.constant 0.000000e+00 : f32
    %broadcast_in_dim3A_3 = vector.broadcast %broadcast_in_dim3A_2 : f32 to vector<16xf32>
    %broadcast_in_dim3A_4 = vector.broadcast %add3A : i32 to vector<16xi32>
    %scan3A = arith.constant 0 : i32
    %scan3A_5 = arith.constant 1024 : i32
    %scan3A_6 = arith.addi %scan3A, %scan3A_5 : i32
    %scan3A_7 = arith.constant 1 : i32
    %scan3A_8 = scf.for %scan3A_74 = %scan3A to %scan3A_6 step %scan3A_7 iter_args(%scan3A_75 = %iota3A) -> (vector<16xi32>)  : i32 {
      tpu.vector_store_idx %arg9[%scan3A_75], %broadcast_in_dim3A_1 : memref<16384xi32, #tpu.memory_space<vmem>>[vector<16xi32>], vector<16xi32>,
      tpu.vector_store_idx %arg8[%scan3A_75], %broadcast_in_dim3A_1 : memref<16384xi32, #tpu.memory_space<vmem>>[vector<16xi32>], vector<16xi32>,
      %add3A_76 = arith.constant 16 : i32
      %add3A_77 = vector.broadcast %add3A_76 : i32 to vector<16xi32>
      %add3A_78 = arith.addi %scan3A_75, %add3A_77 : vector<16xi32>
      scf.yield %add3A_78 : vector<16xi32>
    }
    %scan3A_9 = arith.constant 1024 : i32
    "tpu.region"() ({
      %run_scoped3A = tpu.sem_alloc : memref<!tpu.dma_semaphore, #tpu.memory_space<semaphore_mem>>
      tpu.enqueue_dma source(%arg3 : memref<16384xi32, #tpu.memory_space<hbm>>) target(%arg7 : memref<16384xi32, #tpu.memory_space<vmem>>) target_semaphore(%run_scoped3A : memref<!tpu.dma_semaphore, #tpu.memory_space<semaphore_mem>>)
      tpu.wait_dma2 semaphore(%run_scoped3A : memref<!tpu.dma_semaphore, #tpu.memory_space<semaphore_mem>>) src(%arg3 : memref<16384xi32, #tpu.memory_space<hbm>>) dst(%arg7 : memref<16384xi32, #tpu.memory_space<vmem>>)
      tpu.yield
    }) : () -> ()
    %add3A_10 = arith.constant 0 : i32
    %add3A_11 = arith.addi %add3A_10, %add3A : i32
    %rem3A = arith.constant 0 : i32
    %rem3A_12 = arith.constant 2 : i32
    %rem3A_13 = arith.remsi %rem3A, %rem3A_12 : i32
    %mul3A_14 = arith.constant 512 : i32
    %mul3A_15 = arith.muli %add3A_11, %mul3A_14 : i32
    %multiple_of3A = tpu.assume_multiple %mul3A_15, 512 : i32
    %rem3A_16 = arith.constant 0 : i32
    %rem3A_17 = arith.constant 2 : i32
    %rem3A_18 = arith.remsi %rem3A_16, %rem3A_17 : i32
    %eq3A = arith.constant 0 : i32
    %eq3A_19 = arith.cmpi eq, %rem3A_18, %eq3A : i32
    %convert_element_type3A = arith.extui %eq3A_19 : i1 to i32
    %cond3A = arith.constant 0 : i32
    %cond3A_20 = arith.cmpi ne, %convert_element_type3A, %cond3A : i32
    scf.if %cond3A_20 {
      %le3A = arith.constant 1952 : i32
      %le3A_74 = arith.cmpi sle, %add3A_11, %le3A : i32
      %convert_element_type3A_75 = arith.extui %le3A_74 : i1 to i32
      %cond3A_76 = arith.constant 0 : i32
      %cond3A_77 = arith.cmpi ne, %convert_element_type3A_75, %cond3A_76 : i32
      scf.if %cond3A_77 {
        %dma_start3A = arith.constant 0 : i32
        %dma_start3A_83 = arith.constant 0 : i32
        %dma_start3A_84 = tpu.memref_slice %arg10[%rem3A_13, %dma_start3A, %dma_start3A_83] : memref<2x64x512xf32, #tpu.memory_space<vmem>> -> memref<1x64x512xf32, #tpu.memory_space<vmem>>
        %dma_start3A_85 = tpu.memref_squeeze %dma_start3A_84 : memref<1x64x512xf32, #tpu.memory_space<vmem>> -> memref<64x512xf32, #tpu.memory_space<vmem>>
        %dma_start3A_86 = arith.constant 0 : i32
        %dma_start3A_87 = tpu.memref_slice %arg4[%dma_start3A_86, %multiple_of3A] : memref<64x1000000xf32, #tpu.memory_space<hbm>> -> memref<64x512xf32, #tpu.memory_space<hbm>>
        %dma_start3A_88 = arith.constant 0 : i32
        %dma_start3A_89 = arith.constant 0 : i32
        %dma_start3A_90 = tpu.memref_slice %arg10[%rem3A_13, %dma_start3A_88, %dma_start3A_89] : memref<2x64x512xf32, #tpu.memory_space<vmem>> -> memref<1x64x512xf32, #tpu.memory_space<vmem>>
        %dma_start3A_91 = tpu.memref_squeeze %dma_start3A_90 : memref<1x64x512xf32, #tpu.memory_space<vmem>> -> memref<64x512xf32, #tpu.memory_space<vmem>>
        %dma_start3A_92 = arith.constant 0 : i32
        %dma_start3A_93 = tpu.memref_slice %arg4[%dma_start3A_92, %multiple_of3A] : memref<64x1000000xf32, #tpu.memory_space<hbm>> -> memref<64x512xf32, #tpu.memory_space<hbm>>
        tpu.enqueue_dma source(%dma_start3A_93 : memref<64x512xf32, #tpu.memory_space<hbm>>) target(%dma_start3A_91 : memref<64x512xf32, #tpu.memory_space<vmem>>) target_semaphore(%arg13 : memref<!tpu.dma_semaphore, #tpu.memory_space<semaphore_mem>>)
      } else {
      }
      %eq3A_78 = arith.constant 1953 : i32
      %eq3A_79 = arith.cmpi eq, %add3A_11, %eq3A_78 : i32
      %convert_element_type3A_80 = arith.extui %eq3A_79 : i1 to i32
      %cond3A_81 = arith.constant 0 : i32
      %cond3A_82 = arith.cmpi ne, %convert_element_type3A_80, %cond3A_81 : i32
      scf.if %cond3A_82 {
        %dma_start3A = arith.constant 0 : i32
        %dma_start3A_83 = arith.constant 0 : i32
        %dma_start3A_84 = tpu.memref_slice %arg10[%rem3A_13, %dma_start3A, %dma_start3A_83] : memref<2x64x512xf32, #tpu.memory_space<vmem>> -> memref<1x64x128xf32, #tpu.memory_space<vmem>>
        %dma_start3A_85 = tpu.memref_squeeze %dma_start3A_84 : memref<1x64x128xf32, #tpu.memory_space<vmem>> -> memref<64x128xf32, #tpu.memory_space<vmem>>
        %dma_start3A_86 = arith.constant 0 : i32
        %dma_start3A_87 = arith.constant 0 : i32
        %dma_start3A_88 = tpu.memref_slice %arg10[%rem3A_13, %dma_start3A_86, %dma_start3A_87] : memref<2x64x512xf32, #tpu.memory_space<vmem>> -> memref<1x64x128xf32, #tpu.memory_space<vmem>>
        %dma_start3A_89 = tpu.memref_squeeze %dma_start3A_88 : memref<1x64x128xf32, #tpu.memory_space<vmem>> -> memref<64x128xf32, #tpu.memory_space<vmem>>
        tpu.enqueue_dma source(%arg5 : memref<64x128xf32, #tpu.memory_space<hbm>>) target(%dma_start3A_89 : memref<64x128xf32, #tpu.memory_space<vmem>>) target_semaphore(%arg13 : memref<!tpu.dma_semaphore, #tpu.memory_space<semaphore_mem>>)
      } else {
      }
    } else {
    }
    %rem3A_21 = arith.constant 0 : i32
    %rem3A_22 = arith.constant 2 : i32
    %rem3A_23 = arith.remsi %rem3A_21, %rem3A_22 : i32
    %eq3A_24 = arith.constant 1 : i32
    %eq3A_25 = arith.cmpi eq, %rem3A_23, %eq3A_24 : i32
    %convert_element_type3A_26 = arith.extui %eq3A_25 : i1 to i32
    %cond3A_27 = arith.constant 0 : i32
    %cond3A_28 = arith.cmpi ne, %convert_element_type3A_26, %cond3A_27 : i32
    scf.if %cond3A_28 {
      %le3A = arith.constant 1952 : i32
      %le3A_74 = arith.cmpi sle, %add3A_11, %le3A : i32
      %convert_element_type3A_75 = arith.extui %le3A_74 : i1 to i32
      %cond3A_76 = arith.constant 0 : i32
      %cond3A_77 = arith.cmpi ne, %convert_element_type3A_75, %cond3A_76 : i32
      scf.if %cond3A_77 {
        %dma_start3A = arith.constant 0 : i32
        %dma_start3A_83 = arith.constant 0 : i32
        %dma_start3A_84 = tpu.memref_slice %arg10[%rem3A_13, %dma_start3A, %dma_start3A_83] : memref<2x64x512xf32, #tpu.memory_space<vmem>> -> memref<1x64x512xf32, #tpu.memory_space<vmem>>
        %dma_start3A_85 = tpu.memref_squeeze %dma_start3A_84 : memref<1x64x512xf32, #tpu.memory_space<vmem>> -> memref<64x512xf32, #tpu.memory_space<vmem>>
        %dma_start3A_86 = arith.constant 0 : i32
        %dma_start3A_87 = tpu.memref_slice %arg4[%dma_start3A_86, %multiple_of3A] : memref<64x1000000xf32, #tpu.memory_space<hbm>> -> memref<64x512xf32, #tpu.memory_space<hbm>>
        %dma_start3A_88 = arith.constant 0 : i32
        %dma_start3A_89 = arith.constant 0 : i32
        %dma_start3A_90 = tpu.memref_slice %arg10[%rem3A_13, %dma_start3A_88, %dma_start3A_89] : memref<2x64x512xf32, #tpu.memory_space<vmem>> -> memref<1x64x512xf32, #tpu.memory_space<vmem>>
        %dma_start3A_91 = tpu.memref_squeeze %dma_start3A_90 : memref<1x64x512xf32, #tpu.memory_space<vmem>> -> memref<64x512xf32, #tpu.memory_space<vmem>>
        %dma_start3A_92 = arith.constant 0 : i32
        %dma_start3A_93 = tpu.memref_slice %arg4[%dma_start3A_92, %multiple_of3A] : memref<64x1000000xf32, #tpu.memory_space<hbm>> -> memref<64x512xf32, #tpu.memory_space<hbm>>
        tpu.enqueue_dma source(%dma_start3A_93 : memref<64x512xf32, #tpu.memory_space<hbm>>) target(%dma_start3A_91 : memref<64x512xf32, #tpu.memory_space<vmem>>) target_semaphore(%arg14 : memref<!tpu.dma_semaphore, #tpu.memory_space<semaphore_mem>>)
      } else {
      }
      %eq3A_78 = arith.constant 1953 : i32
      %eq3A_79 = arith.cmpi eq, %add3A_11, %eq3A_78 : i32
      %convert_element_type3A_80 = arith.extui %eq3A_79 : i1 to i32
      %cond3A_81 = arith.constant 0 : i32
      %cond3A_82 = arith.cmpi ne, %convert_element_type3A_80, %cond3A_81 : i32
      scf.if %cond3A_82 {
        %dma_start3A = arith.constant 0 : i32
        %dma_start3A_83 = arith.constant 0 : i32
        %dma_start3A_84 = tpu.memref_slice %arg10[%rem3A_13, %dma_start3A, %dma_start3A_83] : memref<2x64x512xf32, #tpu.memory_space<vmem>> -> memref<1x64x128xf32, #tpu.memory_space<vmem>>
        %dma_start3A_85 = tpu.memref_squeeze %dma_start3A_84 : memref<1x64x128xf32, #tpu.memory_space<vmem>> -> memref<64x128xf32, #tpu.memory_space<vmem>>
        %dma_start3A_86 = arith.constant 0 : i32
        %dma_start3A_87 = arith.constant 0 : i32
        %dma_start3A_88 = tpu.memref_slice %arg10[%rem3A_13, %dma_start3A_86, %dma_start3A_87] : memref<2x64x512xf32, #tpu.memory_space<vmem>> -> memref<1x64x128xf32, #tpu.memory_space<vmem>>
        %dma_start3A_89 = tpu.memref_squeeze %dma_start3A_88 : memref<1x64x128xf32, #tpu.memory_space<vmem>> -> memref<64x128xf32, #tpu.memory_space<vmem>>
        tpu.enqueue_dma source(%arg5 : memref<64x128xf32, #tpu.memory_space<hbm>>) target(%dma_start3A_89 : memref<64x128xf32, #tpu.memory_space<vmem>>) target_semaphore(%arg14 : memref<!tpu.dma_semaphore, #tpu.memory_space<semaphore_mem>>)
      } else {
      }
    } else {
    }
    %scan3A_29 = arith.constant 0 : i32
    %scan3A_30 = arith.constant 256 : i32
    %scan3A_31 = arith.addi %scan3A_29, %scan3A_30 : i32
    %scan3A_32 = arith.constant 1 : i32
    %scan3A_33:2 = scf.for %scan3A_74 = %scan3A_29 to %scan3A_31 step %scan3A_32 iter_args(%scan3A_75 = %iota3A, %scan3A_76 = %broadcast_in_dim3A_1) -> (vector<16xi32>, vector<16xi32>)  : i32 {
      %add3A_77 = arith.constant 0 : i32
      %add3A_78 = vector.broadcast %add3A_77 : i32 to vector<16xi32>
      %add3A_79 = arith.addi %scan3A_75, %add3A_78 : vector<16xi32>
      %add3A_80 = arith.constant 0 : i32
      %add3A_81 = vector.broadcast %add3A_80 : i32 to vector<16xi32>
      %add3A_82 = arith.addi %scan3A_75, %add3A_81 : vector<16xi32>
      %gather3A = tpu.vector_load_idx %arg7[%add3A_82] : memref<16384xi32, #tpu.memory_space<vmem>>[vector<16xi32>], vector<16xi32>,
      %add3A_83 = arith.constant 16 : i32
      %add3A_84 = vector.broadcast %add3A_83 : i32 to vector<16xi32>
      %add3A_85 = arith.addi %scan3A_75, %add3A_84 : vector<16xi32>
      %add3A_86 = arith.constant 16 : i32
      %add3A_87 = vector.broadcast %add3A_86 : i32 to vector<16xi32>
      %add3A_88 = arith.addi %scan3A_75, %add3A_87 : vector<16xi32>
      %gather3A_89 = tpu.vector_load_idx %arg7[%add3A_88] : memref<16384xi32, #tpu.memory_space<vmem>>[vector<16xi32>], vector<16xi32>,
      %add3A_90 = arith.constant 32 : i32
      %add3A_91 = vector.broadcast %add3A_90 : i32 to vector<16xi32>
      %add3A_92 = arith.addi %scan3A_75, %add3A_91 : vector<16xi32>
      %add3A_93 = arith.constant 32 : i32
      %add3A_94 = vector.broadcast %add3A_93 : i32 to vector<16xi32>
      %add3A_95 = arith.addi %scan3A_75, %add3A_94 : vector<16xi32>
      %gather3A_96 = tpu.vector_load_idx %arg7[%add3A_95] : memref<16384xi32, #tpu.memory_space<vmem>>[vector<16xi32>], vector<16xi32>,
      %add3A_97 = arith.constant 48 : i32
      %add3A_98 = vector.broadcast %add3A_97 : i32 to vector<16xi32>
      %add3A_99 = arith.addi %scan3A_75, %add3A_98 : vector<16xi32>
      %add3A_100 = arith.constant 48 : i32
      %add3A_101 = vector.broadcast %add3A_100 : i32 to vector<16xi32>
      %add3A_102 = arith.addi %scan3A_75, %add3A_101 : vector<16xi32>
      %gather3A_103 = tpu.vector_load_idx %arg7[%add3A_102] : memref<16384xi32, #tpu.memory_space<vmem>>[vector<16xi32>], vector<16xi32>,
      %shift_right_logical3A = arith.constant 9 : i32
      %shift_right_logical3A_104 = vector.broadcast %shift_right_logical3A : i32 to vector<16xi32>
      %shift_right_logical3A_105 = arith.shrui %gather3A, %shift_right_logical3A_104 : vector<16xi32>
      %and3A_106 = arith.constant 31 : i32
      %and3A_107 = vector.broadcast %and3A_106 : i32 to vector<16xi32>
      %and3A_108 = arith.andi %shift_right_logical3A_105, %and3A_107 : vector<16xi32>
      %xor3A = arith.xori %and3A_108, %broadcast_in_dim3A_4 : vector<16xi32>
      %min3A = arith.constant 1 : i32
      %min3A_109 = vector.broadcast %min3A : i32 to vector<16xi32>
      %min3A_110 = arith.minsi %xor3A, %min3A_109 : vector<16xi32>
      %sub3A_111 = arith.constant 1 : i32
      %sub3A_112 = vector.broadcast %sub3A_111 : i32 to vector<16xi32>
      %sub3A_113 = arith.subi %sub3A_112, %min3A_110 : vector<16xi32>
      %eq3A_114 = arith.constant 0 : i32
      %eq3A_115 = vector.broadcast %eq3A_114 : i32 to vector<16xi32>
      %eq3A_116 = arith.cmpi eq, %xor3A, %eq3A_115 : vector<16xi32>
      %broadcast_in_dim3A_117 = arith.constant true
      %broadcast_in_dim3A_118 = vector.broadcast %broadcast_in_dim3A_117 : i1 to vector<16xi1>
      %masked_cumsum3A = tpu.scan <sum>, %sub3A_113 masked %broadcast_in_dim3A_118 : vector<16xi32>, vector<16xi1> -> vector<16xi32>
      %add3A_119 = arith.addi %scan3A_76, %masked_cumsum3A : vector<16xi32>
      %sub3A_120 = arith.constant 1 : i32
      %sub3A_121 = vector.broadcast %sub3A_120 : i32 to vector<16xi32>
      %sub3A_122 = arith.subi %add3A_119, %sub3A_121 : vector<16xi32>
      %shift_left3A = arith.constant 9 : i32
      %shift_left3A_123 = vector.broadcast %shift_left3A : i32 to vector<16xi32>
      %shift_left3A_124 = arith.shli %add3A_79, %shift_left3A_123 : vector<16xi32>
      %and3A_125 = arith.constant 511 : i32
      %and3A_126 = vector.broadcast %and3A_125 : i32 to vector<16xi32>
      %and3A_127 = arith.andi %gather3A, %and3A_126 : vector<16xi32>
      %or3A = arith.ori %shift_left3A_124, %and3A_127 : vector<16xi32>
      tpu.vector_store_idx %arg8[%sub3A_122], %or3A masked %eq3A_116 : memref<16384xi32, #tpu.memory_space<vmem>>[vector<16xi32>], vector<16xi32>, vector<16xi1>
      tpu.vector_store_idx %arg7[%sub3A_122], %shift_right_logical3A_105 masked %eq3A_116 : memref<16384xi32, #tpu.memory_space<vmem>>[vector<16xi32>], vector<16xi32>, vector<16xi1>
      %all_reduce_population_count3A = tpu.all_reduce %eq3A_116 {dim = 0 : i64, kind = #tpu.reduction_kind<sum>} : vector<16xi1> -> vector<16xi32>
      %add3A_128 = arith.addi %scan3A_76, %all_reduce_population_count3A : vector<16xi32>
      %shift_right_logical3A_129 = arith.constant 9 : i32
      %shift_right_logical3A_130 = vector.broadcast %shift_right_logical3A_129 : i32 to vector<16xi32>
      %shift_right_logical3A_131 = arith.shrui %gather3A_89, %shift_right_logical3A_130 : vector<16xi32>
      %and3A_132 = arith.constant 31 : i32
      %and3A_133 = vector.broadcast %and3A_132 : i32 to vector<16xi32>
      %and3A_134 = arith.andi %shift_right_logical3A_131, %and3A_133 : vector<16xi32>
      %xor3A_135 = arith.xori %and3A_134, %broadcast_in_dim3A_4 : vector<16xi32>
      %min3A_136 = arith.constant 1 : i32
      %min3A_137 = vector.broadcast %min3A_136 : i32 to vector<16xi32>
      %min3A_138 = arith.minsi %xor3A_135, %min3A_137 : vector<16xi32>
      %sub3A_139 = arith.constant 1 : i32
      %sub3A_140 = vector.broadcast %sub3A_139 : i32 to vector<16xi32>
      %sub3A_141 = arith.subi %sub3A_140, %min3A_138 : vector<16xi32>
      %eq3A_142 = arith.constant 0 : i32
      %eq3A_143 = vector.broadcast %eq3A_142 : i32 to vector<16xi32>
      %eq3A_144 = arith.cmpi eq, %xor3A_135, %eq3A_143 : vector<16xi32>
      %broadcast_in_dim3A_145 = arith.constant true
      %broadcast_in_dim3A_146 = vector.broadcast %broadcast_in_dim3A_145 : i1 to vector<16xi1>
      %masked_cumsum3A_147 = tpu.scan <sum>, %sub3A_141 masked %broadcast_in_dim3A_146 : vector<16xi32>, vector<16xi1> -> vector<16xi32>
      %add3A_148 = arith.addi %add3A_128, %masked_cumsum3A_147 : vector<16xi32>
      %sub3A_149 = arith.constant 1 : i32
      %sub3A_150 = vector.broadcast %sub3A_149 : i32 to vector<16xi32>
      %sub3A_151 = arith.subi %add3A_148, %sub3A_150 : vector<16xi32>
      %shift_left3A_152 = arith.constant 9 : i32
      %shift_left3A_153 = vector.broadcast %shift_left3A_152 : i32 to vector<16xi32>
      %shift_left3A_154 = arith.shli %add3A_85, %shift_left3A_153 : vector<16xi32>
      %and3A_155 = arith.constant 511 : i32
      %and3A_156 = vector.broadcast %and3A_155 : i32 to vector<16xi32>
      %and3A_157 = arith.andi %gather3A_89, %and3A_156 : vector<16xi32>
      %or3A_158 = arith.ori %shift_left3A_154, %and3A_157 : vector<16xi32>
      tpu.vector_store_idx %arg8[%sub3A_151], %or3A_158 masked %eq3A_144 : memref<16384xi32, #tpu.memory_space<vmem>>[vector<16xi32>], vector<16xi32>, vector<16xi1>
      tpu.vector_store_idx %arg7[%sub3A_151], %shift_right_logical3A_131 masked %eq3A_144 : memref<16384xi32, #tpu.memory_space<vmem>>[vector<16xi32>], vector<16xi32>, vector<16xi1>
      %all_reduce_population_count3A_159 = tpu.all_reduce %eq3A_144 {dim = 0 : i64, kind = #tpu.reduction_kind<sum>} : vector<16xi1> -> vector<16xi32>
      %add3A_160 = arith.addi %add3A_128, %all_reduce_population_count3A_159 : vector<16xi32>
      %shift_right_logical3A_161 = arith.constant 9 : i32
      %shift_right_logical3A_162 = vector.broadcast %shift_right_logical3A_161 : i32 to vector<16xi32>
      %shift_right_logical3A_163 = arith.shrui %gather3A_96, %shift_right_logical3A_162 : vector<16xi32>
      %and3A_164 = arith.constant 31 : i32
      %and3A_165 = vector.broadcast %and3A_164 : i32 to vector<16xi32>
      %and3A_166 = arith.andi %shift_right_logical3A_163, %and3A_165 : vector<16xi32>
      %xor3A_167 = arith.xori %and3A_166, %broadcast_in_dim3A_4 : vector<16xi32>
      %min3A_168 = arith.constant 1 : i32
      %min3A_169 = vector.broadcast %min3A_168 : i32 to vector<16xi32>
      %min3A_170 = arith.minsi %xor3A_167, %min3A_169 : vector<16xi32>
      %sub3A_171 = arith.constant 1 : i32
      %sub3A_172 = vector.broadcast %sub3A_171 : i32 to vector<16xi32>
      %sub3A_173 = arith.subi %sub3A_172, %min3A_170 : vector<16xi32>
      %eq3A_174 = arith.constant 0 : i32
      %eq3A_175 = vector.broadcast %eq3A_174 : i32 to vector<16xi32>
      %eq3A_176 = arith.cmpi eq, %xor3A_167, %eq3A_175 : vector<16xi32>
      %broadcast_in_dim3A_177 = arith.constant true
      %broadcast_in_dim3A_178 = vector.broadcast %broadcast_in_dim3A_177 : i1 to vector<16xi1>
      %masked_cumsum3A_179 = tpu.scan <sum>, %sub3A_173 masked %broadcast_in_dim3A_178 : vector<16xi32>, vector<16xi1> -> vector<16xi32>
      %add3A_180 = arith.addi %add3A_160, %masked_cumsum3A_179 : vector<16xi32>
      %sub3A_181 = arith.constant 1 : i32
      %sub3A_182 = vector.broadcast %sub3A_181 : i32 to vector<16xi32>
      %sub3A_183 = arith.subi %add3A_180, %sub3A_182 : vector<16xi32>
      %shift_left3A_184 = arith.constant 9 : i32
      %shift_left3A_185 = vector.broadcast %shift_left3A_184 : i32 to vector<16xi32>
      %shift_left3A_186 = arith.shli %add3A_92, %shift_left3A_185 : vector<16xi32>
      %and3A_187 = arith.constant 511 : i32
      %and3A_188 = vector.broadcast %and3A_187 : i32 to vector<16xi32>
      %and3A_189 = arith.andi %gather3A_96, %and3A_188 : vector<16xi32>
      %or3A_190 = arith.ori %shift_left3A_186, %and3A_189 : vector<16xi32>
      tpu.vector_store_idx %arg8[%sub3A_183], %or3A_190 masked %eq3A_176 : memref<16384xi32, #tpu.memory_space<vmem>>[vector<16xi32>], vector<16xi32>, vector<16xi1>
      tpu.vector_store_idx %arg7[%sub3A_183], %shift_right_logical3A_163 masked %eq3A_176 : memref<16384xi32, #tpu.memory_space<vmem>>[vector<16xi32>], vector<16xi32>, vector<16xi1>
      %all_reduce_population_count3A_191 = tpu.all_reduce %eq3A_176 {dim = 0 : i64, kind = #tpu.reduction_kind<sum>} : vector<16xi1> -> vector<16xi32>
      %add3A_192 = arith.addi %add3A_160, %all_reduce_population_count3A_191 : vector<16xi32>
      %shift_right_logical3A_193 = arith.constant 9 : i32
      %shift_right_logical3A_194 = vector.broadcast %shift_right_logical3A_193 : i32 to vector<16xi32>
      %shift_right_logical3A_195 = arith.shrui %gather3A_103, %shift_right_logical3A_194 : vector<16xi32>
      %and3A_196 = arith.constant 31 : i32
      %and3A_197 = vector.broadcast %and3A_196 : i32 to vector<16xi32>
      %and3A_198 = arith.andi %shift_right_logical3A_195, %and3A_197 : vector<16xi32>
      %xor3A_199 = arith.xori %and3A_198, %broadcast_in_dim3A_4 : vector<16xi32>
      %min3A_200 = arith.constant 1 : i32
      %min3A_201 = vector.broadcast %min3A_200 : i32 to vector<16xi32>
      %min3A_202 = arith.minsi %xor3A_199, %min3A_201 : vector<16xi32>
      %sub3A_203 = arith.constant 1 : i32
      %sub3A_204 = vector.broadcast %sub3A_203 : i32 to vector<16xi32>
      %sub3A_205 = arith.subi %sub3A_204, %min3A_202 : vector<16xi32>
      %eq3A_206 = arith.constant 0 : i32
      %eq3A_207 = vector.broadcast %eq3A_206 : i32 to vector<16xi32>
      %eq3A_208 = arith.cmpi eq, %xor3A_199, %eq3A_207 : vector<16xi32>
      %broadcast_in_dim3A_209 = arith.constant true
      %broadcast_in_dim3A_210 = vector.broadcast %broadcast_in_dim3A_209 : i1 to vector<16xi1>
      %masked_cumsum3A_211 = tpu.scan <sum>, %sub3A_205 masked %broadcast_in_dim3A_210 : vector<16xi32>, vector<16xi1> -> vector<16xi32>
      %add3A_212 = arith.addi %add3A_192, %masked_cumsum3A_211 : vector<16xi32>
      %sub3A_213 = arith.constant 1 : i32
      %sub3A_214 = vector.broadcast %sub3A_213 : i32 to vector<16xi32>
      %sub3A_215 = arith.subi %add3A_212, %sub3A_214 : vector<16xi32>
      %shift_left3A_216 = arith.constant 9 : i32
      %shift_left3A_217 = vector.broadcast %shift_left3A_216 : i32 to vector<16xi32>
      %shift_left3A_218 = arith.shli %add3A_99, %shift_left3A_217 : vector<16xi32>
      %and3A_219 = arith.constant 511 : i32
      %and3A_220 = vector.broadcast %and3A_219 : i32 to vector<16xi32>
      %and3A_221 = arith.andi %gather3A_103, %and3A_220 : vector<16xi32>
      %or3A_222 = arith.ori %shift_left3A_218, %and3A_221 : vector<16xi32>
      tpu.vector_store_idx %arg8[%sub3A_215], %or3A_222 masked %eq3A_208 : memref<16384xi32, #tpu.memory_space<vmem>>[vector<16xi32>], vector<16xi32>, vector<16xi1>
      tpu.vector_store_idx %arg7[%sub3A_215], %shift_right_logical3A_195 masked %eq3A_208 : memref<16384xi32, #tpu.memory_space<vmem>>[vector<16xi32>], vector<16xi32>, vector<16xi1>
      %all_reduce_population_count3A_223 = tpu.all_reduce %eq3A_208 {dim = 0 : i64, kind = #tpu.reduction_kind<sum>} : vector<16xi1> -> vector<16xi32>
      %add3A_224 = arith.addi %add3A_192, %all_reduce_population_count3A_223 : vector<16xi32>
      %add3A_225 = arith.constant 64 : i32
      %add3A_226 = vector.broadcast %add3A_225 : i32 to vector<16xi32>
      %add3A_227 = arith.addi %scan3A_75, %add3A_226 : vector<16xi32>
      scf.yield %add3A_227, %add3A_224 : vector<16xi32>, vector<16xi32>
    }
    %scan3A_34 = arith.constant 256 : i32
    %reduce_max3A = arith.constant true
    %reduce_max3A_35 = vector.broadcast %reduce_max3A : i1 to vector<16xi1>
    %reduce_max3A_36 = arith.constant -2147483648 : i32
    %reduce_max3A_37 = vector.broadcast %reduce_max3A_36 : i32 to vector<16xi32>
    %reduce_max3A_38 = arith.xori %scan3A_33#1, %reduce_max3A_37 : vector<16xi32>
    %reduce_max3A_39 = tpu.scan <max>, %reduce_max3A_38 masked %reduce_max3A_35 : vector<16xi32>, vector<16xi1> -> vector<16xi32>
    %reduce_max3A_40 = arith.xori %reduce_max3A_39, %reduce_max3A_37 : vector<16xi32>
    %reduce_max3A_41 = vector.extract %reduce_max3A_40[15] : i32 from vector<16xi32>
    %broadcast_in_dim3A_42 = vector.broadcast %reduce_max3A_41 : i32 to vector<16xi32>
    %add3A_43 = arith.constant 32 : i32
    %add3A_44 = arith.addi %reduce_max3A_41, %add3A_43 : i32
    %sub3A = arith.constant 1 : i32
    %sub3A_45 = arith.subi %add3A_44, %sub3A : i32
    %jit3A = arith.constant 32 : i32
    %div3A = arith.divsi %sub3A_45, %jit3A : i32
    %sign3A = arith.constant 0 : i32
    %sign3A_46 = arith.cmpi sgt, %sub3A_45, %sign3A : i32
    %sign3A_47 = arith.extui %sign3A_46 : i1 to i32
    %sign3A_48 = arith.constant 0 : i32
    %sign3A_49 = arith.cmpi slt, %sub3A_45, %sign3A_48 : i32
    %sign3A_50 = arith.extui %sign3A_49 : i1 to i32
    %sign3A_51 = arith.subi %sign3A_47, %sign3A_50 : i32
    %sign3A_52 = arith.constant 0 : i32
    %sign3A_53 = arith.cmpi sgt, %jit3A, %sign3A_52 : i32
    %sign3A_54 = arith.extui %sign3A_53 : i1 to i32
    %sign3A_55 = arith.constant 0 : i32
    %sign3A_56 = arith.cmpi slt, %jit3A, %sign3A_55 : i32
    %sign3A_57 = arith.extui %sign3A_56 : i1 to i32
    %sign3A_58 = arith.subi %sign3A_54, %sign3A_57 : i32
    %ne3A = arith.cmpi ne, %sign3A_51, %sign3A_58 : i32
    %rem3A_59 = arith.remsi %sub3A_45, %jit3A : i32
    %ne3A_60 = arith.constant 0 : i32
    %ne3A_61 = arith.cmpi ne, %rem3A_59, %ne3A_60 : i32
    %and3A = arith.andi %ne3A, %ne3A_61 : i1
    %sub3A_62 = arith.constant 1 : i32
    %sub3A_63 = arith.subi %div3A, %sub3A_62 : i32
    %select_n3A = arith.select %and3A, %sub3A_63, %div3A : i32
    %scan3A_64 = arith.constant 0 : i32
    %scan3A_65 = arith.constant 62 : i32
    %scan3A_66 = arith.addi %scan3A_64, %scan3A_65 : i32
    %scan3A_67 = arith.constant 1 : i32
    %scan3A_68:4 = scf.for %scan3A_74 = %scan3A_64 to %scan3A_66 step %scan3A_67 iter_args(%scan3A_75 = %broadcast_in_dim3A_3, %scan3A_76 = %broadcast_in_dim3A_3, %scan3A_77 = %broadcast_in_dim3A_3, %scan3A_78 = %broadcast_in_dim3A_3) -> (vector<16xf32>, vector<16xf32>, vector<16xf32>, vector<16xf32>)  : i32 {
      %mul3A_79 = arith.constant 32 : i32
      %mul3A_80 = arith.muli %mul3A_79, %scan3A_74 : i32
      %add3A_81 = arith.addi %mul3A_80, %add3A : i32
      %rem3A_82 = arith.constant 2 : i32
      %rem3A_83 = arith.remsi %scan3A_74, %rem3A_82 : i32
      %broadcast_in_dim3A_84 = vector.broadcast %rem3A_83 : i32 to vector<16xi32>
      %broadcast_in_dim3A_85 = vector.broadcast %add3A_81 : i32 to vector<16xi32>
      %add3A_86 = arith.constant 1 : i32
      %add3A_87 = arith.addi %scan3A_74, %add3A_86 : i32
      %lt3A = arith.constant 62 : i32
      %lt3A_88 = arith.cmpi slt, %add3A_87, %lt3A : i32
      %convert_element_type3A_89 = arith.extui %lt3A_88 : i1 to i32
      %cond3A_90 = arith.constant 0 : i32
      %cond3A_91 = arith.cmpi ne, %convert_element_type3A_89, %cond3A_90 : i32
      scf.if %cond3A_91 {
        %add3A_169 = arith.constant 1 : i32
        %add3A_170 = arith.addi %scan3A_74, %add3A_169 : i32
        %mul3A_171 = arith.constant 32 : i32
        %mul3A_172 = arith.muli %mul3A_171, %add3A_170 : i32
        %add3A_173 = arith.addi %mul3A_172, %add3A : i32
        %rem3A_174 = arith.constant 2 : i32
        %rem3A_175 = arith.remsi %add3A_170, %rem3A_174 : i32
        %mul3A_176 = arith.constant 512 : i32
        %mul3A_177 = arith.muli %add3A_173, %mul3A_176 : i32
        %multiple_of3A_178 = tpu.assume_multiple %mul3A_177, 512 : i32
        %rem3A_179 = arith.constant 2 : i32
        %rem3A_180 = arith.remsi %add3A_170, %rem3A_179 : i32
        %eq3A_181 = arith.constant 0 : i32
        %eq3A_182 = arith.cmpi eq, %rem3A_180, %eq3A_181 : i32
        %convert_element_type3A_183 = arith.extui %eq3A_182 : i1 to i32
        %cond3A_184 = arith.constant 0 : i32
        %cond3A_185 = arith.cmpi ne, %convert_element_type3A_183, %cond3A_184 : i32
        scf.if %cond3A_185 {
          %le3A = arith.constant 1952 : i32
          %le3A_193 = arith.cmpi sle, %add3A_173, %le3A : i32
          %convert_element_type3A_194 = arith.extui %le3A_193 : i1 to i32
          %cond3A_195 = arith.constant 0 : i32
          %cond3A_196 = arith.cmpi ne, %convert_element_type3A_194, %cond3A_195 : i32
          scf.if %cond3A_196 {
            %dma_start3A = arith.constant 0 : i32
            %dma_start3A_202 = arith.constant 0 : i32
            %dma_start3A_203 = tpu.memref_slice %arg10[%rem3A_175, %dma_start3A, %dma_start3A_202] : memref<2x64x512xf32, #tpu.memory_space<vmem>> -> memref<1x64x512xf32, #tpu.memory_space<vmem>>
            %dma_start3A_204 = tpu.memref_squeeze %dma_start3A_203 : memref<1x64x512xf32, #tpu.memory_space<vmem>> -> memref<64x512xf32, #tpu.memory_space<vmem>>
            %dma_start3A_205 = arith.constant 0 : i32
            %dma_start3A_206 = tpu.memref_slice %arg4[%dma_start3A_205, %multiple_of3A_178] : memref<64x1000000xf32, #tpu.memory_space<hbm>> -> memref<64x512xf32, #tpu.memory_space<hbm>>
            %dma_start3A_207 = arith.constant 0 : i32
            %dma_start3A_208 = arith.constant 0 : i32
            %dma_start3A_209 = tpu.memref_slice %arg10[%rem3A_175, %dma_start3A_207, %dma_start3A_208] : memref<2x64x512xf32, #tpu.memory_space<vmem>> -> memref<1x64x512xf32, #tpu.memory_space<vmem>>
            %dma_start3A_210 = tpu.memref_squeeze %dma_start3A_209 : memref<1x64x512xf32, #tpu.memory_space<vmem>> -> memref<64x512xf32, #tpu.memory_space<vmem>>
            %dma_start3A_211 = arith.constant 0 : i32
            %dma_start3A_212 = tpu.memref_slice %arg4[%dma_start3A_211, %multiple_of3A_178] : memref<64x1000000xf32, #tpu.memory_space<hbm>> -> memref<64x512xf32, #tpu.memory_space<hbm>>
            tpu.enqueue_dma source(%dma_start3A_212 : memref<64x512xf32, #tpu.memory_space<hbm>>) target(%dma_start3A_210 : memref<64x512xf32, #tpu.memory_space<vmem>>) target_semaphore(%arg13 : memref<!tpu.dma_semaphore, #tpu.memory_space<semaphore_mem>>)
          } else {
          }
          %eq3A_197 = arith.constant 1953 : i32
          %eq3A_198 = arith.cmpi eq, %add3A_173, %eq3A_197 : i32
          %convert_element_type3A_199 = arith.extui %eq3A_198 : i1 to i32
          %cond3A_200 = arith.constant 0 : i32
          %cond3A_201 = arith.cmpi ne, %convert_element_type3A_199, %cond3A_200 : i32
          scf.if %cond3A_201 {
            %dma_start3A = arith.constant 0 : i32
            %dma_start3A_202 = arith.constant 0 : i32
            %dma_start3A_203 = tpu.memref_slice %arg10[%rem3A_175, %dma_start3A, %dma_start3A_202] : memref<2x64x512xf32, #tpu.memory_space<vmem>> -> memref<1x64x128xf32, #tpu.memory_space<vmem>>
            %dma_start3A_204 = tpu.memref_squeeze %dma_start3A_203 : memref<1x64x128xf32, #tpu.memory_space<vmem>> -> memref<64x128xf32, #tpu.memory_space<vmem>>
            %dma_start3A_205 = arith.constant 0 : i32
            %dma_start3A_206 = arith.constant 0 : i32
            %dma_start3A_207 = tpu.memref_slice %arg10[%rem3A_175, %dma_start3A_205, %dma_start3A_206] : memref<2x64x512xf32, #tpu.memory_space<vmem>> -> memref<1x64x128xf32, #tpu.memory_space<vmem>>
            %dma_start3A_208 = tpu.memref_squeeze %dma_start3A_207 : memref<1x64x128xf32, #tpu.memory_space<vmem>> -> memref<64x128xf32, #tpu.memory_space<vmem>>
            tpu.enqueue_dma source(%arg5 : memref<64x128xf32, #tpu.memory_space<hbm>>) target(%dma_start3A_208 : memref<64x128xf32, #tpu.memory_space<vmem>>) target_semaphore(%arg13 : memref<!tpu.dma_semaphore, #tpu.memory_space<semaphore_mem>>)
          } else {
          }
        } else {
        }
        %rem3A_186 = arith.constant 2 : i32
        %rem3A_187 = arith.remsi %add3A_170, %rem3A_186 : i32
        %eq3A_188 = arith.constant 1 : i32
        %eq3A_189 = arith.cmpi eq, %rem3A_187, %eq3A_188 : i32
        %convert_element_type3A_190 = arith.extui %eq3A_189 : i1 to i32
        %cond3A_191 = arith.constant 0 : i32
        %cond3A_192 = arith.cmpi ne, %convert_element_type3A_190, %cond3A_191 : i32
        scf.if %cond3A_192 {
          %le3A = arith.constant 1952 : i32
          %le3A_193 = arith.cmpi sle, %add3A_173, %le3A : i32
          %convert_element_type3A_194 = arith.extui %le3A_193 : i1 to i32
          %cond3A_195 = arith.constant 0 : i32
          %cond3A_196 = arith.cmpi ne, %convert_element_type3A_194, %cond3A_195 : i32
          scf.if %cond3A_196 {
            %dma_start3A = arith.constant 0 : i32
            %dma_start3A_202 = arith.constant 0 : i32
            %dma_start3A_203 = tpu.memref_slice %arg10[%rem3A_175, %dma_start3A, %dma_start3A_202] : memref<2x64x512xf32, #tpu.memory_space<vmem>> -> memref<1x64x512xf32, #tpu.memory_space<vmem>>
            %dma_start3A_204 = tpu.memref_squeeze %dma_start3A_203 : memref<1x64x512xf32, #tpu.memory_space<vmem>> -> memref<64x512xf32, #tpu.memory_space<vmem>>
            %dma_start3A_205 = arith.constant 0 : i32
            %dma_start3A_206 = tpu.memref_slice %arg4[%dma_start3A_205, %multiple_of3A_178] : memref<64x1000000xf32, #tpu.memory_space<hbm>> -> memref<64x512xf32, #tpu.memory_space<hbm>>
            %dma_start3A_207 = arith.constant 0 : i32
            %dma_start3A_208 = arith.constant 0 : i32
            %dma_start3A_209 = tpu.memref_slice %arg10[%rem3A_175, %dma_start3A_207, %dma_start3A_208] : memref<2x64x512xf32, #tpu.memory_space<vmem>> -> memref<1x64x512xf32, #tpu.memory_space<vmem>>
            %dma_start3A_210 = tpu.memref_squeeze %dma_start3A_209 : memref<1x64x512xf32, #tpu.memory_space<vmem>> -> memref<64x512xf32, #tpu.memory_space<vmem>>
            %dma_start3A_211 = arith.constant 0 : i32
            %dma_start3A_212 = tpu.memref_slice %arg4[%dma_start3A_211, %multiple_of3A_178] : memref<64x1000000xf32, #tpu.memory_space<hbm>> -> memref<64x512xf32, #tpu.memory_space<hbm>>
            tpu.enqueue_dma source(%dma_start3A_212 : memref<64x512xf32, #tpu.memory_space<hbm>>) target(%dma_start3A_210 : memref<64x512xf32, #tpu.memory_space<vmem>>) target_semaphore(%arg14 : memref<!tpu.dma_semaphore, #tpu.memory_space<semaphore_mem>>)
          } else {
          }
          %eq3A_197 = arith.constant 1953 : i32
          %eq3A_198 = arith.cmpi eq, %add3A_173, %eq3A_197 : i32
          %convert_element_type3A_199 = arith.extui %eq3A_198 : i1 to i32
          %cond3A_200 = arith.constant 0 : i32
          %cond3A_201 = arith.cmpi ne, %convert_element_type3A_199, %cond3A_200 : i32
          scf.if %cond3A_201 {
            %dma_start3A = arith.constant 0 : i32
            %dma_start3A_202 = arith.constant 0 : i32
            %dma_start3A_203 = tpu.memref_slice %arg10[%rem3A_175, %dma_start3A, %dma_start3A_202] : memref<2x64x512xf32, #tpu.memory_space<vmem>> -> memref<1x64x128xf32, #tpu.memory_space<vmem>>
            %dma_start3A_204 = tpu.memref_squeeze %dma_start3A_203 : memref<1x64x128xf32, #tpu.memory_space<vmem>> -> memref<64x128xf32, #tpu.memory_space<vmem>>
            %dma_start3A_205 = arith.constant 0 : i32
            %dma_start3A_206 = arith.constant 0 : i32
            %dma_start3A_207 = tpu.memref_slice %arg10[%rem3A_175, %dma_start3A_205, %dma_start3A_206] : memref<2x64x512xf32, #tpu.memory_space<vmem>> -> memref<1x64x128xf32, #tpu.memory_space<vmem>>
            %dma_start3A_208 = tpu.memref_squeeze %dma_start3A_207 : memref<1x64x128xf32, #tpu.memory_space<vmem>> -> memref<64x128xf32, #tpu.memory_space<vmem>>
            tpu.enqueue_dma source(%arg5 : memref<64x128xf32, #tpu.memory_space<hbm>>) target(%dma_start3A_208 : memref<64x128xf32, #tpu.memory_space<vmem>>) target_semaphore(%arg14 : memref<!tpu.dma_semaphore, #tpu.memory_space<semaphore_mem>>)
          } else {
          }
        } else {
        }
      } else {
      }
      %mul3A_92 = arith.constant 32 : i32
      %mul3A_93 = arith.muli %mul3A_92, %scan3A_74 : i32
      %add3A_94 = arith.addi %mul3A_93, %add3A : i32
      %rem3A_95 = arith.constant 2 : i32
      %rem3A_96 = arith.remsi %scan3A_74, %rem3A_95 : i32
      %rem3A_97 = arith.constant 2 : i32
      %rem3A_98 = arith.remsi %scan3A_74, %rem3A_97 : i32
      %eq3A_99 = arith.constant 0 : i32
      %eq3A_100 = arith.cmpi eq, %rem3A_98, %eq3A_99 : i32
      %convert_element_type3A_101 = arith.extui %eq3A_100 : i1 to i32
      %cond3A_102 = arith.constant 0 : i32
      %cond3A_103 = arith.cmpi ne, %convert_element_type3A_101, %cond3A_102 : i32
      scf.if %cond3A_103 {
        %le3A = arith.constant 1952 : i32
        %le3A_169 = arith.cmpi sle, %add3A_94, %le3A : i32
        %convert_element_type3A_170 = arith.extui %le3A_169 : i1 to i32
        %cond3A_171 = arith.constant 0 : i32
        %cond3A_172 = arith.cmpi ne, %convert_element_type3A_170, %cond3A_171 : i32
        scf.if %cond3A_172 {
          %dma_wait3A = arith.constant 0 : i32
          %dma_wait3A_178 = arith.constant 0 : i32
          %dma_wait3A_179 = tpu.memref_slice %arg10[%rem3A_96, %dma_wait3A, %dma_wait3A_178] : memref<2x64x512xf32, #tpu.memory_space<vmem>> -> memref<1x64x512xf32, #tpu.memory_space<vmem>>
          %dma_wait3A_180 = tpu.memref_squeeze %dma_wait3A_179 : memref<1x64x512xf32, #tpu.memory_space<vmem>> -> memref<64x512xf32, #tpu.memory_space<vmem>>
          %dma_wait3A_181 = arith.constant 0 : i32
          %dma_wait3A_182 = arith.constant 0 : i32
          %dma_wait3A_183 = tpu.memref_slice %arg4[%dma_wait3A_181, %dma_wait3A_182] : memref<64x1000000xf32, #tpu.memory_space<hbm>> -> memref<64x512xf32, #tpu.memory_space<hbm>>
          %dma_wait3A_184 = arith.constant 0 : i32
          %dma_wait3A_185 = arith.constant 0 : i32
          %dma_wait3A_186 = tpu.memref_slice %arg10[%rem3A_96, %dma_wait3A_184, %dma_wait3A_185] : memref<2x64x512xf32, #tpu.memory_space<vmem>> -> memref<1x64x512xf32, #tpu.memory_space<vmem>>
          %dma_wait3A_187 = tpu.memref_squeeze %dma_wait3A_186 : memref<1x64x512xf32, #tpu.memory_space<vmem>> -> memref<64x512xf32, #tpu.memory_space<vmem>>
          %dma_wait3A_188 = arith.constant 0 : i32
          %dma_wait3A_189 = arith.constant 0 : i32
          %dma_wait3A_190 = tpu.memref_slice %arg4[%dma_wait3A_188, %dma_wait3A_189] : memref<64x1000000xf32, #tpu.memory_space<hbm>> -> memref<64x512xf32, #tpu.memory_space<hbm>>
          tpu.wait_dma2 semaphore(%arg13 : memref<!tpu.dma_semaphore, #tpu.memory_space<semaphore_mem>>) src(%dma_wait3A_190 : memref<64x512xf32, #tpu.memory_space<hbm>>) dst(%dma_wait3A_187 : memref<64x512xf32, #tpu.memory_space<vmem>>)
        } else {
        }
        %eq3A_173 = arith.constant 1953 : i32
        %eq3A_174 = arith.cmpi eq, %add3A_94, %eq3A_173 : i32
        %convert_element_type3A_175 = arith.extui %eq3A_174 : i1 to i32
        %cond3A_176 = arith.constant 0 : i32
        %cond3A_177 = arith.cmpi ne, %convert_element_type3A_175, %cond3A_176 : i32
        scf.if %cond3A_177 {
          %dma_wait3A = arith.constant 0 : i32
          %dma_wait3A_178 = arith.constant 0 : i32
          %dma_wait3A_179 = tpu.memref_slice %arg10[%rem3A_96, %dma_wait3A, %dma_wait3A_178] : memref<2x64x512xf32, #tpu.memory_space<vmem>> -> memref<1x64x128xf32, #tpu.memory_space<vmem>>
          %dma_wait3A_180 = tpu.memref_squeeze %dma_wait3A_179 : memref<1x64x128xf32, #tpu.memory_space<vmem>> -> memref<64x128xf32, #tpu.memory_space<vmem>>
          %dma_wait3A_181 = arith.constant 0 : i32
          %dma_wait3A_182 = arith.constant 0 : i32
          %dma_wait3A_183 = tpu.memref_slice %arg10[%rem3A_96, %dma_wait3A_181, %dma_wait3A_182] : memref<2x64x512xf32, #tpu.memory_space<vmem>> -> memref<1x64x128xf32, #tpu.memory_space<vmem>>
          %dma_wait3A_184 = tpu.memref_squeeze %dma_wait3A_183 : memref<1x64x128xf32, #tpu.memory_space<vmem>> -> memref<64x128xf32, #tpu.memory_space<vmem>>
          tpu.wait_dma2 semaphore(%arg13 : memref<!tpu.dma_semaphore, #tpu.memory_space<semaphore_mem>>) src(%arg5 : memref<64x128xf32, #tpu.memory_space<hbm>>) dst(%dma_wait3A_184 : memref<64x128xf32, #tpu.memory_space<vmem>>)
        } else {
        }
      } else {
      }
      %rem3A_104 = arith.constant 2 : i32
      %rem3A_105 = arith.remsi %scan3A_74, %rem3A_104 : i32
      %eq3A_106 = arith.constant 1 : i32
      %eq3A_107 = arith.cmpi eq, %rem3A_105, %eq3A_106 : i32
      %convert_element_type3A_108 = arith.extui %eq3A_107 : i1 to i32
      %cond3A_109 = arith.constant 0 : i32
      %cond3A_110 = arith.cmpi ne, %convert_element_type3A_108, %cond3A_109 : i32
      scf.if %cond3A_110 {
        %le3A = arith.constant 1952 : i32
        %le3A_169 = arith.cmpi sle, %add3A_94, %le3A : i32
        %convert_element_type3A_170 = arith.extui %le3A_169 : i1 to i32
        %cond3A_171 = arith.constant 0 : i32
        %cond3A_172 = arith.cmpi ne, %convert_element_type3A_170, %cond3A_171 : i32
        scf.if %cond3A_172 {
          %dma_wait3A = arith.constant 0 : i32
          %dma_wait3A_178 = arith.constant 0 : i32
          %dma_wait3A_179 = tpu.memref_slice %arg10[%rem3A_96, %dma_wait3A, %dma_wait3A_178] : memref<2x64x512xf32, #tpu.memory_space<vmem>> -> memref<1x64x512xf32, #tpu.memory_space<vmem>>
          %dma_wait3A_180 = tpu.memref_squeeze %dma_wait3A_179 : memref<1x64x512xf32, #tpu.memory_space<vmem>> -> memref<64x512xf32, #tpu.memory_space<vmem>>
          %dma_wait3A_181 = arith.constant 0 : i32
          %dma_wait3A_182 = arith.constant 0 : i32
          %dma_wait3A_183 = tpu.memref_slice %arg4[%dma_wait3A_181, %dma_wait3A_182] : memref<64x1000000xf32, #tpu.memory_space<hbm>> -> memref<64x512xf32, #tpu.memory_space<hbm>>
          %dma_wait3A_184 = arith.constant 0 : i32
          %dma_wait3A_185 = arith.constant 0 : i32
          %dma_wait3A_186 = tpu.memref_slice %arg10[%rem3A_96, %dma_wait3A_184, %dma_wait3A_185] : memref<2x64x512xf32, #tpu.memory_space<vmem>> -> memref<1x64x512xf32, #tpu.memory_space<vmem>>
          %dma_wait3A_187 = tpu.memref_squeeze %dma_wait3A_186 : memref<1x64x512xf32, #tpu.memory_space<vmem>> -> memref<64x512xf32, #tpu.memory_space<vmem>>
          %dma_wait3A_188 = arith.constant 0 : i32
          %dma_wait3A_189 = arith.constant 0 : i32
          %dma_wait3A_190 = tpu.memref_slice %arg4[%dma_wait3A_188, %dma_wait3A_189] : memref<64x1000000xf32, #tpu.memory_space<hbm>> -> memref<64x512xf32, #tpu.memory_space<hbm>>
          tpu.wait_dma2 semaphore(%arg14 : memref<!tpu.dma_semaphore, #tpu.memory_space<semaphore_mem>>) src(%dma_wait3A_190 : memref<64x512xf32, #tpu.memory_space<hbm>>) dst(%dma_wait3A_187 : memref<64x512xf32, #tpu.memory_space<vmem>>)
        } else {
        }
        %eq3A_173 = arith.constant 1953 : i32
        %eq3A_174 = arith.cmpi eq, %add3A_94, %eq3A_173 : i32
        %convert_element_type3A_175 = arith.extui %eq3A_174 : i1 to i32
        %cond3A_176 = arith.constant 0 : i32
        %cond3A_177 = arith.cmpi ne, %convert_element_type3A_175, %cond3A_176 : i32
        scf.if %cond3A_177 {
          %dma_wait3A = arith.constant 0 : i32
          %dma_wait3A_178 = arith.constant 0 : i32
          %dma_wait3A_179 = tpu.memref_slice %arg10[%rem3A_96, %dma_wait3A, %dma_wait3A_178] : memref<2x64x512xf32, #tpu.memory_space<vmem>> -> memref<1x64x128xf32, #tpu.memory_space<vmem>>
          %dma_wait3A_180 = tpu.memref_squeeze %dma_wait3A_179 : memref<1x64x128xf32, #tpu.memory_space<vmem>> -> memref<64x128xf32, #tpu.memory_space<vmem>>
          %dma_wait3A_181 = arith.constant 0 : i32
          %dma_wait3A_182 = arith.constant 0 : i32
          %dma_wait3A_183 = tpu.memref_slice %arg10[%rem3A_96, %dma_wait3A_181, %dma_wait3A_182] : memref<2x64x512xf32, #tpu.memory_space<vmem>> -> memref<1x64x128xf32, #tpu.memory_space<vmem>>
          %dma_wait3A_184 = tpu.memref_squeeze %dma_wait3A_183 : memref<1x64x128xf32, #tpu.memory_space<vmem>> -> memref<64x128xf32, #tpu.memory_space<vmem>>
          tpu.wait_dma2 semaphore(%arg14 : memref<!tpu.dma_semaphore, #tpu.memory_space<semaphore_mem>>) src(%arg5 : memref<64x128xf32, #tpu.memory_space<hbm>>) dst(%dma_wait3A_184 : memref<64x128xf32, #tpu.memory_space<vmem>>)
        } else {
        }
      } else {
      }
      %while3A = arith.constant 0 : i32
      %while3A_111 = arith.subi %select_n3A, %while3A : i32
      %while3A_112 = arith.addi %while3A, %while3A_111 : i32
      %while3A_113 = arith.constant 1 : i32
      %while3A_114 = arith.divsi %while3A_111, %while3A_113 : i32
      %while3A_115 = arith.muli %while3A_114, %while3A_113 : i32
      %while3A_116 = arith.addi %while3A, %while3A_115 : i32
      %while3A_117 = arith.constant 1 : i32
      %while3A_118:2 = scf.for %while3A_169 = %while3A to %while3A_116 step %while3A_117 iter_args(%while3A_170 = %broadcast_in_dim3A_1, %while3A_171 = %iota3A) -> (vector<16xi32>, vector<16xi32>)  : i32 {
        %add3A_172 = arith.constant 0 : i32
        %add3A_173 = vector.broadcast %add3A_172 : i32 to vector<16xi32>
        %add3A_174 = arith.addi %while3A_171, %add3A_173 : vector<16xi32>
        %gather3A = tpu.vector_load_idx %arg7[%add3A_174] : memref<16384xi32, #tpu.memory_space<vmem>>[vector<16xi32>], vector<16xi32>,
        %gather3A_175 = tpu.vector_load_idx %arg8[%add3A_174] : memref<16384xi32, #tpu.memory_space<vmem>>[vector<16xi32>], vector<16xi32>,
        %add3A_176 = arith.constant 16 : i32
        %add3A_177 = vector.broadcast %add3A_176 : i32 to vector<16xi32>
        %add3A_178 = arith.addi %while3A_171, %add3A_177 : vector<16xi32>
        %gather3A_179 = tpu.vector_load_idx %arg7[%add3A_178] : memref<16384xi32, #tpu.memory_space<vmem>>[vector<16xi32>], vector<16xi32>,
        %gather3A_180 = tpu.vector_load_idx %arg8[%add3A_178] : memref<16384xi32, #tpu.memory_space<vmem>>[vector<16xi32>], vector<16xi32>,
        %sub3A_181 = arith.subi %broadcast_in_dim3A_42, %add3A_174 : vector<16xi32>
        %max3A = arith.constant 0 : i32
        %max3A_182 = vector.broadcast %max3A : i32 to vector<16xi32>
        %max3A_183 = arith.maxsi %sub3A_181, %max3A_182 : vector<16xi32>
        %min3A = arith.constant 1 : i32
        %min3A_184 = vector.broadcast %min3A : i32 to vector<16xi32>
        %min3A_185 = arith.minsi %max3A_183, %min3A_184 : vector<16xi32>
        %xor3A = arith.xori %gather3A, %broadcast_in_dim3A_85 : vector<16xi32>
        %min3A_186 = arith.constant 1 : i32
        %min3A_187 = vector.broadcast %min3A_186 : i32 to vector<16xi32>
        %min3A_188 = arith.minsi %xor3A, %min3A_187 : vector<16xi32>
        %sub3A_189 = arith.constant 1 : i32
        %sub3A_190 = vector.broadcast %sub3A_189 : i32 to vector<16xi32>
        %sub3A_191 = arith.subi %sub3A_190, %min3A_188 : vector<16xi32>
        %mul3A_192 = arith.muli %sub3A_191, %min3A_185 : vector<16xi32>
        %eq3A_193 = arith.constant 1 : i32
        %eq3A_194 = vector.broadcast %eq3A_193 : i32 to vector<16xi32>
        %eq3A_195 = arith.cmpi eq, %mul3A_192, %eq3A_194 : vector<16xi32>
        %broadcast_in_dim3A_196 = arith.constant true
        %broadcast_in_dim3A_197 = vector.broadcast %broadcast_in_dim3A_196 : i1 to vector<16xi1>
        %masked_cumsum3A = tpu.scan <sum>, %mul3A_192 masked %broadcast_in_dim3A_197 : vector<16xi32>, vector<16xi1> -> vector<16xi32>
        %add3A_198 = arith.addi %while3A_170, %masked_cumsum3A : vector<16xi32>
        %sub3A_199 = arith.constant 1 : i32
        %sub3A_200 = vector.broadcast %sub3A_199 : i32 to vector<16xi32>
        %sub3A_201 = arith.subi %add3A_198, %sub3A_200 : vector<16xi32>
        tpu.vector_store_idx %arg9[%sub3A_201], %gather3A_175 masked %eq3A_195 : memref<16384xi32, #tpu.memory_space<vmem>>[vector<16xi32>], vector<16xi32>, vector<16xi1>
        %all_reduce_population_count3A = tpu.all_reduce %eq3A_195 {dim = 0 : i64, kind = #tpu.reduction_kind<sum>} : vector<16xi1> -> vector<16xi32>
        %add3A_202 = arith.addi %while3A_170, %all_reduce_population_count3A : vector<16xi32>
        %sub3A_203 = arith.subi %broadcast_in_dim3A_42, %add3A_178 : vector<16xi32>
        %max3A_204 = arith.constant 0 : i32
        %max3A_205 = vector.broadcast %max3A_204 : i32 to vector<16xi32>
        %max3A_206 = arith.maxsi %sub3A_203, %max3A_205 : vector<16xi32>
        %min3A_207 = arith.constant 1 : i32
        %min3A_208 = vector.broadcast %min3A_207 : i32 to vector<16xi32>
        %min3A_209 = arith.minsi %max3A_206, %min3A_208 : vector<16xi32>
        %xor3A_210 = arith.xori %gather3A_179, %broadcast_in_dim3A_85 : vector<16xi32>
        %min3A_211 = arith.constant 1 : i32
        %min3A_212 = vector.broadcast %min3A_211 : i32 to vector<16xi32>
        %min3A_213 = arith.minsi %xor3A_210, %min3A_212 : vector<16xi32>
        %sub3A_214 = arith.constant 1 : i32
        %sub3A_215 = vector.broadcast %sub3A_214 : i32 to vector<16xi32>
        %sub3A_216 = arith.subi %sub3A_215, %min3A_213 : vector<16xi32>
        %mul3A_217 = arith.muli %sub3A_216, %min3A_209 : vector<16xi32>
        %eq3A_218 = arith.constant 1 : i32
        %eq3A_219 = vector.broadcast %eq3A_218 : i32 to vector<16xi32>
        %eq3A_220 = arith.cmpi eq, %mul3A_217, %eq3A_219 : vector<16xi32>
        %broadcast_in_dim3A_221 = arith.constant true
        %broadcast_in_dim3A_222 = vector.broadcast %broadcast_in_dim3A_221 : i1 to vector<16xi1>
        %masked_cumsum3A_223 = tpu.scan <sum>, %mul3A_217 masked %broadcast_in_dim3A_222 : vector<16xi32>, vector<16xi1> -> vector<16xi32>
        %add3A_224 = arith.addi %add3A_202, %masked_cumsum3A_223 : vector<16xi32>
        %sub3A_225 = arith.constant 1 : i32
        %sub3A_226 = vector.broadcast %sub3A_225 : i32 to vector<16xi32>
        %sub3A_227 = arith.subi %add3A_224, %sub3A_226 : vector<16xi32>
        tpu.vector_store_idx %arg9[%sub3A_227], %gather3A_180 masked %eq3A_220 : memref<16384xi32, #tpu.memory_space<vmem>>[vector<16xi32>], vector<16xi32>, vector<16xi1>
        %all_reduce_population_count3A_228 = tpu.all_reduce %eq3A_220 {dim = 0 : i64, kind = #tpu.reduction_kind<sum>} : vector<16xi1> -> vector<16xi32>
        %add3A_229 = arith.addi %add3A_202, %all_reduce_population_count3A_228 : vector<16xi32>
        %add3A_230 = arith.constant 32 : i32
        %add3A_231 = vector.broadcast %add3A_230 : i32 to vector<16xi32>
        %add3A_232 = arith.addi %while3A_171, %add3A_231 : vector<16xi32>
        scf.yield %add3A_229, %add3A_232 : vector<16xi32>, vector<16xi32>
      }
      %while3A_119 = arith.constant 1 : i32
      %while3A_120:2 = scf.for %while3A_169 = %while3A_116 to %while3A_112 step %while3A_119 iter_args(%while3A_170 = %while3A_118#0, %while3A_171 = %while3A_118#1) -> (vector<16xi32>, vector<16xi32>)  : i32 {
        %add3A_172 = arith.constant 0 : i32
        %add3A_173 = vector.broadcast %add3A_172 : i32 to vector<16xi32>
        %add3A_174 = arith.addi %while3A_171, %add3A_173 : vector<16xi32>
        %gather3A = tpu.vector_load_idx %arg7[%add3A_174] : memref<16384xi32, #tpu.memory_space<vmem>>[vector<16xi32>], vector<16xi32>,
        %gather3A_175 = tpu.vector_load_idx %arg8[%add3A_174] : memref<16384xi32, #tpu.memory_space<vmem>>[vector<16xi32>], vector<16xi32>,
        %add3A_176 = arith.constant 16 : i32
        %add3A_177 = vector.broadcast %add3A_176 : i32 to vector<16xi32>
        %add3A_178 = arith.addi %while3A_171, %add3A_177 : vector<16xi32>
        %gather3A_179 = tpu.vector_load_idx %arg7[%add3A_178] : memref<16384xi32, #tpu.memory_space<vmem>>[vector<16xi32>], vector<16xi32>,
        %gather3A_180 = tpu.vector_load_idx %arg8[%add3A_178] : memref<16384xi32, #tpu.memory_space<vmem>>[vector<16xi32>], vector<16xi32>,
        %sub3A_181 = arith.subi %broadcast_in_dim3A_42, %add3A_174 : vector<16xi32>
        %max3A = arith.constant 0 : i32
        %max3A_182 = vector.broadcast %max3A : i32 to vector<16xi32>
        %max3A_183 = arith.maxsi %sub3A_181, %max3A_182 : vector<16xi32>
        %min3A = arith.constant 1 : i32
        %min3A_184 = vector.broadcast %min3A : i32 to vector<16xi32>
        %min3A_185 = arith.minsi %max3A_183, %min3A_184 : vector<16xi32>
        %xor3A = arith.xori %gather3A, %broadcast_in_dim3A_85 : vector<16xi32>
        %min3A_186 = arith.constant 1 : i32
        %min3A_187 = vector.broadcast %min3A_186 : i32 to vector<16xi32>
        %min3A_188 = arith.minsi %xor3A, %min3A_187 : vector<16xi32>
        %sub3A_189 = arith.constant 1 : i32
        %sub3A_190 = vector.broadcast %sub3A_189 : i32 to vector<16xi32>
        %sub3A_191 = arith.subi %sub3A_190, %min3A_188 : vector<16xi32>
        %mul3A_192 = arith.muli %sub3A_191, %min3A_185 : vector<16xi32>
        %eq3A_193 = arith.constant 1 : i32
        %eq3A_194 = vector.broadcast %eq3A_193 : i32 to vector<16xi32>
        %eq3A_195 = arith.cmpi eq, %mul3A_192, %eq3A_194 : vector<16xi32>
        %broadcast_in_dim3A_196 = arith.constant true
        %broadcast_in_dim3A_197 = vector.broadcast %broadcast_in_dim3A_196 : i1 to vector<16xi1>
        %masked_cumsum3A = tpu.scan <sum>, %mul3A_192 masked %broadcast_in_dim3A_197 : vector<16xi32>, vector<16xi1> -> vector<16xi32>
        %add3A_198 = arith.addi %while3A_170, %masked_cumsum3A : vector<16xi32>
        %sub3A_199 = arith.constant 1 : i32
        %sub3A_200 = vector.broadcast %sub3A_199 : i32 to vector<16xi32>
        %sub3A_201 = arith.subi %add3A_198, %sub3A_200 : vector<16xi32>
        tpu.vector_store_idx %arg9[%sub3A_201], %gather3A_175 masked %eq3A_195 : memref<16384xi32, #tpu.memory_space<vmem>>[vector<16xi32>], vector<16xi32>, vector<16xi1>
        %all_reduce_population_count3A = tpu.all_reduce %eq3A_195 {dim = 0 : i64, kind = #tpu.reduction_kind<sum>} : vector<16xi1> -> vector<16xi32>
        %add3A_202 = arith.addi %while3A_170, %all_reduce_population_count3A : vector<16xi32>
        %sub3A_203 = arith.subi %broadcast_in_dim3A_42, %add3A_178 : vector<16xi32>
        %max3A_204 = arith.constant 0 : i32
        %max3A_205 = vector.broadcast %max3A_204 : i32 to vector<16xi32>
        %max3A_206 = arith.maxsi %sub3A_203, %max3A_205 : vector<16xi32>
        %min3A_207 = arith.constant 1 : i32
        %min3A_208 = vector.broadcast %min3A_207 : i32 to vector<16xi32>
        %min3A_209 = arith.minsi %max3A_206, %min3A_208 : vector<16xi32>
        %xor3A_210 = arith.xori %gather3A_179, %broadcast_in_dim3A_85 : vector<16xi32>
        %min3A_211 = arith.constant 1 : i32
        %min3A_212 = vector.broadcast %min3A_211 : i32 to vector<16xi32>
        %min3A_213 = arith.minsi %xor3A_210, %min3A_212 : vector<16xi32>
        %sub3A_214 = arith.constant 1 : i32
        %sub3A_215 = vector.broadcast %sub3A_214 : i32 to vector<16xi32>
        %sub3A_216 = arith.subi %sub3A_215, %min3A_213 : vector<16xi32>
        %mul3A_217 = arith.muli %sub3A_216, %min3A_209 : vector<16xi32>
        %eq3A_218 = arith.constant 1 : i32
        %eq3A_219 = vector.broadcast %eq3A_218 : i32 to vector<16xi32>
        %eq3A_220 = arith.cmpi eq, %mul3A_217, %eq3A_219 : vector<16xi32>
        %broadcast_in_dim3A_221 = arith.constant true
        %broadcast_in_dim3A_222 = vector.broadcast %broadcast_in_dim3A_221 : i1 to vector<16xi1>
        %masked_cumsum3A_223 = tpu.scan <sum>, %mul3A_217 masked %broadcast_in_dim3A_222 : vector<16xi32>, vector<16xi1> -> vector<16xi32>
        %add3A_224 = arith.addi %add3A_202, %masked_cumsum3A_223 : vector<16xi32>
        %sub3A_225 = arith.constant 1 : i32
        %sub3A_226 = vector.broadcast %sub3A_225 : i32 to vector<16xi32>
        %sub3A_227 = arith.subi %add3A_224, %sub3A_226 : vector<16xi32>
        tpu.vector_store_idx %arg9[%sub3A_227], %gather3A_180 masked %eq3A_220 : memref<16384xi32, #tpu.memory_space<vmem>>[vector<16xi32>], vector<16xi32>, vector<16xi1>
        %all_reduce_population_count3A_228 = tpu.all_reduce %eq3A_220 {dim = 0 : i64, kind = #tpu.reduction_kind<sum>} : vector<16xi1> -> vector<16xi32>
        %add3A_229 = arith.addi %add3A_202, %all_reduce_population_count3A_228 : vector<16xi32>
        %add3A_230 = arith.constant 32 : i32
        %add3A_231 = vector.broadcast %add3A_230 : i32 to vector<16xi32>
        %add3A_232 = arith.addi %while3A_171, %add3A_231 : vector<16xi32>
        scf.yield %add3A_229, %add3A_232 : vector<16xi32>, vector<16xi32>
      }
      %reduce_max3A_121 = arith.constant true
      %reduce_max3A_122 = vector.broadcast %reduce_max3A_121 : i1 to vector<16xi1>
      %reduce_max3A_123 = arith.constant -2147483648 : i32
      %reduce_max3A_124 = vector.broadcast %reduce_max3A_123 : i32 to vector<16xi32>
      %reduce_max3A_125 = arith.xori %while3A_120#0, %reduce_max3A_124 : vector<16xi32>
      %reduce_max3A_126 = tpu.scan <max>, %reduce_max3A_125 masked %reduce_max3A_122 : vector<16xi32>, vector<16xi1> -> vector<16xi32>
      %reduce_max3A_127 = arith.xori %reduce_max3A_126, %reduce_max3A_124 : vector<16xi32>
      %reduce_max3A_128 = vector.extract %reduce_max3A_127[15] : i32 from vector<16xi32>
      %broadcast_in_dim3A_129 = vector.broadcast %reduce_max3A_128 : i32 to vector<16xi32>
      %add3A_130 = arith.constant 16 : i32
      %add3A_131 = arith.addi %reduce_max3A_128, %add3A_130 : i32
      %sub3A_132 = arith.constant 1 : i32
      %sub3A_133 = arith.subi %add3A_131, %sub3A_132 : i32
      %jit3A_134 = arith.constant 16 : i32
      %div3A_135 = arith.divsi %sub3A_133, %jit3A_134 : i32
      %sign3A_136 = arith.constant 0 : i32
      %sign3A_137 = arith.cmpi sgt, %sub3A_133, %sign3A_136 : i32
      %sign3A_138 = arith.extui %sign3A_137 : i1 to i32
      %sign3A_139 = arith.constant 0 : i32
      %sign3A_140 = arith.cmpi slt, %sub3A_133, %sign3A_139 : i32
      %sign3A_141 = arith.extui %sign3A_140 : i1 to i32
      %sign3A_142 = arith.subi %sign3A_138, %sign3A_141 : i32
      %sign3A_143 = arith.constant 0 : i32
      %sign3A_144 = arith.cmpi sgt, %jit3A_134, %sign3A_143 : i32
      %sign3A_145 = arith.extui %sign3A_144 : i1 to i32
      %sign3A_146 = arith.constant 0 : i32
      %sign3A_147 = arith.cmpi slt, %jit3A_134, %sign3A_146 : i32
      %sign3A_148 = arith.extui %sign3A_147 : i1 to i32
      %sign3A_149 = arith.subi %sign3A_145, %sign3A_148 : i32
      %ne3A_150 = arith.cmpi ne, %sign3A_142, %sign3A_149 : i32
      %rem3A_151 = arith.remsi %sub3A_133, %jit3A_134 : i32
      %ne3A_152 = arith.constant 0 : i32
      %ne3A_153 = arith.cmpi ne, %rem3A_151, %ne3A_152 : i32
      %and3A_154 = arith.andi %ne3A_150, %ne3A_153 : i1
      %sub3A_155 = arith.constant 1 : i32
      %sub3A_156 = arith.subi %div3A_135, %sub3A_155 : i32
      %select_n3A_157 = arith.select %and3A_154, %sub3A_156, %div3A_135 : i32
      %while3A_158 = arith.constant 0 : i32
      %while3A_159 = arith.subi %select_n3A_157, %while3A_158 : i32
      %while3A_160 = arith.addi %while3A_158, %while3A_159 : i32
      %while3A_161 = arith.constant 1 : i32
      %while3A_162 = arith.divsi %while3A_159, %while3A_161 : i32
      %while3A_163 = arith.muli %while3A_162, %while3A_161 : i32
      %while3A_164 = arith.addi %while3A_158, %while3A_163 : i32
      %while3A_165 = arith.constant 1 : i32
      %while3A_166:4 = scf.for %while3A_169 = %while3A_158 to %while3A_164 step %while3A_165 iter_args(%while3A_170 = %scan3A_75, %while3A_171 = %scan3A_76, %while3A_172 = %scan3A_77, %while3A_173 = %scan3A_78) -> (vector<16xf32>, vector<16xf32>, vector<16xf32>, vector<16xf32>)  : i32 {
        %mul3A_174 = arith.constant 16 : i32
        %mul3A_175 = arith.muli %while3A_169, %mul3A_174 : i32
        %add3A_176 = vector.broadcast %mul3A_175 : i32 to vector<16xi32>
        %add3A_177 = arith.addi %iota3A, %add3A_176 : vector<16xi32>
        %min3A = arith.constant 16383 : i32
        %min3A_178 = vector.broadcast %min3A : i32 to vector<16xi32>
        %min3A_179 = arith.minsi %add3A_177, %min3A_178 : vector<16xi32>
        %gather3A = tpu.vector_load_idx %arg9[%min3A_179] : memref<16384xi32, #tpu.memory_space<vmem>>[vector<16xi32>], vector<16xi32>,
        %shift_right_logical3A = arith.constant 9 : i32
        %shift_right_logical3A_180 = vector.broadcast %shift_right_logical3A : i32 to vector<16xi32>
        %shift_right_logical3A_181 = arith.shrui %gather3A, %shift_right_logical3A_180 : vector<16xi32>
        %and3A_182 = arith.constant 511 : i32
        %and3A_183 = vector.broadcast %and3A_182 : i32 to vector<16xi32>
        %and3A_184 = arith.andi %gather3A, %and3A_183 : vector<16xi32>
        %and3A_185 = arith.constant 1 : i32
        %and3A_186 = vector.broadcast %and3A_185 : i32 to vector<16xi32>
        %and3A_187 = arith.andi %shift_right_logical3A_181, %and3A_186 : vector<16xi32>
        %shift_left3A = arith.constant 6 : i32
        %shift_left3A_188 = vector.broadcast %shift_left3A : i32 to vector<16xi32>
        %shift_left3A_189 = arith.shli %and3A_187, %shift_left3A_188 : vector<16xi32>
        %shift_right_logical3A_190 = arith.constant 1 : i32
        %shift_right_logical3A_191 = vector.broadcast %shift_right_logical3A_190 : i32 to vector<16xi32>
        %shift_right_logical3A_192 = arith.shrui %shift_right_logical3A_181, %shift_right_logical3A_191 : vector<16xi32>
        %dma_start3A = arith.constant 0 : i32
        %dma_start3A_193 = arith.constant 0 : i32
        %dma_start3A_194 = tpu.memref_slice %arg2[%dma_start3A, %dma_start3A_193] : memref<8192x128xf32, #tpu.memory_space<hbm>> -> memref<8192x128xf32, #tpu.memory_space<hbm>>
        tpu.enqueue_indirect_dma source(%dma_start3A_194 : memref<8192x128xf32, #tpu.memory_space<hbm>>) target(%arg11 : memref<16x128xf32, #tpu.memory_space<vmem>>) offsets(%shift_right_logical3A_192 : vector<16xi32>) semaphore(%arg15 : memref<!tpu.dma_semaphore, #tpu.memory_space<semaphore_mem>>)
        %dma_wait3A = arith.constant 0 : i32
        %dma_wait3A_195 = arith.constant 0 : i32
        %dma_wait3A_196 = tpu.memref_slice %arg2[%dma_wait3A, %dma_wait3A_195] : memref<8192x128xf32, #tpu.memory_space<hbm>> -> memref<8192x128xf32, #tpu.memory_space<hbm>>
        tpu.wait_indirect_dma semaphore(%arg15 : memref<!tpu.dma_semaphore, #tpu.memory_space<semaphore_mem>>) src(%dma_wait3A_196 : memref<8192x128xf32, #tpu.memory_space<hbm>>) dst(%arg11 : memref<16x128xf32, #tpu.memory_space<vmem>>)
        %sub3A_197 = arith.subi %broadcast_in_dim3A_129, %add3A_177 : vector<16xi32>
        %max3A = arith.constant 0 : i32
        %max3A_198 = vector.broadcast %max3A : i32 to vector<16xi32>
        %max3A_199 = arith.maxsi %sub3A_197, %max3A_198 : vector<16xi32>
        %min3A_200 = arith.constant 1 : i32
        %min3A_201 = vector.broadcast %min3A_200 : i32 to vector<16xi32>
        %min3A_202 = arith.minsi %max3A_199, %min3A_201 : vector<16xi32>
        %convert_element_type3A_203 = arith.sitofp %min3A_202 : vector<16xi32> to vector<16xf32>
        %broadcast_in_dim3A_204 = arith.constant 0 : i32
        %broadcast_in_dim3A_205 = vector.broadcast %broadcast_in_dim3A_204 : i32 to vector<16xi32>
        %gather3A_206 = tpu.vector_load_idx %arg10[%broadcast_in_dim3A_84, %broadcast_in_dim3A_205, %and3A_184] : memref<2x64x512xf32, #tpu.memory_space<vmem>>[vector<16xi32>, vector<16xi32>, vector<16xi32>], vector<16xf32>,
        %add3A_207 = arith.constant 0 : i32
        %add3A_208 = vector.broadcast %add3A_207 : i32 to vector<16xi32>
        %add3A_209 = arith.addi %shift_left3A_189, %add3A_208 : vector<16xi32>
        %gather3A_210 = tpu.vector_load_idx %arg11[%iota3A, %add3A_209] : memref<16x128xf32, #tpu.memory_space<vmem>>[vector<16xi32>, vector<16xi32>], vector<16xf32>,
        %sub3A_211 = arith.subf %gather3A_210, %gather3A_206 : vector<16xf32>
        %mul3A_212 = arith.mulf %sub3A_211, %convert_element_type3A_203 : vector<16xf32>
        %mul3A_213 = arith.mulf %mul3A_212, %mul3A_212 : vector<16xf32>
        %add3A_214 = arith.addf %while3A_170, %mul3A_213 : vector<16xf32>
        %broadcast_in_dim3A_215 = arith.constant 1 : i32
        %broadcast_in_dim3A_216 = vector.broadcast %broadcast_in_dim3A_215 : i32 to vector<16xi32>
        %gather3A_217 = tpu.vector_load_idx %arg10[%broadcast_in_dim3A_84, %broadcast_in_dim3A_216, %and3A_184] : memref<2x64x512xf32, #tpu.memory_space<vmem>>[vector<16xi32>, vector<16xi32>, vector<16xi32>], vector<16xf32>,
        %add3A_218 = arith.constant 1 : i32
        %add3A_219 = vector.broadcast %add3A_218 : i32 to vector<16xi32>
        %add3A_220 = arith.addi %shift_left3A_189, %add3A_219 : vector<16xi32>
        %gather3A_221 = tpu.vector_load_idx %arg11[%iota3A, %add3A_220] : memref<16x128xf32, #tpu.memory_space<vmem>>[vector<16xi32>, vector<16xi32>], vector<16xf32>,
        %sub3A_222 = arith.subf %gather3A_221, %gather3A_217 : vector<16xf32>
        %mul3A_223 = arith.mulf %sub3A_222, %convert_element_type3A_203 : vector<16xf32>
        %mul3A_224 = arith.mulf %mul3A_223, %mul3A_223 : vector<16xf32>
        %add3A_225 = arith.addf %while3A_171, %mul3A_224 : vector<16xf32>
        %broadcast_in_dim3A_226 = arith.constant 2 : i32
        %broadcast_in_dim3A_227 = vector.broadcast %broadcast_in_dim3A_226 : i32 to vector<16xi32>
        %gather3A_228 = tpu.vector_load_idx %arg10[%broadcast_in_dim3A_84, %broadcast_in_dim3A_227, %and3A_184] : memref<2x64x512xf32, #tpu.memory_space<vmem>>[vector<16xi32>, vector<16xi32>, vector<16xi32>], vector<16xf32>,
        %add3A_229 = arith.constant 2 : i32
        %add3A_230 = vector.broadcast %add3A_229 : i32 to vector<16xi32>
        %add3A_231 = arith.addi %shift_left3A_189, %add3A_230 : vector<16xi32>
        %gather3A_232 = tpu.vector_load_idx %arg11[%iota3A, %add3A_231] : memref<16x128xf32, #tpu.memory_space<vmem>>[vector<16xi32>, vector<16xi32>], vector<16xf32>,
        %sub3A_233 = arith.subf %gather3A_232, %gather3A_228 : vector<16xf32>
        %mul3A_234 = arith.mulf %sub3A_233, %convert_element_type3A_203 : vector<16xf32>
        %mul3A_235 = arith.mulf %mul3A_234, %mul3A_234 : vector<16xf32>
        %add3A_236 = arith.addf %while3A_172, %mul3A_235 : vector<16xf32>
        %broadcast_in_dim3A_237 = arith.constant 3 : i32
        %broadcast_in_dim3A_238 = vector.broadcast %broadcast_in_dim3A_237 : i32 to vector<16xi32>
        %gather3A_239 = tpu.vector_load_idx %arg10[%broadcast_in_dim3A_84, %broadcast_in_dim3A_238, %and3A_184] : memref<2x64x512xf32, #tpu.memory_space<vmem>>[vector<16xi32>, vector<16xi32>, vector<16xi32>], vector<16xf32>,
        %add3A_240 = arith.constant 3 : i32
        %add3A_241 = vector.broadcast %add3A_240 : i32 to vector<16xi32>
        %add3A_242 = arith.addi %shift_left3A_189, %add3A_241 : vector<16xi32>
        %gather3A_243 = tpu.vector_load_idx %arg11[%iota3A, %add3A_242] : memref<16x128xf32, #tpu.memory_space<vmem>>[vector<16xi32>, vector<16xi32>], vector<16xf32>,
        %sub3A_244 = arith.subf %gather3A_243, %gather3A_239 : vector<16xf32>
        %mul3A_245 = arith.mulf %sub3A_244, %convert_element_type3A_203 : vector<16xf32>
        %mul3A_246 = arith.mulf %mul3A_245, %mul3A_245 : vector<16xf32>
        %add3A_247 = arith.addf %while3A_173, %mul3A_246 : vector<16xf32>
        %broadcast_in_dim3A_248 = arith.constant 4 : i32
        %broadcast_in_dim3A_249 = vector.broadcast %broadcast_in_dim3A_248 : i32 to vector<16xi32>
        %gather3A_250 = tpu.vector_load_idx %arg10[%broadcast_in_dim3A_84, %broadcast_in_dim3A_249, %and3A_184] : memref<2x64x512xf32, #tpu.memory_space<vmem>>[vector<16xi32>, vector<16xi32>, vector<16xi32>], vector<16xf32>,
        %add3A_251 = arith.constant 4 : i32
        %add3A_252 = vector.broadcast %add3A_251 : i32 to vector<16xi32>
        %add3A_253 = arith.addi %shift_left3A_189, %add3A_252 : vector<16xi32>
        %gather3A_254 = tpu.vector_load_idx %arg11[%iota3A, %add3A_253] : memref<16x128xf32, #tpu.memory_space<vmem>>[vector<16xi32>, vector<16xi32>], vector<16xf32>,
        %sub3A_255 = arith.subf %gather3A_254, %gather3A_250 : vector<16xf32>
        %mul3A_256 = arith.mulf %sub3A_255, %convert_element_type3A_203 : vector<16xf32>
        %mul3A_257 = arith.mulf %mul3A_256, %mul3A_256 : vector<16xf32>
        %add3A_258 = arith.addf %add3A_214, %mul3A_257 : vector<16xf32>
        %broadcast_in_dim3A_259 = arith.constant 5 : i32
        %broadcast_in_dim3A_260 = vector.broadcast %broadcast_in_dim3A_259 : i32 to vector<16xi32>
        %gather3A_261 = tpu.vector_load_idx %arg10[%broadcast_in_dim3A_84, %broadcast_in_dim3A_260, %and3A_184] : memref<2x64x512xf32, #tpu.memory_space<vmem>>[vector<16xi32>, vector<16xi32>, vector<16xi32>], vector<16xf32>,
        %add3A_262 = arith.constant 5 : i32
        %add3A_263 = vector.broadcast %add3A_262 : i32 to vector<16xi32>
        %add3A_264 = arith.addi %shift_left3A_189, %add3A_263 : vector<16xi32>
        %gather3A_265 = tpu.vector_load_idx %arg11[%iota3A, %add3A_264] : memref<16x128xf32, #tpu.memory_space<vmem>>[vector<16xi32>, vector<16xi32>], vector<16xf32>,
        %sub3A_266 = arith.subf %gather3A_265, %gather3A_261 : vector<16xf32>
        %mul3A_267 = arith.mulf %sub3A_266, %convert_element_type3A_203 : vector<16xf32>
        %mul3A_268 = arith.mulf %mul3A_267, %mul3A_267 : vector<16xf32>
        %add3A_269 = arith.addf %add3A_225, %mul3A_268 : vector<16xf32>
        %broadcast_in_dim3A_270 = arith.constant 6 : i32
        %broadcast_in_dim3A_271 = vector.broadcast %broadcast_in_dim3A_270 : i32 to vector<16xi32>
        %gather3A_272 = tpu.vector_load_idx %arg10[%broadcast_in_dim3A_84, %broadcast_in_dim3A_271, %and3A_184] : memref<2x64x512xf32, #tpu.memory_space<vmem>>[vector<16xi32>, vector<16xi32>, vector<16xi32>], vector<16xf32>,
        %add3A_273 = arith.constant 6 : i32
        %add3A_274 = vector.broadcast %add3A_273 : i32 to vector<16xi32>
        %add3A_275 = arith.addi %shift_left3A_189, %add3A_274 : vector<16xi32>
        %gather3A_276 = tpu.vector_load_idx %arg11[%iota3A, %add3A_275] : memref<16x128xf32, #tpu.memory_space<vmem>>[vector<16xi32>, vector<16xi32>], vector<16xf32>,
        %sub3A_277 = arith.subf %gather3A_276, %gather3A_272 : vector<16xf32>
        %mul3A_278 = arith.mulf %sub3A_277, %convert_element_type3A_203 : vector<16xf32>
        %mul3A_279 = arith.mulf %mul3A_278, %mul3A_278 : vector<16xf32>
        %add3A_280 = arith.addf %add3A_236, %mul3A_279 : vector<16xf32>
        %broadcast_in_dim3A_281 = arith.constant 7 : i32
        %broadcast_in_dim3A_282 = vector.broadcast %broadcast_in_dim3A_281 : i32 to vector<16xi32>
        %gather3A_283 = tpu.vector_load_idx %arg10[%broadcast_in_dim3A_84, %broadcast_in_dim3A_282, %and3A_184] : memref<2x64x512xf32, #tpu.memory_space<vmem>>[vector<16xi32>, vector<16xi32>, vector<16xi32>], vector<16xf32>,
        %add3A_284 = arith.constant 7 : i32
        %add3A_285 = vector.broadcast %add3A_284 : i32 to vector<16xi32>
        %add3A_286 = arith.addi %shift_left3A_189, %add3A_285 : vector<16xi32>
        %gather3A_287 = tpu.vector_load_idx %arg11[%iota3A, %add3A_286] : memref<16x128xf32, #tpu.memory_space<vmem>>[vector<16xi32>, vector<16xi32>], vector<16xf32>,
        %sub3A_288 = arith.subf %gather3A_287, %gather3A_283 : vector<16xf32>
        %mul3A_289 = arith.mulf %sub3A_288, %convert_element_type3A_203 : vector<16xf32>
        %mul3A_290 = arith.mulf %mul3A_289, %mul3A_289 : vector<16xf32>
        %add3A_291 = arith.addf %add3A_247, %mul3A_290 : vector<16xf32>
        %broadcast_in_dim3A_292 = arith.constant 8 : i32
        %broadcast_in_dim3A_293 = vector.broadcast %broadcast_in_dim3A_292 : i32 to vector<16xi32>
        %gather3A_294 = tpu.vector_load_idx %arg10[%broadcast_in_dim3A_84, %broadcast_in_dim3A_293, %and3A_184] : memref<2x64x512xf32, #tpu.memory_space<vmem>>[vector<16xi32>, vector<16xi32>, vector<16xi32>], vector<16xf32>,
        %add3A_295 = arith.constant 8 : i32
        %add3A_296 = vector.broadcast %add3A_295 : i32 to vector<16xi32>
        %add3A_297 = arith.addi %shift_left3A_189, %add3A_296 : vector<16xi32>
        %gather3A_298 = tpu.vector_load_idx %arg11[%iota3A, %add3A_297] : memref<16x128xf32, #tpu.memory_space<vmem>>[vector<16xi32>, vector<16xi32>], vector<16xf32>,
        %sub3A_299 = arith.subf %gather3A_298, %gather3A_294 : vector<16xf32>
        %mul3A_300 = arith.mulf %sub3A_299, %convert_element_type3A_203 : vector<16xf32>
        %mul3A_301 = arith.mulf %mul3A_300, %mul3A_300 : vector<16xf32>
        %add3A_302 = arith.addf %add3A_258, %mul3A_301 : vector<16xf32>
        %broadcast_in_dim3A_303 = arith.constant 9 : i32
        %broadcast_in_dim3A_304 = vector.broadcast %broadcast_in_dim3A_303 : i32 to vector<16xi32>
        %gather3A_305 = tpu.vector_load_idx %arg10[%broadcast_in_dim3A_84, %broadcast_in_dim3A_304, %and3A_184] : memref<2x64x512xf32, #tpu.memory_space<vmem>>[vector<16xi32>, vector<16xi32>, vector<16xi32>], vector<16xf32>,
        %add3A_306 = arith.constant 9 : i32
        %add3A_307 = vector.broadcast %add3A_306 : i32 to vector<16xi32>
        %add3A_308 = arith.addi %shift_left3A_189, %add3A_307 : vector<16xi32>
        %gather3A_309 = tpu.vector_load_idx %arg11[%iota3A, %add3A_308] : memref<16x128xf32, #tpu.memory_space<vmem>>[vector<16xi32>, vector<16xi32>], vector<16xf32>,
        %sub3A_310 = arith.subf %gather3A_309, %gather3A_305 : vector<16xf32>
        %mul3A_311 = arith.mulf %sub3A_310, %convert_element_type3A_203 : vector<16xf32>
        %mul3A_312 = arith.mulf %mul3A_311, %mul3A_311 : vector<16xf32>
        %add3A_313 = arith.addf %add3A_269, %mul3A_312 : vector<16xf32>
        %broadcast_in_dim3A_314 = arith.constant 10 : i32
        %broadcast_in_dim3A_315 = vector.broadcast %broadcast_in_dim3A_314 : i32 to vector<16xi32>
        %gather3A_316 = tpu.vector_load_idx %arg10[%broadcast_in_dim3A_84, %broadcast_in_dim3A_315, %and3A_184] : memref<2x64x512xf32, #tpu.memory_space<vmem>>[vector<16xi32>, vector<16xi32>, vector<16xi32>], vector<16xf32>,
        %add3A_317 = arith.constant 10 : i32
        %add3A_318 = vector.broadcast %add3A_317 : i32 to vector<16xi32>
        %add3A_319 = arith.addi %shift_left3A_189, %add3A_318 : vector<16xi32>
        %gather3A_320 = tpu.vector_load_idx %arg11[%iota3A, %add3A_319] : memref<16x128xf32, #tpu.memory_space<vmem>>[vector<16xi32>, vector<16xi32>], vector<16xf32>,
        %sub3A_321 = arith.subf %gather3A_320, %gather3A_316 : vector<16xf32>
        %mul3A_322 = arith.mulf %sub3A_321, %convert_element_type3A_203 : vector<16xf32>
        %mul3A_323 = arith.mulf %mul3A_322, %mul3A_322 : vector<16xf32>
        %add3A_324 = arith.addf %add3A_280, %mul3A_323 : vector<16xf32>
        %broadcast_in_dim3A_325 = arith.constant 11 : i32
        %broadcast_in_dim3A_326 = vector.broadcast %broadcast_in_dim3A_325 : i32 to vector<16xi32>
        %gather3A_327 = tpu.vector_load_idx %arg10[%broadcast_in_dim3A_84, %broadcast_in_dim3A_326, %and3A_184] : memref<2x64x512xf32, #tpu.memory_space<vmem>>[vector<16xi32>, vector<16xi32>, vector<16xi32>], vector<16xf32>,
        %add3A_328 = arith.constant 11 : i32
        %add3A_329 = vector.broadcast %add3A_328 : i32 to vector<16xi32>
        %add3A_330 = arith.addi %shift_left3A_189, %add3A_329 : vector<16xi32>
        %gather3A_331 = tpu.vector_load_idx %arg11[%iota3A, %add3A_330] : memref<16x128xf32, #tpu.memory_space<vmem>>[vector<16xi32>, vector<16xi32>], vector<16xf32>,
        %sub3A_332 = arith.subf %gather3A_331, %gather3A_327 : vector<16xf32>
        %mul3A_333 = arith.mulf %sub3A_332, %convert_element_type3A_203 : vector<16xf32>
        %mul3A_334 = arith.mulf %mul3A_333, %mul3A_333 : vector<16xf32>
        %add3A_335 = arith.addf %add3A_291, %mul3A_334 : vector<16xf32>
        %broadcast_in_dim3A_336 = arith.constant 12 : i32
        %broadcast_in_dim3A_337 = vector.broadcast %broadcast_in_dim3A_336 : i32 to vector<16xi32>
        %gather3A_338 = tpu.vector_load_idx %arg10[%broadcast_in_dim3A_84, %broadcast_in_dim3A_337, %and3A_184] : memref<2x64x512xf32, #tpu.memory_space<vmem>>[vector<16xi32>, vector<16xi32>, vector<16xi32>], vector<16xf32>,
        %add3A_339 = arith.constant 12 : i32
        %add3A_340 = vector.broadcast %add3A_339 : i32 to vector<16xi32>
        %add3A_341 = arith.addi %shift_left3A_189, %add3A_340 : vector<16xi32>
        %gather3A_342 = tpu.vector_load_idx %arg11[%iota3A, %add3A_341] : memref<16x128xf32, #tpu.memory_space<vmem>>[vector<16xi32>, vector<16xi32>], vector<16xf32>,
        %sub3A_343 = arith.subf %gather3A_342, %gather3A_338 : vector<16xf32>
        %mul3A_344 = arith.mulf %sub3A_343, %convert_element_type3A_203 : vector<16xf32>
        %mul3A_345 = arith.mulf %mul3A_344, %mul3A_344 : vector<16xf32>
        %add3A_346 = arith.addf %add3A_302, %mul3A_345 : vector<16xf32>
        %broadcast_in_dim3A_347 = arith.constant 13 : i32
        %broadcast_in_dim3A_348 = vector.broadcast %broadcast_in_dim3A_347 : i32 to vector<16xi32>
        %gather3A_349 = tpu.vector_load_idx %arg10[%broadcast_in_dim3A_84, %broadcast_in_dim3A_348, %and3A_184] : memref<2x64x512xf32, #tpu.memory_space<vmem>>[vector<16xi32>, vector<16xi32>, vector<16xi32>], vector<16xf32>,
        %add3A_350 = arith.constant 13 : i32
        %add3A_351 = vector.broadcast %add3A_350 : i32 to vector<16xi32>
        %add3A_352 = arith.addi %shift_left3A_189, %add3A_351 : vector<16xi32>
        %gather3A_353 = tpu.vector_load_idx %arg11[%iota3A, %add3A_352] : memref<16x128xf32, #tpu.memory_space<vmem>>[vector<16xi32>, vector<16xi32>], vector<16xf32>,
        %sub3A_354 = arith.subf %gather3A_353, %gather3A_349 : vector<16xf32>
        %mul3A_355 = arith.mulf %sub3A_354, %convert_element_type3A_203 : vector<16xf32>
        %mul3A_356 = arith.mulf %mul3A_355, %mul3A_355 : vector<16xf32>
        %add3A_357 = arith.addf %add3A_313, %mul3A_356 : vector<16xf32>
        %broadcast_in_dim3A_358 = arith.constant 14 : i32
        %broadcast_in_dim3A_359 = vector.broadcast %broadcast_in_dim3A_358 : i32 to vector<16xi32>
        %gather3A_360 = tpu.vector_load_idx %arg10[%broadcast_in_dim3A_84, %broadcast_in_dim3A_359, %and3A_184] : memref<2x64x512xf32, #tpu.memory_space<vmem>>[vector<16xi32>, vector<16xi32>, vector<16xi32>], vector<16xf32>,
        %add3A_361 = arith.constant 14 : i32
        %add3A_362 = vector.broadcast %add3A_361 : i32 to vector<16xi32>
        %add3A_363 = arith.addi %shift_left3A_189, %add3A_362 : vector<16xi32>
        %gather3A_364 = tpu.vector_load_idx %arg11[%iota3A, %add3A_363] : memref<16x128xf32, #tpu.memory_space<vmem>>[vector<16xi32>, vector<16xi32>], vector<16xf32>,
        %sub3A_365 = arith.subf %gather3A_364, %gather3A_360 : vector<16xf32>
        %mul3A_366 = arith.mulf %sub3A_365, %convert_element_type3A_203 : vector<16xf32>
        %mul3A_367 = arith.mulf %mul3A_366, %mul3A_366 : vector<16xf32>
        %add3A_368 = arith.addf %add3A_324, %mul3A_367 : vector<16xf32>
        %broadcast_in_dim3A_369 = arith.constant 15 : i32
        %broadcast_in_dim3A_370 = vector.broadcast %broadcast_in_dim3A_369 : i32 to vector<16xi32>
        %gather3A_371 = tpu.vector_load_idx %arg10[%broadcast_in_dim3A_84, %broadcast_in_dim3A_370, %and3A_184] : memref<2x64x512xf32, #tpu.memory_space<vmem>>[vector<16xi32>, vector<16xi32>, vector<16xi32>], vector<16xf32>,
        %add3A_372 = arith.constant 15 : i32
        %add3A_373 = vector.broadcast %add3A_372 : i32 to vector<16xi32>
        %add3A_374 = arith.addi %shift_left3A_189, %add3A_373 : vector<16xi32>
        %gather3A_375 = tpu.vector_load_idx %arg11[%iota3A, %add3A_374] : memref<16x128xf32, #tpu.memory_space<vmem>>[vector<16xi32>, vector<16xi32>], vector<16xf32>,
        %sub3A_376 = arith.subf %gather3A_375, %gather3A_371 : vector<16xf32>
        %mul3A_377 = arith.mulf %sub3A_376, %convert_element_type3A_203 : vector<16xf32>
        %mul3A_378 = arith.mulf %mul3A_377, %mul3A_377 : vector<16xf32>
        %add3A_379 = arith.addf %add3A_335, %mul3A_378 : vector<16xf32>
        %broadcast_in_dim3A_380 = arith.constant 16 : i32
        %broadcast_in_dim3A_381 = vector.broadcast %broadcast_in_dim3A_380 : i32 to vector<16xi32>
        %gather3A_382 = tpu.vector_load_idx %arg10[%broadcast_in_dim3A_84, %broadcast_in_dim3A_381, %and3A_184] : memref<2x64x512xf32, #tpu.memory_space<vmem>>[vector<16xi32>, vector<16xi32>, vector<16xi32>], vector<16xf32>,
        %add3A_383 = arith.constant 16 : i32
        %add3A_384 = vector.broadcast %add3A_383 : i32 to vector<16xi32>
        %add3A_385 = arith.addi %shift_left3A_189, %add3A_384 : vector<16xi32>
        %gather3A_386 = tpu.vector_load_idx %arg11[%iota3A, %add3A_385] : memref<16x128xf32, #tpu.memory_space<vmem>>[vector<16xi32>, vector<16xi32>], vector<16xf32>,
        %sub3A_387 = arith.subf %gather3A_386, %gather3A_382 : vector<16xf32>
        %mul3A_388 = arith.mulf %sub3A_387, %convert_element_type3A_203 : vector<16xf32>
        %mul3A_389 = arith.mulf %mul3A_388, %mul3A_388 : vector<16xf32>
        %add3A_390 = arith.addf %add3A_346, %mul3A_389 : vector<16xf32>
        %broadcast_in_dim3A_391 = arith.constant 17 : i32
        %broadcast_in_dim3A_392 = vector.broadcast %broadcast_in_dim3A_391 : i32 to vector<16xi32>
        %gather3A_393 = tpu.vector_load_idx %arg10[%broadcast_in_dim3A_84, %broadcast_in_dim3A_392, %and3A_184] : memref<2x64x512xf32, #tpu.memory_space<vmem>>[vector<16xi32>, vector<16xi32>, vector<16xi32>], vector<16xf32>,
        %add3A_394 = arith.constant 17 : i32
        %add3A_395 = vector.broadcast %add3A_394 : i32 to vector<16xi32>
        %add3A_396 = arith.addi %shift_left3A_189, %add3A_395 : vector<16xi32>
        %gather3A_397 = tpu.vector_load_idx %arg11[%iota3A, %add3A_396] : memref<16x128xf32, #tpu.memory_space<vmem>>[vector<16xi32>, vector<16xi32>], vector<16xf32>,
        %sub3A_398 = arith.subf %gather3A_397, %gather3A_393 : vector<16xf32>
        %mul3A_399 = arith.mulf %sub3A_398, %convert_element_type3A_203 : vector<16xf32>
        %mul3A_400 = arith.mulf %mul3A_399, %mul3A_399 : vector<16xf32>
        %add3A_401 = arith.addf %add3A_357, %mul3A_400 : vector<16xf32>
        %broadcast_in_dim3A_402 = arith.constant 18 : i32
        %broadcast_in_dim3A_403 = vector.broadcast %broadcast_in_dim3A_402 : i32 to vector<16xi32>
        %gather3A_404 = tpu.vector_load_idx %arg10[%broadcast_in_dim3A_84, %broadcast_in_dim3A_403, %and3A_184] : memref<2x64x512xf32, #tpu.memory_space<vmem>>[vector<16xi32>, vector<16xi32>, vector<16xi32>], vector<16xf32>,
        %add3A_405 = arith.constant 18 : i32
        %add3A_406 = vector.broadcast %add3A_405 : i32 to vector<16xi32>
        %add3A_407 = arith.addi %shift_left3A_189, %add3A_406 : vector<16xi32>
        %gather3A_408 = tpu.vector_load_idx %arg11[%iota3A, %add3A_407] : memref<16x128xf32, #tpu.memory_space<vmem>>[vector<16xi32>, vector<16xi32>], vector<16xf32>,
        %sub3A_409 = arith.subf %gather3A_408, %gather3A_404 : vector<16xf32>
        %mul3A_410 = arith.mulf %sub3A_409, %convert_element_type3A_203 : vector<16xf32>
        %mul3A_411 = arith.mulf %mul3A_410, %mul3A_410 : vector<16xf32>
        %add3A_412 = arith.addf %add3A_368, %mul3A_411 : vector<16xf32>
        %broadcast_in_dim3A_413 = arith.constant 19 : i32
        %broadcast_in_dim3A_414 = vector.broadcast %broadcast_in_dim3A_413 : i32 to vector<16xi32>
        %gather3A_415 = tpu.vector_load_idx %arg10[%broadcast_in_dim3A_84, %broadcast_in_dim3A_414, %and3A_184] : memref<2x64x512xf32, #tpu.memory_space<vmem>>[vector<16xi32>, vector<16xi32>, vector<16xi32>], vector<16xf32>,
        %add3A_416 = arith.constant 19 : i32
        %add3A_417 = vector.broadcast %add3A_416 : i32 to vector<16xi32>
        %add3A_418 = arith.addi %shift_left3A_189, %add3A_417 : vector<16xi32>
        %gather3A_419 = tpu.vector_load_idx %arg11[%iota3A, %add3A_418] : memref<16x128xf32, #tpu.memory_space<vmem>>[vector<16xi32>, vector<16xi32>], vector<16xf32>,
        %sub3A_420 = arith.subf %gather3A_419, %gather3A_415 : vector<16xf32>
        %mul3A_421 = arith.mulf %sub3A_420, %convert_element_type3A_203 : vector<16xf32>
        %mul3A_422 = arith.mulf %mul3A_421, %mul3A_421 : vector<16xf32>
        %add3A_423 = arith.addf %add3A_379, %mul3A_422 : vector<16xf32>
        %broadcast_in_dim3A_424 = arith.constant 20 : i32
        %broadcast_in_dim3A_425 = vector.broadcast %broadcast_in_dim3A_424 : i32 to vector<16xi32>
        %gather3A_426 = tpu.vector_load_idx %arg10[%broadcast_in_dim3A_84, %broadcast_in_dim3A_425, %and3A_184] : memref<2x64x512xf32, #tpu.memory_space<vmem>>[vector<16xi32>, vector<16xi32>, vector<16xi32>], vector<16xf32>,
        %add3A_427 = arith.constant 20 : i32
        %add3A_428 = vector.broadcast %add3A_427 : i32 to vector<16xi32>
        %add3A_429 = arith.addi %shift_left3A_189, %add3A_428 : vector<16xi32>
        %gather3A_430 = tpu.vector_load_idx %arg11[%iota3A, %add3A_429] : memref<16x128xf32, #tpu.memory_space<vmem>>[vector<16xi32>, vector<16xi32>], vector<16xf32>,
        %sub3A_431 = arith.subf %gather3A_430, %gather3A_426 : vector<16xf32>
        %mul3A_432 = arith.mulf %sub3A_431, %convert_element_type3A_203 : vector<16xf32>
        %mul3A_433 = arith.mulf %mul3A_432, %mul3A_432 : vector<16xf32>
        %add3A_434 = arith.addf %add3A_390, %mul3A_433 : vector<16xf32>
        %broadcast_in_dim3A_435 = arith.constant 21 : i32
        %broadcast_in_dim3A_436 = vector.broadcast %broadcast_in_dim3A_435 : i32 to vector<16xi32>
        %gather3A_437 = tpu.vector_load_idx %arg10[%broadcast_in_dim3A_84, %broadcast_in_dim3A_436, %and3A_184] : memref<2x64x512xf32, #tpu.memory_space<vmem>>[vector<16xi32>, vector<16xi32>, vector<16xi32>], vector<16xf32>,
        %add3A_438 = arith.constant 21 : i32
        %add3A_439 = vector.broadcast %add3A_438 : i32 to vector<16xi32>
        %add3A_440 = arith.addi %shift_left3A_189, %add3A_439 : vector<16xi32>
        %gather3A_441 = tpu.vector_load_idx %arg11[%iota3A, %add3A_440] : memref<16x128xf32, #tpu.memory_space<vmem>>[vector<16xi32>, vector<16xi32>], vector<16xf32>,
        %sub3A_442 = arith.subf %gather3A_441, %gather3A_437 : vector<16xf32>
        %mul3A_443 = arith.mulf %sub3A_442, %convert_element_type3A_203 : vector<16xf32>
        %mul3A_444 = arith.mulf %mul3A_443, %mul3A_443 : vector<16xf32>
        %add3A_445 = arith.addf %add3A_401, %mul3A_444 : vector<16xf32>
        %broadcast_in_dim3A_446 = arith.constant 22 : i32
        %broadcast_in_dim3A_447 = vector.broadcast %broadcast_in_dim3A_446 : i32 to vector<16xi32>
        %gather3A_448 = tpu.vector_load_idx %arg10[%broadcast_in_dim3A_84, %broadcast_in_dim3A_447, %and3A_184] : memref<2x64x512xf32, #tpu.memory_space<vmem>>[vector<16xi32>, vector<16xi32>, vector<16xi32>], vector<16xf32>,
        %add3A_449 = arith.constant 22 : i32
        %add3A_450 = vector.broadcast %add3A_449 : i32 to vector<16xi32>
        %add3A_451 = arith.addi %shift_left3A_189, %add3A_450 : vector<16xi32>
        %gather3A_452 = tpu.vector_load_idx %arg11[%iota3A, %add3A_451] : memref<16x128xf32, #tpu.memory_space<vmem>>[vector<16xi32>, vector<16xi32>], vector<16xf32>,
        %sub3A_453 = arith.subf %gather3A_452, %gather3A_448 : vector<16xf32>
        %mul3A_454 = arith.mulf %sub3A_453, %convert_element_type3A_203 : vector<16xf32>
        %mul3A_455 = arith.mulf %mul3A_454, %mul3A_454 : vector<16xf32>
        %add3A_456 = arith.addf %add3A_412, %mul3A_455 : vector<16xf32>
        %broadcast_in_dim3A_457 = arith.constant 23 : i32
        %broadcast_in_dim3A_458 = vector.broadcast %broadcast_in_dim3A_457 : i32 to vector<16xi32>
        %gather3A_459 = tpu.vector_load_idx %arg10[%broadcast_in_dim3A_84, %broadcast_in_dim3A_458, %and3A_184] : memref<2x64x512xf32, #tpu.memory_space<vmem>>[vector<16xi32>, vector<16xi32>, vector<16xi32>], vector<16xf32>,
        %add3A_460 = arith.constant 23 : i32
        %add3A_461 = vector.broadcast %add3A_460 : i32 to vector<16xi32>
        %add3A_462 = arith.addi %shift_left3A_189, %add3A_461 : vector<16xi32>
        %gather3A_463 = tpu.vector_load_idx %arg11[%iota3A, %add3A_462] : memref<16x128xf32, #tpu.memory_space<vmem>>[vector<16xi32>, vector<16xi32>], vector<16xf32>,
        %sub3A_464 = arith.subf %gather3A_463, %gather3A_459 : vector<16xf32>
        %mul3A_465 = arith.mulf %sub3A_464, %convert_element_type3A_203 : vector<16xf32>
        %mul3A_466 = arith.mulf %mul3A_465, %mul3A_465 : vector<16xf32>
        %add3A_467 = arith.addf %add3A_423, %mul3A_466 : vector<16xf32>
        %broadcast_in_dim3A_468 = arith.constant 24 : i32
        %broadcast_in_dim3A_469 = vector.broadcast %broadcast_in_dim3A_468 : i32 to vector<16xi32>
        %gather3A_470 = tpu.vector_load_idx %arg10[%broadcast_in_dim3A_84, %broadcast_in_dim3A_469, %and3A_184] : memref<2x64x512xf32, #tpu.memory_space<vmem>>[vector<16xi32>, vector<16xi32>, vector<16xi32>], vector<16xf32>,
        %add3A_471 = arith.constant 24 : i32
        %add3A_472 = vector.broadcast %add3A_471 : i32 to vector<16xi32>
        %add3A_473 = arith.addi %shift_left3A_189, %add3A_472 : vector<16xi32>
        %gather3A_474 = tpu.vector_load_idx %arg11[%iota3A, %add3A_473] : memref<16x128xf32, #tpu.memory_space<vmem>>[vector<16xi32>, vector<16xi32>], vector<16xf32>,
        %sub3A_475 = arith.subf %gather3A_474, %gather3A_470 : vector<16xf32>
        %mul3A_476 = arith.mulf %sub3A_475, %convert_element_type3A_203 : vector<16xf32>
        %mul3A_477 = arith.mulf %mul3A_476, %mul3A_476 : vector<16xf32>
        %add3A_478 = arith.addf %add3A_434, %mul3A_477 : vector<16xf32>
        %broadcast_in_dim3A_479 = arith.constant 25 : i32
        %broadcast_in_dim3A_480 = vector.broadcast %broadcast_in_dim3A_479 : i32 to vector<16xi32>
        %gather3A_481 = tpu.vector_load_idx %arg10[%broadcast_in_dim3A_84, %broadcast_in_dim3A_480, %and3A_184] : memref<2x64x512xf32, #tpu.memory_space<vmem>>[vector<16xi32>, vector<16xi32>, vector<16xi32>], vector<16xf32>,
        %add3A_482 = arith.constant 25 : i32
        %add3A_483 = vector.broadcast %add3A_482 : i32 to vector<16xi32>
        %add3A_484 = arith.addi %shift_left3A_189, %add3A_483 : vector<16xi32>
        %gather3A_485 = tpu.vector_load_idx %arg11[%iota3A, %add3A_484] : memref<16x128xf32, #tpu.memory_space<vmem>>[vector<16xi32>, vector<16xi32>], vector<16xf32>,
        %sub3A_486 = arith.subf %gather3A_485, %gather3A_481 : vector<16xf32>
        %mul3A_487 = arith.mulf %sub3A_486, %convert_element_type3A_203 : vector<16xf32>
        %mul3A_488 = arith.mulf %mul3A_487, %mul3A_487 : vector<16xf32>
        %add3A_489 = arith.addf %add3A_445, %mul3A_488 : vector<16xf32>
        %broadcast_in_dim3A_490 = arith.constant 26 : i32
        %broadcast_in_dim3A_491 = vector.broadcast %broadcast_in_dim3A_490 : i32 to vector<16xi32>
        %gather3A_492 = tpu.vector_load_idx %arg10[%broadcast_in_dim3A_84, %broadcast_in_dim3A_491, %and3A_184] : memref<2x64x512xf32, #tpu.memory_space<vmem>>[vector<16xi32>, vector<16xi32>, vector<16xi32>], vector<16xf32>,
        %add3A_493 = arith.constant 26 : i32
        %add3A_494 = vector.broadcast %add3A_493 : i32 to vector<16xi32>
        %add3A_495 = arith.addi %shift_left3A_189, %add3A_494 : vector<16xi32>
        %gather3A_496 = tpu.vector_load_idx %arg11[%iota3A, %add3A_495] : memref<16x128xf32, #tpu.memory_space<vmem>>[vector<16xi32>, vector<16xi32>], vector<16xf32>,
        %sub3A_497 = arith.subf %gather3A_496, %gather3A_492 : vector<16xf32>
        %mul3A_498 = arith.mulf %sub3A_497, %convert_element_type3A_203 : vector<16xf32>
        %mul3A_499 = arith.mulf %mul3A_498, %mul3A_498 : vector<16xf32>
        %add3A_500 = arith.addf %add3A_456, %mul3A_499 : vector<16xf32>
        %broadcast_in_dim3A_501 = arith.constant 27 : i32
        %broadcast_in_dim3A_502 = vector.broadcast %broadcast_in_dim3A_501 : i32 to vector<16xi32>
        %gather3A_503 = tpu.vector_load_idx %arg10[%broadcast_in_dim3A_84, %broadcast_in_dim3A_502, %and3A_184] : memref<2x64x512xf32, #tpu.memory_space<vmem>>[vector<16xi32>, vector<16xi32>, vector<16xi32>], vector<16xf32>,
        %add3A_504 = arith.constant 27 : i32
        %add3A_505 = vector.broadcast %add3A_504 : i32 to vector<16xi32>
        %add3A_506 = arith.addi %shift_left3A_189, %add3A_505 : vector<16xi32>
        %gather3A_507 = tpu.vector_load_idx %arg11[%iota3A, %add3A_506] : memref<16x128xf32, #tpu.memory_space<vmem>>[vector<16xi32>, vector<16xi32>], vector<16xf32>,
        %sub3A_508 = arith.subf %gather3A_507, %gather3A_503 : vector<16xf32>
        %mul3A_509 = arith.mulf %sub3A_508, %convert_element_type3A_203 : vector<16xf32>
        %mul3A_510 = arith.mulf %mul3A_509, %mul3A_509 : vector<16xf32>
        %add3A_511 = arith.addf %add3A_467, %mul3A_510 : vector<16xf32>
        %broadcast_in_dim3A_512 = arith.constant 28 : i32
        %broadcast_in_dim3A_513 = vector.broadcast %broadcast_in_dim3A_512 : i32 to vector<16xi32>
        %gather3A_514 = tpu.vector_load_idx %arg10[%broadcast_in_dim3A_84, %broadcast_in_dim3A_513, %and3A_184] : memref<2x64x512xf32, #tpu.memory_space<vmem>>[vector<16xi32>, vector<16xi32>, vector<16xi32>], vector<16xf32>,
        %add3A_515 = arith.constant 28 : i32
        %add3A_516 = vector.broadcast %add3A_515 : i32 to vector<16xi32>
        %add3A_517 = arith.addi %shift_left3A_189, %add3A_516 : vector<16xi32>
        %gather3A_518 = tpu.vector_load_idx %arg11[%iota3A, %add3A_517] : memref<16x128xf32, #tpu.memory_space<vmem>>[vector<16xi32>, vector<16xi32>], vector<16xf32>,
        %sub3A_519 = arith.subf %gather3A_518, %gather3A_514 : vector<16xf32>
        %mul3A_520 = arith.mulf %sub3A_519, %convert_element_type3A_203 : vector<16xf32>
        %mul3A_521 = arith.mulf %mul3A_520, %mul3A_520 : vector<16xf32>
        %add3A_522 = arith.addf %add3A_478, %mul3A_521 : vector<16xf32>
        %broadcast_in_dim3A_523 = arith.constant 29 : i32
        %broadcast_in_dim3A_524 = vector.broadcast %broadcast_in_dim3A_523 : i32 to vector<16xi32>
        %gather3A_525 = tpu.vector_load_idx %arg10[%broadcast_in_dim3A_84, %broadcast_in_dim3A_524, %and3A_184] : memref<2x64x512xf32, #tpu.memory_space<vmem>>[vector<16xi32>, vector<16xi32>, vector<16xi32>], vector<16xf32>,
        %add3A_526 = arith.constant 29 : i32
        %add3A_527 = vector.broadcast %add3A_526 : i32 to vector<16xi32>
        %add3A_528 = arith.addi %shift_left3A_189, %add3A_527 : vector<16xi32>
        %gather3A_529 = tpu.vector_load_idx %arg11[%iota3A, %add3A_528] : memref<16x128xf32, #tpu.memory_space<vmem>>[vector<16xi32>, vector<16xi32>], vector<16xf32>,
        %sub3A_530 = arith.subf %gather3A_529, %gather3A_525 : vector<16xf32>
        %mul3A_531 = arith.mulf %sub3A_530, %convert_element_type3A_203 : vector<16xf32>
        %mul3A_532 = arith.mulf %mul3A_531, %mul3A_531 : vector<16xf32>
        %add3A_533 = arith.addf %add3A_489, %mul3A_532 : vector<16xf32>
        %broadcast_in_dim3A_534 = arith.constant 30 : i32
        %broadcast_in_dim3A_535 = vector.broadcast %broadcast_in_dim3A_534 : i32 to vector<16xi32>
        %gather3A_536 = tpu.vector_load_idx %arg10[%broadcast_in_dim3A_84, %broadcast_in_dim3A_535, %and3A_184] : memref<2x64x512xf32, #tpu.memory_space<vmem>>[vector<16xi32>, vector<16xi32>, vector<16xi32>], vector<16xf32>,
        %add3A_537 = arith.constant 30 : i32
        %add3A_538 = vector.broadcast %add3A_537 : i32 to vector<16xi32>
        %add3A_539 = arith.addi %shift_left3A_189, %add3A_538 : vector<16xi32>
        %gather3A_540 = tpu.vector_load_idx %arg11[%iota3A, %add3A_539] : memref<16x128xf32, #tpu.memory_space<vmem>>[vector<16xi32>, vector<16xi32>], vector<16xf32>,
        %sub3A_541 = arith.subf %gather3A_540, %gather3A_536 : vector<16xf32>
        %mul3A_542 = arith.mulf %sub3A_541, %convert_element_type3A_203 : vector<16xf32>
        %mul3A_543 = arith.mulf %mul3A_542, %mul3A_542 : vector<16xf32>
        %add3A_544 = arith.addf %add3A_500, %mul3A_543 : vector<16xf32>
        %broadcast_in_dim3A_545 = arith.constant 31 : i32
        %broadcast_in_dim3A_546 = vector.broadcast %broadcast_in_dim3A_545 : i32 to vector<16xi32>
        %gather3A_547 = tpu.vector_load_idx %arg10[%broadcast_in_dim3A_84, %broadcast_in_dim3A_546, %and3A_184] : memref<2x64x512xf32, #tpu.memory_space<vmem>>[vector<16xi32>, vector<16xi32>, vector<16xi32>], vector<16xf32>,
        %add3A_548 = arith.constant 31 : i32
        %add3A_549 = vector.broadcast %add3A_548 : i32 to vector<16xi32>
        %add3A_550 = arith.addi %shift_left3A_189, %add3A_549 : vector<16xi32>
        %gather3A_551 = tpu.vector_load_idx %arg11[%iota3A, %add3A_550] : memref<16x128xf32, #tpu.memory_space<vmem>>[vector<16xi32>, vector<16xi32>], vector<16xf32>,
        %sub3A_552 = arith.subf %gather3A_551, %gather3A_547 : vector<16xf32>
        %mul3A_553 = arith.mulf %sub3A_552, %convert_element_type3A_203 : vector<16xf32>
        %mul3A_554 = arith.mulf %mul3A_553, %mul3A_553 : vector<16xf32>
        %add3A_555 = arith.addf %add3A_511, %mul3A_554 : vector<16xf32>
        %broadcast_in_dim3A_556 = arith.constant 32 : i32
        %broadcast_in_dim3A_557 = vector.broadcast %broadcast_in_dim3A_556 : i32 to vector<16xi32>
        %gather3A_558 = tpu.vector_load_idx %arg10[%broadcast_in_dim3A_84, %broadcast_in_dim3A_557, %and3A_184] : memref<2x64x512xf32, #tpu.memory_space<vmem>>[vector<16xi32>, vector<16xi32>, vector<16xi32>], vector<16xf32>,
        %add3A_559 = arith.constant 32 : i32
        %add3A_560 = vector.broadcast %add3A_559 : i32 to vector<16xi32>
        %add3A_561 = arith.addi %shift_left3A_189, %add3A_560 : vector<16xi32>
        %gather3A_562 = tpu.vector_load_idx %arg11[%iota3A, %add3A_561] : memref<16x128xf32, #tpu.memory_space<vmem>>[vector<16xi32>, vector<16xi32>], vector<16xf32>,
        %sub3A_563 = arith.subf %gather3A_562, %gather3A_558 : vector<16xf32>
        %mul3A_564 = arith.mulf %sub3A_563, %convert_element_type3A_203 : vector<16xf32>
        %mul3A_565 = arith.mulf %mul3A_564, %mul3A_564 : vector<16xf32>
        %add3A_566 = arith.addf %add3A_522, %mul3A_565 : vector<16xf32>
        %broadcast_in_dim3A_567 = arith.constant 33 : i32
        %broadcast_in_dim3A_568 = vector.broadcast %broadcast_in_dim3A_567 : i32 to vector<16xi32>
        %gather3A_569 = tpu.vector_load_idx %arg10[%broadcast_in_dim3A_84, %broadcast_in_dim3A_568, %and3A_184] : memref<2x64x512xf32, #tpu.memory_space<vmem>>[vector<16xi32>, vector<16xi32>, vector<16xi32>], vector<16xf32>,
        %add3A_570 = arith.constant 33 : i32
        %add3A_571 = vector.broadcast %add3A_570 : i32 to vector<16xi32>
        %add3A_572 = arith.addi %shift_left3A_189, %add3A_571 : vector<16xi32>
        %gather3A_573 = tpu.vector_load_idx %arg11[%iota3A, %add3A_572] : memref<16x128xf32, #tpu.memory_space<vmem>>[vector<16xi32>, vector<16xi32>], vector<16xf32>,
        %sub3A_574 = arith.subf %gather3A_573, %gather3A_569 : vector<16xf32>
        %mul3A_575 = arith.mulf %sub3A_574, %convert_element_type3A_203 : vector<16xf32>
        %mul3A_576 = arith.mulf %mul3A_575, %mul3A_575 : vector<16xf32>
        %add3A_577 = arith.addf %add3A_533, %mul3A_576 : vector<16xf32>
        %broadcast_in_dim3A_578 = arith.constant 34 : i32
        %broadcast_in_dim3A_579 = vector.broadcast %broadcast_in_dim3A_578 : i32 to vector<16xi32>
        %gather3A_580 = tpu.vector_load_idx %arg10[%broadcast_in_dim3A_84, %broadcast_in_dim3A_579, %and3A_184] : memref<2x64x512xf32, #tpu.memory_space<vmem>>[vector<16xi32>, vector<16xi32>, vector<16xi32>], vector<16xf32>,
        %add3A_581 = arith.constant 34 : i32
        %add3A_582 = vector.broadcast %add3A_581 : i32 to vector<16xi32>
        %add3A_583 = arith.addi %shift_left3A_189, %add3A_582 : vector<16xi32>
        %gather3A_584 = tpu.vector_load_idx %arg11[%iota3A, %add3A_583] : memref<16x128xf32, #tpu.memory_space<vmem>>[vector<16xi32>, vector<16xi32>], vector<16xf32>,
        %sub3A_585 = arith.subf %gather3A_584, %gather3A_580 : vector<16xf32>
        %mul3A_586 = arith.mulf %sub3A_585, %convert_element_type3A_203 : vector<16xf32>
        %mul3A_587 = arith.mulf %mul3A_586, %mul3A_586 : vector<16xf32>
        %add3A_588 = arith.addf %add3A_544, %mul3A_587 : vector<16xf32>
        %broadcast_in_dim3A_589 = arith.constant 35 : i32
        %broadcast_in_dim3A_590 = vector.broadcast %broadcast_in_dim3A_589 : i32 to vector<16xi32>
        %gather3A_591 = tpu.vector_load_idx %arg10[%broadcast_in_dim3A_84, %broadcast_in_dim3A_590, %and3A_184] : memref<2x64x512xf32, #tpu.memory_space<vmem>>[vector<16xi32>, vector<16xi32>, vector<16xi32>], vector<16xf32>,
        %add3A_592 = arith.constant 35 : i32
        %add3A_593 = vector.broadcast %add3A_592 : i32 to vector<16xi32>
        %add3A_594 = arith.addi %shift_left3A_189, %add3A_593 : vector<16xi32>
        %gather3A_595 = tpu.vector_load_idx %arg11[%iota3A, %add3A_594] : memref<16x128xf32, #tpu.memory_space<vmem>>[vector<16xi32>, vector<16xi32>], vector<16xf32>,
        %sub3A_596 = arith.subf %gather3A_595, %gather3A_591 : vector<16xf32>
        %mul3A_597 = arith.mulf %sub3A_596, %convert_element_type3A_203 : vector<16xf32>
        %mul3A_598 = arith.mulf %mul3A_597, %mul3A_597 : vector<16xf32>
        %add3A_599 = arith.addf %add3A_555, %mul3A_598 : vector<16xf32>
        %broadcast_in_dim3A_600 = arith.constant 36 : i32
        %broadcast_in_dim3A_601 = vector.broadcast %broadcast_in_dim3A_600 : i32 to vector<16xi32>
        %gather3A_602 = tpu.vector_load_idx %arg10[%broadcast_in_dim3A_84, %broadcast_in_dim3A_601, %and3A_184] : memref<2x64x512xf32, #tpu.memory_space<vmem>>[vector<16xi32>, vector<16xi32>, vector<16xi32>], vector<16xf32>,
        %add3A_603 = arith.constant 36 : i32
        %add3A_604 = vector.broadcast %add3A_603 : i32 to vector<16xi32>
        %add3A_605 = arith.addi %shift_left3A_189, %add3A_604 : vector<16xi32>
        %gather3A_606 = tpu.vector_load_idx %arg11[%iota3A, %add3A_605] : memref<16x128xf32, #tpu.memory_space<vmem>>[vector<16xi32>, vector<16xi32>], vector<16xf32>,
        %sub3A_607 = arith.subf %gather3A_606, %gather3A_602 : vector<16xf32>
        %mul3A_608 = arith.mulf %sub3A_607, %convert_element_type3A_203 : vector<16xf32>
        %mul3A_609 = arith.mulf %mul3A_608, %mul3A_608 : vector<16xf32>
        %add3A_610 = arith.addf %add3A_566, %mul3A_609 : vector<16xf32>
        %broadcast_in_dim3A_611 = arith.constant 37 : i32
        %broadcast_in_dim3A_612 = vector.broadcast %broadcast_in_dim3A_611 : i32 to vector<16xi32>
        %gather3A_613 = tpu.vector_load_idx %arg10[%broadcast_in_dim3A_84, %broadcast_in_dim3A_612, %and3A_184] : memref<2x64x512xf32, #tpu.memory_space<vmem>>[vector<16xi32>, vector<16xi32>, vector<16xi32>], vector<16xf32>,
        %add3A_614 = arith.constant 37 : i32
        %add3A_615 = vector.broadcast %add3A_614 : i32 to vector<16xi32>
        %add3A_616 = arith.addi %shift_left3A_189, %add3A_615 : vector<16xi32>
        %gather3A_617 = tpu.vector_load_idx %arg11[%iota3A, %add3A_616] : memref<16x128xf32, #tpu.memory_space<vmem>>[vector<16xi32>, vector<16xi32>], vector<16xf32>,
        %sub3A_618 = arith.subf %gather3A_617, %gather3A_613 : vector<16xf32>
        %mul3A_619 = arith.mulf %sub3A_618, %convert_element_type3A_203 : vector<16xf32>
        %mul3A_620 = arith.mulf %mul3A_619, %mul3A_619 : vector<16xf32>
        %add3A_621 = arith.addf %add3A_577, %mul3A_620 : vector<16xf32>
        %broadcast_in_dim3A_622 = arith.constant 38 : i32
        %broadcast_in_dim3A_623 = vector.broadcast %broadcast_in_dim3A_622 : i32 to vector<16xi32>
        %gather3A_624 = tpu.vector_load_idx %arg10[%broadcast_in_dim3A_84, %broadcast_in_dim3A_623, %and3A_184] : memref<2x64x512xf32, #tpu.memory_space<vmem>>[vector<16xi32>, vector<16xi32>, vector<16xi32>], vector<16xf32>,
        %add3A_625 = arith.constant 38 : i32
        %add3A_626 = vector.broadcast %add3A_625 : i32 to vector<16xi32>
        %add3A_627 = arith.addi %shift_left3A_189, %add3A_626 : vector<16xi32>
        %gather3A_628 = tpu.vector_load_idx %arg11[%iota3A, %add3A_627] : memref<16x128xf32, #tpu.memory_space<vmem>>[vector<16xi32>, vector<16xi32>], vector<16xf32>,
        %sub3A_629 = arith.subf %gather3A_628, %gather3A_624 : vector<16xf32>
        %mul3A_630 = arith.mulf %sub3A_629, %convert_element_type3A_203 : vector<16xf32>
        %mul3A_631 = arith.mulf %mul3A_630, %mul3A_630 : vector<16xf32>
        %add3A_632 = arith.addf %add3A_588, %mul3A_631 : vector<16xf32>
        %broadcast_in_dim3A_633 = arith.constant 39 : i32
        %broadcast_in_dim3A_634 = vector.broadcast %broadcast_in_dim3A_633 : i32 to vector<16xi32>
        %gather3A_635 = tpu.vector_load_idx %arg10[%broadcast_in_dim3A_84, %broadcast_in_dim3A_634, %and3A_184] : memref<2x64x512xf32, #tpu.memory_space<vmem>>[vector<16xi32>, vector<16xi32>, vector<16xi32>], vector<16xf32>,
        %add3A_636 = arith.constant 39 : i32
        %add3A_637 = vector.broadcast %add3A_636 : i32 to vector<16xi32>
        %add3A_638 = arith.addi %shift_left3A_189, %add3A_637 : vector<16xi32>
        %gather3A_639 = tpu.vector_load_idx %arg11[%iota3A, %add3A_638] : memref<16x128xf32, #tpu.memory_space<vmem>>[vector<16xi32>, vector<16xi32>], vector<16xf32>,
        %sub3A_640 = arith.subf %gather3A_639, %gather3A_635 : vector<16xf32>
        %mul3A_641 = arith.mulf %sub3A_640, %convert_element_type3A_203 : vector<16xf32>
        %mul3A_642 = arith.mulf %mul3A_641, %mul3A_641 : vector<16xf32>
        %add3A_643 = arith.addf %add3A_599, %mul3A_642 : vector<16xf32>
        %broadcast_in_dim3A_644 = arith.constant 40 : i32
        %broadcast_in_dim3A_645 = vector.broadcast %broadcast_in_dim3A_644 : i32 to vector<16xi32>
        %gather3A_646 = tpu.vector_load_idx %arg10[%broadcast_in_dim3A_84, %broadcast_in_dim3A_645, %and3A_184] : memref<2x64x512xf32, #tpu.memory_space<vmem>>[vector<16xi32>, vector<16xi32>, vector<16xi32>], vector<16xf32>,
        %add3A_647 = arith.constant 40 : i32
        %add3A_648 = vector.broadcast %add3A_647 : i32 to vector<16xi32>
        %add3A_649 = arith.addi %shift_left3A_189, %add3A_648 : vector<16xi32>
        %gather3A_650 = tpu.vector_load_idx %arg11[%iota3A, %add3A_649] : memref<16x128xf32, #tpu.memory_space<vmem>>[vector<16xi32>, vector<16xi32>], vector<16xf32>,
        %sub3A_651 = arith.subf %gather3A_650, %gather3A_646 : vector<16xf32>
        %mul3A_652 = arith.mulf %sub3A_651, %convert_element_type3A_203 : vector<16xf32>
        %mul3A_653 = arith.mulf %mul3A_652, %mul3A_652 : vector<16xf32>
        %add3A_654 = arith.addf %add3A_610, %mul3A_653 : vector<16xf32>
        %broadcast_in_dim3A_655 = arith.constant 41 : i32
        %broadcast_in_dim3A_656 = vector.broadcast %broadcast_in_dim3A_655 : i32 to vector<16xi32>
        %gather3A_657 = tpu.vector_load_idx %arg10[%broadcast_in_dim3A_84, %broadcast_in_dim3A_656, %and3A_184] : memref<2x64x512xf32, #tpu.memory_space<vmem>>[vector<16xi32>, vector<16xi32>, vector<16xi32>], vector<16xf32>,
        %add3A_658 = arith.constant 41 : i32
        %add3A_659 = vector.broadcast %add3A_658 : i32 to vector<16xi32>
        %add3A_660 = arith.addi %shift_left3A_189, %add3A_659 : vector<16xi32>
        %gather3A_661 = tpu.vector_load_idx %arg11[%iota3A, %add3A_660] : memref<16x128xf32, #tpu.memory_space<vmem>>[vector<16xi32>, vector<16xi32>], vector<16xf32>,
        %sub3A_662 = arith.subf %gather3A_661, %gather3A_657 : vector<16xf32>
        %mul3A_663 = arith.mulf %sub3A_662, %convert_element_type3A_203 : vector<16xf32>
        %mul3A_664 = arith.mulf %mul3A_663, %mul3A_663 : vector<16xf32>
        %add3A_665 = arith.addf %add3A_621, %mul3A_664 : vector<16xf32>
        %broadcast_in_dim3A_666 = arith.constant 42 : i32
        %broadcast_in_dim3A_667 = vector.broadcast %broadcast_in_dim3A_666 : i32 to vector<16xi32>
        %gather3A_668 = tpu.vector_load_idx %arg10[%broadcast_in_dim3A_84, %broadcast_in_dim3A_667, %and3A_184] : memref<2x64x512xf32, #tpu.memory_space<vmem>>[vector<16xi32>, vector<16xi32>, vector<16xi32>], vector<16xf32>,
        %add3A_669 = arith.constant 42 : i32
        %add3A_670 = vector.broadcast %add3A_669 : i32 to vector<16xi32>
        %add3A_671 = arith.addi %shift_left3A_189, %add3A_670 : vector<16xi32>
        %gather3A_672 = tpu.vector_load_idx %arg11[%iota3A, %add3A_671] : memref<16x128xf32, #tpu.memory_space<vmem>>[vector<16xi32>, vector<16xi32>], vector<16xf32>,
        %sub3A_673 = arith.subf %gather3A_672, %gather3A_668 : vector<16xf32>
        %mul3A_674 = arith.mulf %sub3A_673, %convert_element_type3A_203 : vector<16xf32>
        %mul3A_675 = arith.mulf %mul3A_674, %mul3A_674 : vector<16xf32>
        %add3A_676 = arith.addf %add3A_632, %mul3A_675 : vector<16xf32>
        %broadcast_in_dim3A_677 = arith.constant 43 : i32
        %broadcast_in_dim3A_678 = vector.broadcast %broadcast_in_dim3A_677 : i32 to vector<16xi32>
        %gather3A_679 = tpu.vector_load_idx %arg10[%broadcast_in_dim3A_84, %broadcast_in_dim3A_678, %and3A_184] : memref<2x64x512xf32, #tpu.memory_space<vmem>>[vector<16xi32>, vector<16xi32>, vector<16xi32>], vector<16xf32>,
        %add3A_680 = arith.constant 43 : i32
        %add3A_681 = vector.broadcast %add3A_680 : i32 to vector<16xi32>
        %add3A_682 = arith.addi %shift_left3A_189, %add3A_681 : vector<16xi32>
        %gather3A_683 = tpu.vector_load_idx %arg11[%iota3A, %add3A_682] : memref<16x128xf32, #tpu.memory_space<vmem>>[vector<16xi32>, vector<16xi32>], vector<16xf32>,
        %sub3A_684 = arith.subf %gather3A_683, %gather3A_679 : vector<16xf32>
        %mul3A_685 = arith.mulf %sub3A_684, %convert_element_type3A_203 : vector<16xf32>
        %mul3A_686 = arith.mulf %mul3A_685, %mul3A_685 : vector<16xf32>
        %add3A_687 = arith.addf %add3A_643, %mul3A_686 : vector<16xf32>
        %broadcast_in_dim3A_688 = arith.constant 44 : i32
        %broadcast_in_dim3A_689 = vector.broadcast %broadcast_in_dim3A_688 : i32 to vector<16xi32>
        %gather3A_690 = tpu.vector_load_idx %arg10[%broadcast_in_dim3A_84, %broadcast_in_dim3A_689, %and3A_184] : memref<2x64x512xf32, #tpu.memory_space<vmem>>[vector<16xi32>, vector<16xi32>, vector<16xi32>], vector<16xf32>,
        %add3A_691 = arith.constant 44 : i32
        %add3A_692 = vector.broadcast %add3A_691 : i32 to vector<16xi32>
        %add3A_693 = arith.addi %shift_left3A_189, %add3A_692 : vector<16xi32>
        %gather3A_694 = tpu.vector_load_idx %arg11[%iota3A, %add3A_693] : memref<16x128xf32, #tpu.memory_space<vmem>>[vector<16xi32>, vector<16xi32>], vector<16xf32>,
        %sub3A_695 = arith.subf %gather3A_694, %gather3A_690 : vector<16xf32>
        %mul3A_696 = arith.mulf %sub3A_695, %convert_element_type3A_203 : vector<16xf32>
        %mul3A_697 = arith.mulf %mul3A_696, %mul3A_696 : vector<16xf32>
        %add3A_698 = arith.addf %add3A_654, %mul3A_697 : vector<16xf32>
        %broadcast_in_dim3A_699 = arith.constant 45 : i32
        %broadcast_in_dim3A_700 = vector.broadcast %broadcast_in_dim3A_699 : i32 to vector<16xi32>
        %gather3A_701 = tpu.vector_load_idx %arg10[%broadcast_in_dim3A_84, %broadcast_in_dim3A_700, %and3A_184] : memref<2x64x512xf32, #tpu.memory_space<vmem>>[vector<16xi32>, vector<16xi32>, vector<16xi32>], vector<16xf32>,
        %add3A_702 = arith.constant 45 : i32
        %add3A_703 = vector.broadcast %add3A_702 : i32 to vector<16xi32>
        %add3A_704 = arith.addi %shift_left3A_189, %add3A_703 : vector<16xi32>
        %gather3A_705 = tpu.vector_load_idx %arg11[%iota3A, %add3A_704] : memref<16x128xf32, #tpu.memory_space<vmem>>[vector<16xi32>, vector<16xi32>], vector<16xf32>,
        %sub3A_706 = arith.subf %gather3A_705, %gather3A_701 : vector<16xf32>
        %mul3A_707 = arith.mulf %sub3A_706, %convert_element_type3A_203 : vector<16xf32>
        %mul3A_708 = arith.mulf %mul3A_707, %mul3A_707 : vector<16xf32>
        %add3A_709 = arith.addf %add3A_665, %mul3A_708 : vector<16xf32>
        %broadcast_in_dim3A_710 = arith.constant 46 : i32
        %broadcast_in_dim3A_711 = vector.broadcast %broadcast_in_dim3A_710 : i32 to vector<16xi32>
        %gather3A_712 = tpu.vector_load_idx %arg10[%broadcast_in_dim3A_84, %broadcast_in_dim3A_711, %and3A_184] : memref<2x64x512xf32, #tpu.memory_space<vmem>>[vector<16xi32>, vector<16xi32>, vector<16xi32>], vector<16xf32>,
        %add3A_713 = arith.constant 46 : i32
        %add3A_714 = vector.broadcast %add3A_713 : i32 to vector<16xi32>
        %add3A_715 = arith.addi %shift_left3A_189, %add3A_714 : vector<16xi32>
        %gather3A_716 = tpu.vector_load_idx %arg11[%iota3A, %add3A_715] : memref<16x128xf32, #tpu.memory_space<vmem>>[vector<16xi32>, vector<16xi32>], vector<16xf32>,
        %sub3A_717 = arith.subf %gather3A_716, %gather3A_712 : vector<16xf32>
        %mul3A_718 = arith.mulf %sub3A_717, %convert_element_type3A_203 : vector<16xf32>
        %mul3A_719 = arith.mulf %mul3A_718, %mul3A_718 : vector<16xf32>
        %add3A_720 = arith.addf %add3A_676, %mul3A_719 : vector<16xf32>
        %broadcast_in_dim3A_721 = arith.constant 47 : i32
        %broadcast_in_dim3A_722 = vector.broadcast %broadcast_in_dim3A_721 : i32 to vector<16xi32>
        %gather3A_723 = tpu.vector_load_idx %arg10[%broadcast_in_dim3A_84, %broadcast_in_dim3A_722, %and3A_184] : memref<2x64x512xf32, #tpu.memory_space<vmem>>[vector<16xi32>, vector<16xi32>, vector<16xi32>], vector<16xf32>,
        %add3A_724 = arith.constant 47 : i32
        %add3A_725 = vector.broadcast %add3A_724 : i32 to vector<16xi32>
        %add3A_726 = arith.addi %shift_left3A_189, %add3A_725 : vector<16xi32>
        %gather3A_727 = tpu.vector_load_idx %arg11[%iota3A, %add3A_726] : memref<16x128xf32, #tpu.memory_space<vmem>>[vector<16xi32>, vector<16xi32>], vector<16xf32>,
        %sub3A_728 = arith.subf %gather3A_727, %gather3A_723 : vector<16xf32>
        %mul3A_729 = arith.mulf %sub3A_728, %convert_element_type3A_203 : vector<16xf32>
        %mul3A_730 = arith.mulf %mul3A_729, %mul3A_729 : vector<16xf32>
        %add3A_731 = arith.addf %add3A_687, %mul3A_730 : vector<16xf32>
        %broadcast_in_dim3A_732 = arith.constant 48 : i32
        %broadcast_in_dim3A_733 = vector.broadcast %broadcast_in_dim3A_732 : i32 to vector<16xi32>
        %gather3A_734 = tpu.vector_load_idx %arg10[%broadcast_in_dim3A_84, %broadcast_in_dim3A_733, %and3A_184] : memref<2x64x512xf32, #tpu.memory_space<vmem>>[vector<16xi32>, vector<16xi32>, vector<16xi32>], vector<16xf32>,
        %add3A_735 = arith.constant 48 : i32
        %add3A_736 = vector.broadcast %add3A_735 : i32 to vector<16xi32>
        %add3A_737 = arith.addi %shift_left3A_189, %add3A_736 : vector<16xi32>
        %gather3A_738 = tpu.vector_load_idx %arg11[%iota3A, %add3A_737] : memref<16x128xf32, #tpu.memory_space<vmem>>[vector<16xi32>, vector<16xi32>], vector<16xf32>,
        %sub3A_739 = arith.subf %gather3A_738, %gather3A_734 : vector<16xf32>
        %mul3A_740 = arith.mulf %sub3A_739, %convert_element_type3A_203 : vector<16xf32>
        %mul3A_741 = arith.mulf %mul3A_740, %mul3A_740 : vector<16xf32>
        %add3A_742 = arith.addf %add3A_698, %mul3A_741 : vector<16xf32>
        %broadcast_in_dim3A_743 = arith.constant 49 : i32
        %broadcast_in_dim3A_744 = vector.broadcast %broadcast_in_dim3A_743 : i32 to vector<16xi32>
        %gather3A_745 = tpu.vector_load_idx %arg10[%broadcast_in_dim3A_84, %broadcast_in_dim3A_744, %and3A_184] : memref<2x64x512xf32, #tpu.memory_space<vmem>>[vector<16xi32>, vector<16xi32>, vector<16xi32>], vector<16xf32>,
        %add3A_746 = arith.constant 49 : i32
        %add3A_747 = vector.broadcast %add3A_746 : i32 to vector<16xi32>
        %add3A_748 = arith.addi %shift_left3A_189, %add3A_747 : vector<16xi32>
        %gather3A_749 = tpu.vector_load_idx %arg11[%iota3A, %add3A_748] : memref<16x128xf32, #tpu.memory_space<vmem>>[vector<16xi32>, vector<16xi32>], vector<16xf32>,
        %sub3A_750 = arith.subf %gather3A_749, %gather3A_745 : vector<16xf32>
        %mul3A_751 = arith.mulf %sub3A_750, %convert_element_type3A_203 : vector<16xf32>
        %mul3A_752 = arith.mulf %mul3A_751, %mul3A_751 : vector<16xf32>
        %add3A_753 = arith.addf %add3A_709, %mul3A_752 : vector<16xf32>
        %broadcast_in_dim3A_754 = arith.constant 50 : i32
        %broadcast_in_dim3A_755 = vector.broadcast %broadcast_in_dim3A_754 : i32 to vector<16xi32>
        %gather3A_756 = tpu.vector_load_idx %arg10[%broadcast_in_dim3A_84, %broadcast_in_dim3A_755, %and3A_184] : memref<2x64x512xf32, #tpu.memory_space<vmem>>[vector<16xi32>, vector<16xi32>, vector<16xi32>], vector<16xf32>,
        %add3A_757 = arith.constant 50 : i32
        %add3A_758 = vector.broadcast %add3A_757 : i32 to vector<16xi32>
        %add3A_759 = arith.addi %shift_left3A_189, %add3A_758 : vector<16xi32>
        %gather3A_760 = tpu.vector_load_idx %arg11[%iota3A, %add3A_759] : memref<16x128xf32, #tpu.memory_space<vmem>>[vector<16xi32>, vector<16xi32>], vector<16xf32>,
        %sub3A_761 = arith.subf %gather3A_760, %gather3A_756 : vector<16xf32>
        %mul3A_762 = arith.mulf %sub3A_761, %convert_element_type3A_203 : vector<16xf32>
        %mul3A_763 = arith.mulf %mul3A_762, %mul3A_762 : vector<16xf32>
        %add3A_764 = arith.addf %add3A_720, %mul3A_763 : vector<16xf32>
        %broadcast_in_dim3A_765 = arith.constant 51 : i32
        %broadcast_in_dim3A_766 = vector.broadcast %broadcast_in_dim3A_765 : i32 to vector<16xi32>
        %gather3A_767 = tpu.vector_load_idx %arg10[%broadcast_in_dim3A_84, %broadcast_in_dim3A_766, %and3A_184] : memref<2x64x512xf32, #tpu.memory_space<vmem>>[vector<16xi32>, vector<16xi32>, vector<16xi32>], vector<16xf32>,
        %add3A_768 = arith.constant 51 : i32
        %add3A_769 = vector.broadcast %add3A_768 : i32 to vector<16xi32>
        %add3A_770 = arith.addi %shift_left3A_189, %add3A_769 : vector<16xi32>
        %gather3A_771 = tpu.vector_load_idx %arg11[%iota3A, %add3A_770] : memref<16x128xf32, #tpu.memory_space<vmem>>[vector<16xi32>, vector<16xi32>], vector<16xf32>,
        %sub3A_772 = arith.subf %gather3A_771, %gather3A_767 : vector<16xf32>
        %mul3A_773 = arith.mulf %sub3A_772, %convert_element_type3A_203 : vector<16xf32>
        %mul3A_774 = arith.mulf %mul3A_773, %mul3A_773 : vector<16xf32>
        %add3A_775 = arith.addf %add3A_731, %mul3A_774 : vector<16xf32>
        %broadcast_in_dim3A_776 = arith.constant 52 : i32
        %broadcast_in_dim3A_777 = vector.broadcast %broadcast_in_dim3A_776 : i32 to vector<16xi32>
        %gather3A_778 = tpu.vector_load_idx %arg10[%broadcast_in_dim3A_84, %broadcast_in_dim3A_777, %and3A_184] : memref<2x64x512xf32, #tpu.memory_space<vmem>>[vector<16xi32>, vector<16xi32>, vector<16xi32>], vector<16xf32>,
        %add3A_779 = arith.constant 52 : i32
        %add3A_780 = vector.broadcast %add3A_779 : i32 to vector<16xi32>
        %add3A_781 = arith.addi %shift_left3A_189, %add3A_780 : vector<16xi32>
        %gather3A_782 = tpu.vector_load_idx %arg11[%iota3A, %add3A_781] : memref<16x128xf32, #tpu.memory_space<vmem>>[vector<16xi32>, vector<16xi32>], vector<16xf32>,
        %sub3A_783 = arith.subf %gather3A_782, %gather3A_778 : vector<16xf32>
        %mul3A_784 = arith.mulf %sub3A_783, %convert_element_type3A_203 : vector<16xf32>
        %mul3A_785 = arith.mulf %mul3A_784, %mul3A_784 : vector<16xf32>
        %add3A_786 = arith.addf %add3A_742, %mul3A_785 : vector<16xf32>
        %broadcast_in_dim3A_787 = arith.constant 53 : i32
        %broadcast_in_dim3A_788 = vector.broadcast %broadcast_in_dim3A_787 : i32 to vector<16xi32>
        %gather3A_789 = tpu.vector_load_idx %arg10[%broadcast_in_dim3A_84, %broadcast_in_dim3A_788, %and3A_184] : memref<2x64x512xf32, #tpu.memory_space<vmem>>[vector<16xi32>, vector<16xi32>, vector<16xi32>], vector<16xf32>,
        %add3A_790 = arith.constant 53 : i32
        %add3A_791 = vector.broadcast %add3A_790 : i32 to vector<16xi32>
        %add3A_792 = arith.addi %shift_left3A_189, %add3A_791 : vector<16xi32>
        %gather3A_793 = tpu.vector_load_idx %arg11[%iota3A, %add3A_792] : memref<16x128xf32, #tpu.memory_space<vmem>>[vector<16xi32>, vector<16xi32>], vector<16xf32>,
        %sub3A_794 = arith.subf %gather3A_793, %gather3A_789 : vector<16xf32>
        %mul3A_795 = arith.mulf %sub3A_794, %convert_element_type3A_203 : vector<16xf32>
        %mul3A_796 = arith.mulf %mul3A_795, %mul3A_795 : vector<16xf32>
        %add3A_797 = arith.addf %add3A_753, %mul3A_796 : vector<16xf32>
        %broadcast_in_dim3A_798 = arith.constant 54 : i32
        %broadcast_in_dim3A_799 = vector.broadcast %broadcast_in_dim3A_798 : i32 to vector<16xi32>
        %gather3A_800 = tpu.vector_load_idx %arg10[%broadcast_in_dim3A_84, %broadcast_in_dim3A_799, %and3A_184] : memref<2x64x512xf32, #tpu.memory_space<vmem>>[vector<16xi32>, vector<16xi32>, vector<16xi32>], vector<16xf32>,
        %add3A_801 = arith.constant 54 : i32
        %add3A_802 = vector.broadcast %add3A_801 : i32 to vector<16xi32>
        %add3A_803 = arith.addi %shift_left3A_189, %add3A_802 : vector<16xi32>
        %gather3A_804 = tpu.vector_load_idx %arg11[%iota3A, %add3A_803] : memref<16x128xf32, #tpu.memory_space<vmem>>[vector<16xi32>, vector<16xi32>], vector<16xf32>,
        %sub3A_805 = arith.subf %gather3A_804, %gather3A_800 : vector<16xf32>
        %mul3A_806 = arith.mulf %sub3A_805, %convert_element_type3A_203 : vector<16xf32>
        %mul3A_807 = arith.mulf %mul3A_806, %mul3A_806 : vector<16xf32>
        %add3A_808 = arith.addf %add3A_764, %mul3A_807 : vector<16xf32>
        %broadcast_in_dim3A_809 = arith.constant 55 : i32
        %broadcast_in_dim3A_810 = vector.broadcast %broadcast_in_dim3A_809 : i32 to vector<16xi32>
        %gather3A_811 = tpu.vector_load_idx %arg10[%broadcast_in_dim3A_84, %broadcast_in_dim3A_810, %and3A_184] : memref<2x64x512xf32, #tpu.memory_space<vmem>>[vector<16xi32>, vector<16xi32>, vector<16xi32>], vector<16xf32>,
        %add3A_812 = arith.constant 55 : i32
        %add3A_813 = vector.broadcast %add3A_812 : i32 to vector<16xi32>
        %add3A_814 = arith.addi %shift_left3A_189, %add3A_813 : vector<16xi32>
        %gather3A_815 = tpu.vector_load_idx %arg11[%iota3A, %add3A_814] : memref<16x128xf32, #tpu.memory_space<vmem>>[vector<16xi32>, vector<16xi32>], vector<16xf32>,
        %sub3A_816 = arith.subf %gather3A_815, %gather3A_811 : vector<16xf32>
        %mul3A_817 = arith.mulf %sub3A_816, %convert_element_type3A_203 : vector<16xf32>
        %mul3A_818 = arith.mulf %mul3A_817, %mul3A_817 : vector<16xf32>
        %add3A_819 = arith.addf %add3A_775, %mul3A_818 : vector<16xf32>
        %broadcast_in_dim3A_820 = arith.constant 56 : i32
        %broadcast_in_dim3A_821 = vector.broadcast %broadcast_in_dim3A_820 : i32 to vector<16xi32>
        %gather3A_822 = tpu.vector_load_idx %arg10[%broadcast_in_dim3A_84, %broadcast_in_dim3A_821, %and3A_184] : memref<2x64x512xf32, #tpu.memory_space<vmem>>[vector<16xi32>, vector<16xi32>, vector<16xi32>], vector<16xf32>,
        %add3A_823 = arith.constant 56 : i32
        %add3A_824 = vector.broadcast %add3A_823 : i32 to vector<16xi32>
        %add3A_825 = arith.addi %shift_left3A_189, %add3A_824 : vector<16xi32>
        %gather3A_826 = tpu.vector_load_idx %arg11[%iota3A, %add3A_825] : memref<16x128xf32, #tpu.memory_space<vmem>>[vector<16xi32>, vector<16xi32>], vector<16xf32>,
        %sub3A_827 = arith.subf %gather3A_826, %gather3A_822 : vector<16xf32>
        %mul3A_828 = arith.mulf %sub3A_827, %convert_element_type3A_203 : vector<16xf32>
        %mul3A_829 = arith.mulf %mul3A_828, %mul3A_828 : vector<16xf32>
        %add3A_830 = arith.addf %add3A_786, %mul3A_829 : vector<16xf32>
        %broadcast_in_dim3A_831 = arith.constant 57 : i32
        %broadcast_in_dim3A_832 = vector.broadcast %broadcast_in_dim3A_831 : i32 to vector<16xi32>
        %gather3A_833 = tpu.vector_load_idx %arg10[%broadcast_in_dim3A_84, %broadcast_in_dim3A_832, %and3A_184] : memref<2x64x512xf32, #tpu.memory_space<vmem>>[vector<16xi32>, vector<16xi32>, vector<16xi32>], vector<16xf32>,
        %add3A_834 = arith.constant 57 : i32
        %add3A_835 = vector.broadcast %add3A_834 : i32 to vector<16xi32>
        %add3A_836 = arith.addi %shift_left3A_189, %add3A_835 : vector<16xi32>
        %gather3A_837 = tpu.vector_load_idx %arg11[%iota3A, %add3A_836] : memref<16x128xf32, #tpu.memory_space<vmem>>[vector<16xi32>, vector<16xi32>], vector<16xf32>,
        %sub3A_838 = arith.subf %gather3A_837, %gather3A_833 : vector<16xf32>
        %mul3A_839 = arith.mulf %sub3A_838, %convert_element_type3A_203 : vector<16xf32>
        %mul3A_840 = arith.mulf %mul3A_839, %mul3A_839 : vector<16xf32>
        %add3A_841 = arith.addf %add3A_797, %mul3A_840 : vector<16xf32>
        %broadcast_in_dim3A_842 = arith.constant 58 : i32
        %broadcast_in_dim3A_843 = vector.broadcast %broadcast_in_dim3A_842 : i32 to vector<16xi32>
        %gather3A_844 = tpu.vector_load_idx %arg10[%broadcast_in_dim3A_84, %broadcast_in_dim3A_843, %and3A_184] : memref<2x64x512xf32, #tpu.memory_space<vmem>>[vector<16xi32>, vector<16xi32>, vector<16xi32>], vector<16xf32>,
        %add3A_845 = arith.constant 58 : i32
        %add3A_846 = vector.broadcast %add3A_845 : i32 to vector<16xi32>
        %add3A_847 = arith.addi %shift_left3A_189, %add3A_846 : vector<16xi32>
        %gather3A_848 = tpu.vector_load_idx %arg11[%iota3A, %add3A_847] : memref<16x128xf32, #tpu.memory_space<vmem>>[vector<16xi32>, vector<16xi32>], vector<16xf32>,
        %sub3A_849 = arith.subf %gather3A_848, %gather3A_844 : vector<16xf32>
        %mul3A_850 = arith.mulf %sub3A_849, %convert_element_type3A_203 : vector<16xf32>
        %mul3A_851 = arith.mulf %mul3A_850, %mul3A_850 : vector<16xf32>
        %add3A_852 = arith.addf %add3A_808, %mul3A_851 : vector<16xf32>
        %broadcast_in_dim3A_853 = arith.constant 59 : i32
        %broadcast_in_dim3A_854 = vector.broadcast %broadcast_in_dim3A_853 : i32 to vector<16xi32>
        %gather3A_855 = tpu.vector_load_idx %arg10[%broadcast_in_dim3A_84, %broadcast_in_dim3A_854, %and3A_184] : memref<2x64x512xf32, #tpu.memory_space<vmem>>[vector<16xi32>, vector<16xi32>, vector<16xi32>], vector<16xf32>,
        %add3A_856 = arith.constant 59 : i32
        %add3A_857 = vector.broadcast %add3A_856 : i32 to vector<16xi32>
        %add3A_858 = arith.addi %shift_left3A_189, %add3A_857 : vector<16xi32>
        %gather3A_859 = tpu.vector_load_idx %arg11[%iota3A, %add3A_858] : memref<16x128xf32, #tpu.memory_space<vmem>>[vector<16xi32>, vector<16xi32>], vector<16xf32>,
        %sub3A_860 = arith.subf %gather3A_859, %gather3A_855 : vector<16xf32>
        %mul3A_861 = arith.mulf %sub3A_860, %convert_element_type3A_203 : vector<16xf32>
        %mul3A_862 = arith.mulf %mul3A_861, %mul3A_861 : vector<16xf32>
        %add3A_863 = arith.addf %add3A_819, %mul3A_862 : vector<16xf32>
        %broadcast_in_dim3A_864 = arith.constant 60 : i32
        %broadcast_in_dim3A_865 = vector.broadcast %broadcast_in_dim3A_864 : i32 to vector<16xi32>
        %gather3A_866 = tpu.vector_load_idx %arg10[%broadcast_in_dim3A_84, %broadcast_in_dim3A_865, %and3A_184] : memref<2x64x512xf32, #tpu.memory_space<vmem>>[vector<16xi32>, vector<16xi32>, vector<16xi32>], vector<16xf32>,
        %add3A_867 = arith.constant 60 : i32
        %add3A_868 = vector.broadcast %add3A_867 : i32 to vector<16xi32>
        %add3A_869 = arith.addi %shift_left3A_189, %add3A_868 : vector<16xi32>
        %gather3A_870 = tpu.vector_load_idx %arg11[%iota3A, %add3A_869] : memref<16x128xf32, #tpu.memory_space<vmem>>[vector<16xi32>, vector<16xi32>], vector<16xf32>,
        %sub3A_871 = arith.subf %gather3A_870, %gather3A_866 : vector<16xf32>
        %mul3A_872 = arith.mulf %sub3A_871, %convert_element_type3A_203 : vector<16xf32>
        %mul3A_873 = arith.mulf %mul3A_872, %mul3A_872 : vector<16xf32>
        %add3A_874 = arith.addf %add3A_830, %mul3A_873 : vector<16xf32>
        %broadcast_in_dim3A_875 = arith.constant 61 : i32
        %broadcast_in_dim3A_876 = vector.broadcast %broadcast_in_dim3A_875 : i32 to vector<16xi32>
        %gather3A_877 = tpu.vector_load_idx %arg10[%broadcast_in_dim3A_84, %broadcast_in_dim3A_876, %and3A_184] : memref<2x64x512xf32, #tpu.memory_space<vmem>>[vector<16xi32>, vector<16xi32>, vector<16xi32>], vector<16xf32>,
        %add3A_878 = arith.constant 61 : i32
        %add3A_879 = vector.broadcast %add3A_878 : i32 to vector<16xi32>
        %add3A_880 = arith.addi %shift_left3A_189, %add3A_879 : vector<16xi32>
        %gather3A_881 = tpu.vector_load_idx %arg11[%iota3A, %add3A_880] : memref<16x128xf32, #tpu.memory_space<vmem>>[vector<16xi32>, vector<16xi32>], vector<16xf32>,
        %sub3A_882 = arith.subf %gather3A_881, %gather3A_877 : vector<16xf32>
        %mul3A_883 = arith.mulf %sub3A_882, %convert_element_type3A_203 : vector<16xf32>
        %mul3A_884 = arith.mulf %mul3A_883, %mul3A_883 : vector<16xf32>
        %add3A_885 = arith.addf %add3A_841, %mul3A_884 : vector<16xf32>
        %broadcast_in_dim3A_886 = arith.constant 62 : i32
        %broadcast_in_dim3A_887 = vector.broadcast %broadcast_in_dim3A_886 : i32 to vector<16xi32>
        %gather3A_888 = tpu.vector_load_idx %arg10[%broadcast_in_dim3A_84, %broadcast_in_dim3A_887, %and3A_184] : memref<2x64x512xf32, #tpu.memory_space<vmem>>[vector<16xi32>, vector<16xi32>, vector<16xi32>], vector<16xf32>,
        %add3A_889 = arith.constant 62 : i32
        %add3A_890 = vector.broadcast %add3A_889 : i32 to vector<16xi32>
        %add3A_891 = arith.addi %shift_left3A_189, %add3A_890 : vector<16xi32>
        %gather3A_892 = tpu.vector_load_idx %arg11[%iota3A, %add3A_891] : memref<16x128xf32, #tpu.memory_space<vmem>>[vector<16xi32>, vector<16xi32>], vector<16xf32>,
        %sub3A_893 = arith.subf %gather3A_892, %gather3A_888 : vector<16xf32>
        %mul3A_894 = arith.mulf %sub3A_893, %convert_element_type3A_203 : vector<16xf32>
        %mul3A_895 = arith.mulf %mul3A_894, %mul3A_894 : vector<16xf32>
        %add3A_896 = arith.addf %add3A_852, %mul3A_895 : vector<16xf32>
        %broadcast_in_dim3A_897 = arith.constant 63 : i32
        %broadcast_in_dim3A_898 = vector.broadcast %broadcast_in_dim3A_897 : i32 to vector<16xi32>
        %gather3A_899 = tpu.vector_load_idx %arg10[%broadcast_in_dim3A_84, %broadcast_in_dim3A_898, %and3A_184] : memref<2x64x512xf32, #tpu.memory_space<vmem>>[vector<16xi32>, vector<16xi32>, vector<16xi32>], vector<16xf32>,
        %add3A_900 = arith.constant 63 : i32
        %add3A_901 = vector.broadcast %add3A_900 : i32 to vector<16xi32>
        %add3A_902 = arith.addi %shift_left3A_189, %add3A_901 : vector<16xi32>
        %gather3A_903 = tpu.vector_load_idx %arg11[%iota3A, %add3A_902] : memref<16x128xf32, #tpu.memory_space<vmem>>[vector<16xi32>, vector<16xi32>], vector<16xf32>,
        %sub3A_904 = arith.subf %gather3A_903, %gather3A_899 : vector<16xf32>
        %mul3A_905 = arith.mulf %sub3A_904, %convert_element_type3A_203 : vector<16xf32>
        %mul3A_906 = arith.mulf %mul3A_905, %mul3A_905 : vector<16xf32>
        %add3A_907 = arith.addf %add3A_863, %mul3A_906 : vector<16xf32>
        scf.yield %add3A_874, %add3A_885, %add3A_896, %add3A_907 : vector<16xf32>, vector<16xf32>, vector<16xf32>, vector<16xf32>
      }
      %while3A_167 = arith.constant 1 : i32
      %while3A_168:4 = scf.for %while3A_169 = %while3A_164 to %while3A_160 step %while3A_167 iter_args(%while3A_170 = %while3A_166#0, %while3A_171 = %while3A_166#1, %while3A_172 = %while3A_166#2, %while3A_173 = %while3A_166#3) -> (vector<16xf32>, vector<16xf32>, vector<16xf32>, vector<16xf32>)  : i32 {
        %mul3A_174 = arith.constant 16 : i32
        %mul3A_175 = arith.muli %while3A_169, %mul3A_174 : i32
        %add3A_176 = vector.broadcast %mul3A_175 : i32 to vector<16xi32>
        %add3A_177 = arith.addi %iota3A, %add3A_176 : vector<16xi32>
        %min3A = arith.constant 16383 : i32
        %min3A_178 = vector.broadcast %min3A : i32 to vector<16xi32>
        %min3A_179 = arith.minsi %add3A_177, %min3A_178 : vector<16xi32>
        %gather3A = tpu.vector_load_idx %arg9[%min3A_179] : memref<16384xi32, #tpu.memory_space<vmem>>[vector<16xi32>], vector<16xi32>,
        %shift_right_logical3A = arith.constant 9 : i32
        %shift_right_logical3A_180 = vector.broadcast %shift_right_logical3A : i32 to vector<16xi32>
        %shift_right_logical3A_181 = arith.shrui %gather3A, %shift_right_logical3A_180 : vector<16xi32>
        %and3A_182 = arith.constant 511 : i32
        %and3A_183 = vector.broadcast %and3A_182 : i32 to vector<16xi32>
        %and3A_184 = arith.andi %gather3A, %and3A_183 : vector<16xi32>
        %and3A_185 = arith.constant 1 : i32
        %and3A_186 = vector.broadcast %and3A_185 : i32 to vector<16xi32>
        %and3A_187 = arith.andi %shift_right_logical3A_181, %and3A_186 : vector<16xi32>
        %shift_left3A = arith.constant 6 : i32
        %shift_left3A_188 = vector.broadcast %shift_left3A : i32 to vector<16xi32>
        %shift_left3A_189 = arith.shli %and3A_187, %shift_left3A_188 : vector<16xi32>
        %shift_right_logical3A_190 = arith.constant 1 : i32
        %shift_right_logical3A_191 = vector.broadcast %shift_right_logical3A_190 : i32 to vector<16xi32>
        %shift_right_logical3A_192 = arith.shrui %shift_right_logical3A_181, %shift_right_logical3A_191 : vector<16xi32>
        %dma_start3A = arith.constant 0 : i32
        %dma_start3A_193 = arith.constant 0 : i32
        %dma_start3A_194 = tpu.memref_slice %arg2[%dma_start3A, %dma_start3A_193] : memref<8192x128xf32, #tpu.memory_space<hbm>> -> memref<8192x128xf32, #tpu.memory_space<hbm>>
        tpu.enqueue_indirect_dma source(%dma_start3A_194 : memref<8192x128xf32, #tpu.memory_space<hbm>>) target(%arg11 : memref<16x128xf32, #tpu.memory_space<vmem>>) offsets(%shift_right_logical3A_192 : vector<16xi32>) semaphore(%arg15 : memref<!tpu.dma_semaphore, #tpu.memory_space<semaphore_mem>>)
        %dma_wait3A = arith.constant 0 : i32
        %dma_wait3A_195 = arith.constant 0 : i32
        %dma_wait3A_196 = tpu.memref_slice %arg2[%dma_wait3A, %dma_wait3A_195] : memref<8192x128xf32, #tpu.memory_space<hbm>> -> memref<8192x128xf32, #tpu.memory_space<hbm>>
        tpu.wait_indirect_dma semaphore(%arg15 : memref<!tpu.dma_semaphore, #tpu.memory_space<semaphore_mem>>) src(%dma_wait3A_196 : memref<8192x128xf32, #tpu.memory_space<hbm>>) dst(%arg11 : memref<16x128xf32, #tpu.memory_space<vmem>>)
        %sub3A_197 = arith.subi %broadcast_in_dim3A_129, %add3A_177 : vector<16xi32>
        %max3A = arith.constant 0 : i32
        %max3A_198 = vector.broadcast %max3A : i32 to vector<16xi32>
        %max3A_199 = arith.maxsi %sub3A_197, %max3A_198 : vector<16xi32>
        %min3A_200 = arith.constant 1 : i32
        %min3A_201 = vector.broadcast %min3A_200 : i32 to vector<16xi32>
        %min3A_202 = arith.minsi %max3A_199, %min3A_201 : vector<16xi32>
        %convert_element_type3A_203 = arith.sitofp %min3A_202 : vector<16xi32> to vector<16xf32>
        %broadcast_in_dim3A_204 = arith.constant 0 : i32
        %broadcast_in_dim3A_205 = vector.broadcast %broadcast_in_dim3A_204 : i32 to vector<16xi32>
        %gather3A_206 = tpu.vector_load_idx %arg10[%broadcast_in_dim3A_84, %broadcast_in_dim3A_205, %and3A_184] : memref<2x64x512xf32, #tpu.memory_space<vmem>>[vector<16xi32>, vector<16xi32>, vector<16xi32>], vector<16xf32>,
        %add3A_207 = arith.constant 0 : i32
        %add3A_208 = vector.broadcast %add3A_207 : i32 to vector<16xi32>
        %add3A_209 = arith.addi %shift_left3A_189, %add3A_208 : vector<16xi32>
        %gather3A_210 = tpu.vector_load_idx %arg11[%iota3A, %add3A_209] : memref<16x128xf32, #tpu.memory_space<vmem>>[vector<16xi32>, vector<16xi32>], vector<16xf32>,
        %sub3A_211 = arith.subf %gather3A_210, %gather3A_206 : vector<16xf32>
        %mul3A_212 = arith.mulf %sub3A_211, %convert_element_type3A_203 : vector<16xf32>
        %mul3A_213 = arith.mulf %mul3A_212, %mul3A_212 : vector<16xf32>
        %add3A_214 = arith.addf %while3A_170, %mul3A_213 : vector<16xf32>
        %broadcast_in_dim3A_215 = arith.constant 1 : i32
        %broadcast_in_dim3A_216 = vector.broadcast %broadcast_in_dim3A_215 : i32 to vector<16xi32>
        %gather3A_217 = tpu.vector_load_idx %arg10[%broadcast_in_dim3A_84, %broadcast_in_dim3A_216, %and3A_184] : memref<2x64x512xf32, #tpu.memory_space<vmem>>[vector<16xi32>, vector<16xi32>, vector<16xi32>], vector<16xf32>,
        %add3A_218 = arith.constant 1 : i32
        %add3A_219 = vector.broadcast %add3A_218 : i32 to vector<16xi32>
        %add3A_220 = arith.addi %shift_left3A_189, %add3A_219 : vector<16xi32>
        %gather3A_221 = tpu.vector_load_idx %arg11[%iota3A, %add3A_220] : memref<16x128xf32, #tpu.memory_space<vmem>>[vector<16xi32>, vector<16xi32>], vector<16xf32>,
        %sub3A_222 = arith.subf %gather3A_221, %gather3A_217 : vector<16xf32>
        %mul3A_223 = arith.mulf %sub3A_222, %convert_element_type3A_203 : vector<16xf32>
        %mul3A_224 = arith.mulf %mul3A_223, %mul3A_223 : vector<16xf32>
        %add3A_225 = arith.addf %while3A_171, %mul3A_224 : vector<16xf32>
        %broadcast_in_dim3A_226 = arith.constant 2 : i32
        %broadcast_in_dim3A_227 = vector.broadcast %broadcast_in_dim3A_226 : i32 to vector<16xi32>
        %gather3A_228 = tpu.vector_load_idx %arg10[%broadcast_in_dim3A_84, %broadcast_in_dim3A_227, %and3A_184] : memref<2x64x512xf32, #tpu.memory_space<vmem>>[vector<16xi32>, vector<16xi32>, vector<16xi32>], vector<16xf32>,
        %add3A_229 = arith.constant 2 : i32
        %add3A_230 = vector.broadcast %add3A_229 : i32 to vector<16xi32>
        %add3A_231 = arith.addi %shift_left3A_189, %add3A_230 : vector<16xi32>
        %gather3A_232 = tpu.vector_load_idx %arg11[%iota3A, %add3A_231] : memref<16x128xf32, #tpu.memory_space<vmem>>[vector<16xi32>, vector<16xi32>], vector<16xf32>,
        %sub3A_233 = arith.subf %gather3A_232, %gather3A_228 : vector<16xf32>
        %mul3A_234 = arith.mulf %sub3A_233, %convert_element_type3A_203 : vector<16xf32>
        %mul3A_235 = arith.mulf %mul3A_234, %mul3A_234 : vector<16xf32>
        %add3A_236 = arith.addf %while3A_172, %mul3A_235 : vector<16xf32>
        %broadcast_in_dim3A_237 = arith.constant 3 : i32
        %broadcast_in_dim3A_238 = vector.broadcast %broadcast_in_dim3A_237 : i32 to vector<16xi32>
        %gather3A_239 = tpu.vector_load_idx %arg10[%broadcast_in_dim3A_84, %broadcast_in_dim3A_238, %and3A_184] : memref<2x64x512xf32, #tpu.memory_space<vmem>>[vector<16xi32>, vector<16xi32>, vector<16xi32>], vector<16xf32>,
        %add3A_240 = arith.constant 3 : i32
        %add3A_241 = vector.broadcast %add3A_240 : i32 to vector<16xi32>
        %add3A_242 = arith.addi %shift_left3A_189, %add3A_241 : vector<16xi32>
        %gather3A_243 = tpu.vector_load_idx %arg11[%iota3A, %add3A_242] : memref<16x128xf32, #tpu.memory_space<vmem>>[vector<16xi32>, vector<16xi32>], vector<16xf32>,
        %sub3A_244 = arith.subf %gather3A_243, %gather3A_239 : vector<16xf32>
        %mul3A_245 = arith.mulf %sub3A_244, %convert_element_type3A_203 : vector<16xf32>
        %mul3A_246 = arith.mulf %mul3A_245, %mul3A_245 : vector<16xf32>
        %add3A_247 = arith.addf %while3A_173, %mul3A_246 : vector<16xf32>
        %broadcast_in_dim3A_248 = arith.constant 4 : i32
        %broadcast_in_dim3A_249 = vector.broadcast %broadcast_in_dim3A_248 : i32 to vector<16xi32>
        %gather3A_250 = tpu.vector_load_idx %arg10[%broadcast_in_dim3A_84, %broadcast_in_dim3A_249, %and3A_184] : memref<2x64x512xf32, #tpu.memory_space<vmem>>[vector<16xi32>, vector<16xi32>, vector<16xi32>], vector<16xf32>,
        %add3A_251 = arith.constant 4 : i32
        %add3A_252 = vector.broadcast %add3A_251 : i32 to vector<16xi32>
        %add3A_253 = arith.addi %shift_left3A_189, %add3A_252 : vector<16xi32>
        %gather3A_254 = tpu.vector_load_idx %arg11[%iota3A, %add3A_253] : memref<16x128xf32, #tpu.memory_space<vmem>>[vector<16xi32>, vector<16xi32>], vector<16xf32>,
        %sub3A_255 = arith.subf %gather3A_254, %gather3A_250 : vector<16xf32>
        %mul3A_256 = arith.mulf %sub3A_255, %convert_element_type3A_203 : vector<16xf32>
        %mul3A_257 = arith.mulf %mul3A_256, %mul3A_256 : vector<16xf32>
        %add3A_258 = arith.addf %add3A_214, %mul3A_257 : vector<16xf32>
        %broadcast_in_dim3A_259 = arith.constant 5 : i32
        %broadcast_in_dim3A_260 = vector.broadcast %broadcast_in_dim3A_259 : i32 to vector<16xi32>
        %gather3A_261 = tpu.vector_load_idx %arg10[%broadcast_in_dim3A_84, %broadcast_in_dim3A_260, %and3A_184] : memref<2x64x512xf32, #tpu.memory_space<vmem>>[vector<16xi32>, vector<16xi32>, vector<16xi32>], vector<16xf32>,
        %add3A_262 = arith.constant 5 : i32
        %add3A_263 = vector.broadcast %add3A_262 : i32 to vector<16xi32>
        %add3A_264 = arith.addi %shift_left3A_189, %add3A_263 : vector<16xi32>
        %gather3A_265 = tpu.vector_load_idx %arg11[%iota3A, %add3A_264] : memref<16x128xf32, #tpu.memory_space<vmem>>[vector<16xi32>, vector<16xi32>], vector<16xf32>,
        %sub3A_266 = arith.subf %gather3A_265, %gather3A_261 : vector<16xf32>
        %mul3A_267 = arith.mulf %sub3A_266, %convert_element_type3A_203 : vector<16xf32>
        %mul3A_268 = arith.mulf %mul3A_267, %mul3A_267 : vector<16xf32>
        %add3A_269 = arith.addf %add3A_225, %mul3A_268 : vector<16xf32>
        %broadcast_in_dim3A_270 = arith.constant 6 : i32
        %broadcast_in_dim3A_271 = vector.broadcast %broadcast_in_dim3A_270 : i32 to vector<16xi32>
        %gather3A_272 = tpu.vector_load_idx %arg10[%broadcast_in_dim3A_84, %broadcast_in_dim3A_271, %and3A_184] : memref<2x64x512xf32, #tpu.memory_space<vmem>>[vector<16xi32>, vector<16xi32>, vector<16xi32>], vector<16xf32>,
        %add3A_273 = arith.constant 6 : i32
        %add3A_274 = vector.broadcast %add3A_273 : i32 to vector<16xi32>
        %add3A_275 = arith.addi %shift_left3A_189, %add3A_274 : vector<16xi32>
        %gather3A_276 = tpu.vector_load_idx %arg11[%iota3A, %add3A_275] : memref<16x128xf32, #tpu.memory_space<vmem>>[vector<16xi32>, vector<16xi32>], vector<16xf32>,
        %sub3A_277 = arith.subf %gather3A_276, %gather3A_272 : vector<16xf32>
        %mul3A_278 = arith.mulf %sub3A_277, %convert_element_type3A_203 : vector<16xf32>
        %mul3A_279 = arith.mulf %mul3A_278, %mul3A_278 : vector<16xf32>
        %add3A_280 = arith.addf %add3A_236, %mul3A_279 : vector<16xf32>
        %broadcast_in_dim3A_281 = arith.constant 7 : i32
        %broadcast_in_dim3A_282 = vector.broadcast %broadcast_in_dim3A_281 : i32 to vector<16xi32>
        %gather3A_283 = tpu.vector_load_idx %arg10[%broadcast_in_dim3A_84, %broadcast_in_dim3A_282, %and3A_184] : memref<2x64x512xf32, #tpu.memory_space<vmem>>[vector<16xi32>, vector<16xi32>, vector<16xi32>], vector<16xf32>,
        %add3A_284 = arith.constant 7 : i32
        %add3A_285 = vector.broadcast %add3A_284 : i32 to vector<16xi32>
        %add3A_286 = arith.addi %shift_left3A_189, %add3A_285 : vector<16xi32>
        %gather3A_287 = tpu.vector_load_idx %arg11[%iota3A, %add3A_286] : memref<16x128xf32, #tpu.memory_space<vmem>>[vector<16xi32>, vector<16xi32>], vector<16xf32>,
        %sub3A_288 = arith.subf %gather3A_287, %gather3A_283 : vector<16xf32>
        %mul3A_289 = arith.mulf %sub3A_288, %convert_element_type3A_203 : vector<16xf32>
        %mul3A_290 = arith.mulf %mul3A_289, %mul3A_289 : vector<16xf32>
        %add3A_291 = arith.addf %add3A_247, %mul3A_290 : vector<16xf32>
        %broadcast_in_dim3A_292 = arith.constant 8 : i32
        %broadcast_in_dim3A_293 = vector.broadcast %broadcast_in_dim3A_292 : i32 to vector<16xi32>
        %gather3A_294 = tpu.vector_load_idx %arg10[%broadcast_in_dim3A_84, %broadcast_in_dim3A_293, %and3A_184] : memref<2x64x512xf32, #tpu.memory_space<vmem>>[vector<16xi32>, vector<16xi32>, vector<16xi32>], vector<16xf32>,
        %add3A_295 = arith.constant 8 : i32
        %add3A_296 = vector.broadcast %add3A_295 : i32 to vector<16xi32>
        %add3A_297 = arith.addi %shift_left3A_189, %add3A_296 : vector<16xi32>
        %gather3A_298 = tpu.vector_load_idx %arg11[%iota3A, %add3A_297] : memref<16x128xf32, #tpu.memory_space<vmem>>[vector<16xi32>, vector<16xi32>], vector<16xf32>,
        %sub3A_299 = arith.subf %gather3A_298, %gather3A_294 : vector<16xf32>
        %mul3A_300 = arith.mulf %sub3A_299, %convert_element_type3A_203 : vector<16xf32>
        %mul3A_301 = arith.mulf %mul3A_300, %mul3A_300 : vector<16xf32>
        %add3A_302 = arith.addf %add3A_258, %mul3A_301 : vector<16xf32>
        %broadcast_in_dim3A_303 = arith.constant 9 : i32
        %broadcast_in_dim3A_304 = vector.broadcast %broadcast_in_dim3A_303 : i32 to vector<16xi32>
        %gather3A_305 = tpu.vector_load_idx %arg10[%broadcast_in_dim3A_84, %broadcast_in_dim3A_304, %and3A_184] : memref<2x64x512xf32, #tpu.memory_space<vmem>>[vector<16xi32>, vector<16xi32>, vector<16xi32>], vector<16xf32>,
        %add3A_306 = arith.constant 9 : i32
        %add3A_307 = vector.broadcast %add3A_306 : i32 to vector<16xi32>
        %add3A_308 = arith.addi %shift_left3A_189, %add3A_307 : vector<16xi32>
        %gather3A_309 = tpu.vector_load_idx %arg11[%iota3A, %add3A_308] : memref<16x128xf32, #tpu.memory_space<vmem>>[vector<16xi32>, vector<16xi32>], vector<16xf32>,
        %sub3A_310 = arith.subf %gather3A_309, %gather3A_305 : vector<16xf32>
        %mul3A_311 = arith.mulf %sub3A_310, %convert_element_type3A_203 : vector<16xf32>
        %mul3A_312 = arith.mulf %mul3A_311, %mul3A_311 : vector<16xf32>
        %add3A_313 = arith.addf %add3A_269, %mul3A_312 : vector<16xf32>
        %broadcast_in_dim3A_314 = arith.constant 10 : i32
        %broadcast_in_dim3A_315 = vector.broadcast %broadcast_in_dim3A_314 : i32 to vector<16xi32>
        %gather3A_316 = tpu.vector_load_idx %arg10[%broadcast_in_dim3A_84, %broadcast_in_dim3A_315, %and3A_184] : memref<2x64x512xf32, #tpu.memory_space<vmem>>[vector<16xi32>, vector<16xi32>, vector<16xi32>], vector<16xf32>,
        %add3A_317 = arith.constant 10 : i32
        %add3A_318 = vector.broadcast %add3A_317 : i32 to vector<16xi32>
        %add3A_319 = arith.addi %shift_left3A_189, %add3A_318 : vector<16xi32>
        %gather3A_320 = tpu.vector_load_idx %arg11[%iota3A, %add3A_319] : memref<16x128xf32, #tpu.memory_space<vmem>>[vector<16xi32>, vector<16xi32>], vector<16xf32>,
        %sub3A_321 = arith.subf %gather3A_320, %gather3A_316 : vector<16xf32>
        %mul3A_322 = arith.mulf %sub3A_321, %convert_element_type3A_203 : vector<16xf32>
        %mul3A_323 = arith.mulf %mul3A_322, %mul3A_322 : vector<16xf32>
        %add3A_324 = arith.addf %add3A_280, %mul3A_323 : vector<16xf32>
        %broadcast_in_dim3A_325 = arith.constant 11 : i32
        %broadcast_in_dim3A_326 = vector.broadcast %broadcast_in_dim3A_325 : i32 to vector<16xi32>
        %gather3A_327 = tpu.vector_load_idx %arg10[%broadcast_in_dim3A_84, %broadcast_in_dim3A_326, %and3A_184] : memref<2x64x512xf32, #tpu.memory_space<vmem>>[vector<16xi32>, vector<16xi32>, vector<16xi32>], vector<16xf32>,
        %add3A_328 = arith.constant 11 : i32
        %add3A_329 = vector.broadcast %add3A_328 : i32 to vector<16xi32>
        %add3A_330 = arith.addi %shift_left3A_189, %add3A_329 : vector<16xi32>
        %gather3A_331 = tpu.vector_load_idx %arg11[%iota3A, %add3A_330] : memref<16x128xf32, #tpu.memory_space<vmem>>[vector<16xi32>, vector<16xi32>], vector<16xf32>,
        %sub3A_332 = arith.subf %gather3A_331, %gather3A_327 : vector<16xf32>
        %mul3A_333 = arith.mulf %sub3A_332, %convert_element_type3A_203 : vector<16xf32>
        %mul3A_334 = arith.mulf %mul3A_333, %mul3A_333 : vector<16xf32>
        %add3A_335 = arith.addf %add3A_291, %mul3A_334 : vector<16xf32>
        %broadcast_in_dim3A_336 = arith.constant 12 : i32
        %broadcast_in_dim3A_337 = vector.broadcast %broadcast_in_dim3A_336 : i32 to vector<16xi32>
        %gather3A_338 = tpu.vector_load_idx %arg10[%broadcast_in_dim3A_84, %broadcast_in_dim3A_337, %and3A_184] : memref<2x64x512xf32, #tpu.memory_space<vmem>>[vector<16xi32>, vector<16xi32>, vector<16xi32>], vector<16xf32>,
        %add3A_339 = arith.constant 12 : i32
        %add3A_340 = vector.broadcast %add3A_339 : i32 to vector<16xi32>
        %add3A_341 = arith.addi %shift_left3A_189, %add3A_340 : vector<16xi32>
        %gather3A_342 = tpu.vector_load_idx %arg11[%iota3A, %add3A_341] : memref<16x128xf32, #tpu.memory_space<vmem>>[vector<16xi32>, vector<16xi32>], vector<16xf32>,
        %sub3A_343 = arith.subf %gather3A_342, %gather3A_338 : vector<16xf32>
        %mul3A_344 = arith.mulf %sub3A_343, %convert_element_type3A_203 : vector<16xf32>
        %mul3A_345 = arith.mulf %mul3A_344, %mul3A_344 : vector<16xf32>
        %add3A_346 = arith.addf %add3A_302, %mul3A_345 : vector<16xf32>
        %broadcast_in_dim3A_347 = arith.constant 13 : i32
        %broadcast_in_dim3A_348 = vector.broadcast %broadcast_in_dim3A_347 : i32 to vector<16xi32>
        %gather3A_349 = tpu.vector_load_idx %arg10[%broadcast_in_dim3A_84, %broadcast_in_dim3A_348, %and3A_184] : memref<2x64x512xf32, #tpu.memory_space<vmem>>[vector<16xi32>, vector<16xi32>, vector<16xi32>], vector<16xf32>,
        %add3A_350 = arith.constant 13 : i32
        %add3A_351 = vector.broadcast %add3A_350 : i32 to vector<16xi32>
        %add3A_352 = arith.addi %shift_left3A_189, %add3A_351 : vector<16xi32>
        %gather3A_353 = tpu.vector_load_idx %arg11[%iota3A, %add3A_352] : memref<16x128xf32, #tpu.memory_space<vmem>>[vector<16xi32>, vector<16xi32>], vector<16xf32>,
        %sub3A_354 = arith.subf %gather3A_353, %gather3A_349 : vector<16xf32>
        %mul3A_355 = arith.mulf %sub3A_354, %convert_element_type3A_203 : vector<16xf32>
        %mul3A_356 = arith.mulf %mul3A_355, %mul3A_355 : vector<16xf32>
        %add3A_357 = arith.addf %add3A_313, %mul3A_356 : vector<16xf32>
        %broadcast_in_dim3A_358 = arith.constant 14 : i32
        %broadcast_in_dim3A_359 = vector.broadcast %broadcast_in_dim3A_358 : i32 to vector<16xi32>
        %gather3A_360 = tpu.vector_load_idx %arg10[%broadcast_in_dim3A_84, %broadcast_in_dim3A_359, %and3A_184] : memref<2x64x512xf32, #tpu.memory_space<vmem>>[vector<16xi32>, vector<16xi32>, vector<16xi32>], vector<16xf32>,
        %add3A_361 = arith.constant 14 : i32
        %add3A_362 = vector.broadcast %add3A_361 : i32 to vector<16xi32>
        %add3A_363 = arith.addi %shift_left3A_189, %add3A_362 : vector<16xi32>
        %gather3A_364 = tpu.vector_load_idx %arg11[%iota3A, %add3A_363] : memref<16x128xf32, #tpu.memory_space<vmem>>[vector<16xi32>, vector<16xi32>], vector<16xf32>,
        %sub3A_365 = arith.subf %gather3A_364, %gather3A_360 : vector<16xf32>
        %mul3A_366 = arith.mulf %sub3A_365, %convert_element_type3A_203 : vector<16xf32>
        %mul3A_367 = arith.mulf %mul3A_366, %mul3A_366 : vector<16xf32>
        %add3A_368 = arith.addf %add3A_324, %mul3A_367 : vector<16xf32>
        %broadcast_in_dim3A_369 = arith.constant 15 : i32
        %broadcast_in_dim3A_370 = vector.broadcast %broadcast_in_dim3A_369 : i32 to vector<16xi32>
        %gather3A_371 = tpu.vector_load_idx %arg10[%broadcast_in_dim3A_84, %broadcast_in_dim3A_370, %and3A_184] : memref<2x64x512xf32, #tpu.memory_space<vmem>>[vector<16xi32>, vector<16xi32>, vector<16xi32>], vector<16xf32>,
        %add3A_372 = arith.constant 15 : i32
        %add3A_373 = vector.broadcast %add3A_372 : i32 to vector<16xi32>
        %add3A_374 = arith.addi %shift_left3A_189, %add3A_373 : vector<16xi32>
        %gather3A_375 = tpu.vector_load_idx %arg11[%iota3A, %add3A_374] : memref<16x128xf32, #tpu.memory_space<vmem>>[vector<16xi32>, vector<16xi32>], vector<16xf32>,
        %sub3A_376 = arith.subf %gather3A_375, %gather3A_371 : vector<16xf32>
        %mul3A_377 = arith.mulf %sub3A_376, %convert_element_type3A_203 : vector<16xf32>
        %mul3A_378 = arith.mulf %mul3A_377, %mul3A_377 : vector<16xf32>
        %add3A_379 = arith.addf %add3A_335, %mul3A_378 : vector<16xf32>
        %broadcast_in_dim3A_380 = arith.constant 16 : i32
        %broadcast_in_dim3A_381 = vector.broadcast %broadcast_in_dim3A_380 : i32 to vector<16xi32>
        %gather3A_382 = tpu.vector_load_idx %arg10[%broadcast_in_dim3A_84, %broadcast_in_dim3A_381, %and3A_184] : memref<2x64x512xf32, #tpu.memory_space<vmem>>[vector<16xi32>, vector<16xi32>, vector<16xi32>], vector<16xf32>,
        %add3A_383 = arith.constant 16 : i32
        %add3A_384 = vector.broadcast %add3A_383 : i32 to vector<16xi32>
        %add3A_385 = arith.addi %shift_left3A_189, %add3A_384 : vector<16xi32>
        %gather3A_386 = tpu.vector_load_idx %arg11[%iota3A, %add3A_385] : memref<16x128xf32, #tpu.memory_space<vmem>>[vector<16xi32>, vector<16xi32>], vector<16xf32>,
        %sub3A_387 = arith.subf %gather3A_386, %gather3A_382 : vector<16xf32>
        %mul3A_388 = arith.mulf %sub3A_387, %convert_element_type3A_203 : vector<16xf32>
        %mul3A_389 = arith.mulf %mul3A_388, %mul3A_388 : vector<16xf32>
        %add3A_390 = arith.addf %add3A_346, %mul3A_389 : vector<16xf32>
        %broadcast_in_dim3A_391 = arith.constant 17 : i32
        %broadcast_in_dim3A_392 = vector.broadcast %broadcast_in_dim3A_391 : i32 to vector<16xi32>
        %gather3A_393 = tpu.vector_load_idx %arg10[%broadcast_in_dim3A_84, %broadcast_in_dim3A_392, %and3A_184] : memref<2x64x512xf32, #tpu.memory_space<vmem>>[vector<16xi32>, vector<16xi32>, vector<16xi32>], vector<16xf32>,
        %add3A_394 = arith.constant 17 : i32
        %add3A_395 = vector.broadcast %add3A_394 : i32 to vector<16xi32>
        %add3A_396 = arith.addi %shift_left3A_189, %add3A_395 : vector<16xi32>
        %gather3A_397 = tpu.vector_load_idx %arg11[%iota3A, %add3A_396] : memref<16x128xf32, #tpu.memory_space<vmem>>[vector<16xi32>, vector<16xi32>], vector<16xf32>,
        %sub3A_398 = arith.subf %gather3A_397, %gather3A_393 : vector<16xf32>
        %mul3A_399 = arith.mulf %sub3A_398, %convert_element_type3A_203 : vector<16xf32>
        %mul3A_400 = arith.mulf %mul3A_399, %mul3A_399 : vector<16xf32>
        %add3A_401 = arith.addf %add3A_357, %mul3A_400 : vector<16xf32>
        %broadcast_in_dim3A_402 = arith.constant 18 : i32
        %broadcast_in_dim3A_403 = vector.broadcast %broadcast_in_dim3A_402 : i32 to vector<16xi32>
        %gather3A_404 = tpu.vector_load_idx %arg10[%broadcast_in_dim3A_84, %broadcast_in_dim3A_403, %and3A_184] : memref<2x64x512xf32, #tpu.memory_space<vmem>>[vector<16xi32>, vector<16xi32>, vector<16xi32>], vector<16xf32>,
        %add3A_405 = arith.constant 18 : i32
        %add3A_406 = vector.broadcast %add3A_405 : i32 to vector<16xi32>
        %add3A_407 = arith.addi %shift_left3A_189, %add3A_406 : vector<16xi32>
        %gather3A_408 = tpu.vector_load_idx %arg11[%iota3A, %add3A_407] : memref<16x128xf32, #tpu.memory_space<vmem>>[vector<16xi32>, vector<16xi32>], vector<16xf32>,
        %sub3A_409 = arith.subf %gather3A_408, %gather3A_404 : vector<16xf32>
        %mul3A_410 = arith.mulf %sub3A_409, %convert_element_type3A_203 : vector<16xf32>
        %mul3A_411 = arith.mulf %mul3A_410, %mul3A_410 : vector<16xf32>
        %add3A_412 = arith.addf %add3A_368, %mul3A_411 : vector<16xf32>
        %broadcast_in_dim3A_413 = arith.constant 19 : i32
        %broadcast_in_dim3A_414 = vector.broadcast %broadcast_in_dim3A_413 : i32 to vector<16xi32>
        %gather3A_415 = tpu.vector_load_idx %arg10[%broadcast_in_dim3A_84, %broadcast_in_dim3A_414, %and3A_184] : memref<2x64x512xf32, #tpu.memory_space<vmem>>[vector<16xi32>, vector<16xi32>, vector<16xi32>], vector<16xf32>,
        %add3A_416 = arith.constant 19 : i32
        %add3A_417 = vector.broadcast %add3A_416 : i32 to vector<16xi32>
        %add3A_418 = arith.addi %shift_left3A_189, %add3A_417 : vector<16xi32>
        %gather3A_419 = tpu.vector_load_idx %arg11[%iota3A, %add3A_418] : memref<16x128xf32, #tpu.memory_space<vmem>>[vector<16xi32>, vector<16xi32>], vector<16xf32>,
        %sub3A_420 = arith.subf %gather3A_419, %gather3A_415 : vector<16xf32>
        %mul3A_421 = arith.mulf %sub3A_420, %convert_element_type3A_203 : vector<16xf32>
        %mul3A_422 = arith.mulf %mul3A_421, %mul3A_421 : vector<16xf32>
        %add3A_423 = arith.addf %add3A_379, %mul3A_422 : vector<16xf32>
        %broadcast_in_dim3A_424 = arith.constant 20 : i32
        %broadcast_in_dim3A_425 = vector.broadcast %broadcast_in_dim3A_424 : i32 to vector<16xi32>
        %gather3A_426 = tpu.vector_load_idx %arg10[%broadcast_in_dim3A_84, %broadcast_in_dim3A_425, %and3A_184] : memref<2x64x512xf32, #tpu.memory_space<vmem>>[vector<16xi32>, vector<16xi32>, vector<16xi32>], vector<16xf32>,
        %add3A_427 = arith.constant 20 : i32
        %add3A_428 = vector.broadcast %add3A_427 : i32 to vector<16xi32>
        %add3A_429 = arith.addi %shift_left3A_189, %add3A_428 : vector<16xi32>
        %gather3A_430 = tpu.vector_load_idx %arg11[%iota3A, %add3A_429] : memref<16x128xf32, #tpu.memory_space<vmem>>[vector<16xi32>, vector<16xi32>], vector<16xf32>,
        %sub3A_431 = arith.subf %gather3A_430, %gather3A_426 : vector<16xf32>
        %mul3A_432 = arith.mulf %sub3A_431, %convert_element_type3A_203 : vector<16xf32>
        %mul3A_433 = arith.mulf %mul3A_432, %mul3A_432 : vector<16xf32>
        %add3A_434 = arith.addf %add3A_390, %mul3A_433 : vector<16xf32>
        %broadcast_in_dim3A_435 = arith.constant 21 : i32
        %broadcast_in_dim3A_436 = vector.broadcast %broadcast_in_dim3A_435 : i32 to vector<16xi32>
        %gather3A_437 = tpu.vector_load_idx %arg10[%broadcast_in_dim3A_84, %broadcast_in_dim3A_436, %and3A_184] : memref<2x64x512xf32, #tpu.memory_space<vmem>>[vector<16xi32>, vector<16xi32>, vector<16xi32>], vector<16xf32>,
        %add3A_438 = arith.constant 21 : i32
        %add3A_439 = vector.broadcast %add3A_438 : i32 to vector<16xi32>
        %add3A_440 = arith.addi %shift_left3A_189, %add3A_439 : vector<16xi32>
        %gather3A_441 = tpu.vector_load_idx %arg11[%iota3A, %add3A_440] : memref<16x128xf32, #tpu.memory_space<vmem>>[vector<16xi32>, vector<16xi32>], vector<16xf32>,
        %sub3A_442 = arith.subf %gather3A_441, %gather3A_437 : vector<16xf32>
        %mul3A_443 = arith.mulf %sub3A_442, %convert_element_type3A_203 : vector<16xf32>
        %mul3A_444 = arith.mulf %mul3A_443, %mul3A_443 : vector<16xf32>
        %add3A_445 = arith.addf %add3A_401, %mul3A_444 : vector<16xf32>
        %broadcast_in_dim3A_446 = arith.constant 22 : i32
        %broadcast_in_dim3A_447 = vector.broadcast %broadcast_in_dim3A_446 : i32 to vector<16xi32>
        %gather3A_448 = tpu.vector_load_idx %arg10[%broadcast_in_dim3A_84, %broadcast_in_dim3A_447, %and3A_184] : memref<2x64x512xf32, #tpu.memory_space<vmem>>[vector<16xi32>, vector<16xi32>, vector<16xi32>], vector<16xf32>,
        %add3A_449 = arith.constant 22 : i32
        %add3A_450 = vector.broadcast %add3A_449 : i32 to vector<16xi32>
        %add3A_451 = arith.addi %shift_left3A_189, %add3A_450 : vector<16xi32>
        %gather3A_452 = tpu.vector_load_idx %arg11[%iota3A, %add3A_451] : memref<16x128xf32, #tpu.memory_space<vmem>>[vector<16xi32>, vector<16xi32>], vector<16xf32>,
        %sub3A_453 = arith.subf %gather3A_452, %gather3A_448 : vector<16xf32>
        %mul3A_454 = arith.mulf %sub3A_453, %convert_element_type3A_203 : vector<16xf32>
        %mul3A_455 = arith.mulf %mul3A_454, %mul3A_454 : vector<16xf32>
        %add3A_456 = arith.addf %add3A_412, %mul3A_455 : vector<16xf32>
        %broadcast_in_dim3A_457 = arith.constant 23 : i32
        %broadcast_in_dim3A_458 = vector.broadcast %broadcast_in_dim3A_457 : i32 to vector<16xi32>
        %gather3A_459 = tpu.vector_load_idx %arg10[%broadcast_in_dim3A_84, %broadcast_in_dim3A_458, %and3A_184] : memref<2x64x512xf32, #tpu.memory_space<vmem>>[vector<16xi32>, vector<16xi32>, vector<16xi32>], vector<16xf32>,
        %add3A_460 = arith.constant 23 : i32
        %add3A_461 = vector.broadcast %add3A_460 : i32 to vector<16xi32>
        %add3A_462 = arith.addi %shift_left3A_189, %add3A_461 : vector<16xi32>
        %gather3A_463 = tpu.vector_load_idx %arg11[%iota3A, %add3A_462] : memref<16x128xf32, #tpu.memory_space<vmem>>[vector<16xi32>, vector<16xi32>], vector<16xf32>,
        %sub3A_464 = arith.subf %gather3A_463, %gather3A_459 : vector<16xf32>
        %mul3A_465 = arith.mulf %sub3A_464, %convert_element_type3A_203 : vector<16xf32>
        %mul3A_466 = arith.mulf %mul3A_465, %mul3A_465 : vector<16xf32>
        %add3A_467 = arith.addf %add3A_423, %mul3A_466 : vector<16xf32>
        %broadcast_in_dim3A_468 = arith.constant 24 : i32
        %broadcast_in_dim3A_469 = vector.broadcast %broadcast_in_dim3A_468 : i32 to vector<16xi32>
        %gather3A_470 = tpu.vector_load_idx %arg10[%broadcast_in_dim3A_84, %broadcast_in_dim3A_469, %and3A_184] : memref<2x64x512xf32, #tpu.memory_space<vmem>>[vector<16xi32>, vector<16xi32>, vector<16xi32>], vector<16xf32>,
        %add3A_471 = arith.constant 24 : i32
        %add3A_472 = vector.broadcast %add3A_471 : i32 to vector<16xi32>
        %add3A_473 = arith.addi %shift_left3A_189, %add3A_472 : vector<16xi32>
        %gather3A_474 = tpu.vector_load_idx %arg11[%iota3A, %add3A_473] : memref<16x128xf32, #tpu.memory_space<vmem>>[vector<16xi32>, vector<16xi32>], vector<16xf32>,
        %sub3A_475 = arith.subf %gather3A_474, %gather3A_470 : vector<16xf32>
        %mul3A_476 = arith.mulf %sub3A_475, %convert_element_type3A_203 : vector<16xf32>
        %mul3A_477 = arith.mulf %mul3A_476, %mul3A_476 : vector<16xf32>
        %add3A_478 = arith.addf %add3A_434, %mul3A_477 : vector<16xf32>
        %broadcast_in_dim3A_479 = arith.constant 25 : i32
        %broadcast_in_dim3A_480 = vector.broadcast %broadcast_in_dim3A_479 : i32 to vector<16xi32>
        %gather3A_481 = tpu.vector_load_idx %arg10[%broadcast_in_dim3A_84, %broadcast_in_dim3A_480, %and3A_184] : memref<2x64x512xf32, #tpu.memory_space<vmem>>[vector<16xi32>, vector<16xi32>, vector<16xi32>], vector<16xf32>,
        %add3A_482 = arith.constant 25 : i32
        %add3A_483 = vector.broadcast %add3A_482 : i32 to vector<16xi32>
        %add3A_484 = arith.addi %shift_left3A_189, %add3A_483 : vector<16xi32>
        %gather3A_485 = tpu.vector_load_idx %arg11[%iota3A, %add3A_484] : memref<16x128xf32, #tpu.memory_space<vmem>>[vector<16xi32>, vector<16xi32>], vector<16xf32>,
        %sub3A_486 = arith.subf %gather3A_485, %gather3A_481 : vector<16xf32>
        %mul3A_487 = arith.mulf %sub3A_486, %convert_element_type3A_203 : vector<16xf32>
        %mul3A_488 = arith.mulf %mul3A_487, %mul3A_487 : vector<16xf32>
        %add3A_489 = arith.addf %add3A_445, %mul3A_488 : vector<16xf32>
        %broadcast_in_dim3A_490 = arith.constant 26 : i32
        %broadcast_in_dim3A_491 = vector.broadcast %broadcast_in_dim3A_490 : i32 to vector<16xi32>
        %gather3A_492 = tpu.vector_load_idx %arg10[%broadcast_in_dim3A_84, %broadcast_in_dim3A_491, %and3A_184] : memref<2x64x512xf32, #tpu.memory_space<vmem>>[vector<16xi32>, vector<16xi32>, vector<16xi32>], vector<16xf32>,
        %add3A_493 = arith.constant 26 : i32
        %add3A_494 = vector.broadcast %add3A_493 : i32 to vector<16xi32>
        %add3A_495 = arith.addi %shift_left3A_189, %add3A_494 : vector<16xi32>
        %gather3A_496 = tpu.vector_load_idx %arg11[%iota3A, %add3A_495] : memref<16x128xf32, #tpu.memory_space<vmem>>[vector<16xi32>, vector<16xi32>], vector<16xf32>,
        %sub3A_497 = arith.subf %gather3A_496, %gather3A_492 : vector<16xf32>
        %mul3A_498 = arith.mulf %sub3A_497, %convert_element_type3A_203 : vector<16xf32>
        %mul3A_499 = arith.mulf %mul3A_498, %mul3A_498 : vector<16xf32>
        %add3A_500 = arith.addf %add3A_456, %mul3A_499 : vector<16xf32>
        %broadcast_in_dim3A_501 = arith.constant 27 : i32
        %broadcast_in_dim3A_502 = vector.broadcast %broadcast_in_dim3A_501 : i32 to vector<16xi32>
        %gather3A_503 = tpu.vector_load_idx %arg10[%broadcast_in_dim3A_84, %broadcast_in_dim3A_502, %and3A_184] : memref<2x64x512xf32, #tpu.memory_space<vmem>>[vector<16xi32>, vector<16xi32>, vector<16xi32>], vector<16xf32>,
        %add3A_504 = arith.constant 27 : i32
        %add3A_505 = vector.broadcast %add3A_504 : i32 to vector<16xi32>
        %add3A_506 = arith.addi %shift_left3A_189, %add3A_505 : vector<16xi32>
        %gather3A_507 = tpu.vector_load_idx %arg11[%iota3A, %add3A_506] : memref<16x128xf32, #tpu.memory_space<vmem>>[vector<16xi32>, vector<16xi32>], vector<16xf32>,
        %sub3A_508 = arith.subf %gather3A_507, %gather3A_503 : vector<16xf32>
        %mul3A_509 = arith.mulf %sub3A_508, %convert_element_type3A_203 : vector<16xf32>
        %mul3A_510 = arith.mulf %mul3A_509, %mul3A_509 : vector<16xf32>
        %add3A_511 = arith.addf %add3A_467, %mul3A_510 : vector<16xf32>
        %broadcast_in_dim3A_512 = arith.constant 28 : i32
        %broadcast_in_dim3A_513 = vector.broadcast %broadcast_in_dim3A_512 : i32 to vector<16xi32>
        %gather3A_514 = tpu.vector_load_idx %arg10[%broadcast_in_dim3A_84, %broadcast_in_dim3A_513, %and3A_184] : memref<2x64x512xf32, #tpu.memory_space<vmem>>[vector<16xi32>, vector<16xi32>, vector<16xi32>], vector<16xf32>,
        %add3A_515 = arith.constant 28 : i32
        %add3A_516 = vector.broadcast %add3A_515 : i32 to vector<16xi32>
        %add3A_517 = arith.addi %shift_left3A_189, %add3A_516 : vector<16xi32>
        %gather3A_518 = tpu.vector_load_idx %arg11[%iota3A, %add3A_517] : memref<16x128xf32, #tpu.memory_space<vmem>>[vector<16xi32>, vector<16xi32>], vector<16xf32>,
        %sub3A_519 = arith.subf %gather3A_518, %gather3A_514 : vector<16xf32>
        %mul3A_520 = arith.mulf %sub3A_519, %convert_element_type3A_203 : vector<16xf32>
        %mul3A_521 = arith.mulf %mul3A_520, %mul3A_520 : vector<16xf32>
        %add3A_522 = arith.addf %add3A_478, %mul3A_521 : vector<16xf32>
        %broadcast_in_dim3A_523 = arith.constant 29 : i32
        %broadcast_in_dim3A_524 = vector.broadcast %broadcast_in_dim3A_523 : i32 to vector<16xi32>
        %gather3A_525 = tpu.vector_load_idx %arg10[%broadcast_in_dim3A_84, %broadcast_in_dim3A_524, %and3A_184] : memref<2x64x512xf32, #tpu.memory_space<vmem>>[vector<16xi32>, vector<16xi32>, vector<16xi32>], vector<16xf32>,
        %add3A_526 = arith.constant 29 : i32
        %add3A_527 = vector.broadcast %add3A_526 : i32 to vector<16xi32>
        %add3A_528 = arith.addi %shift_left3A_189, %add3A_527 : vector<16xi32>
        %gather3A_529 = tpu.vector_load_idx %arg11[%iota3A, %add3A_528] : memref<16x128xf32, #tpu.memory_space<vmem>>[vector<16xi32>, vector<16xi32>], vector<16xf32>,
        %sub3A_530 = arith.subf %gather3A_529, %gather3A_525 : vector<16xf32>
        %mul3A_531 = arith.mulf %sub3A_530, %convert_element_type3A_203 : vector<16xf32>
        %mul3A_532 = arith.mulf %mul3A_531, %mul3A_531 : vector<16xf32>
        %add3A_533 = arith.addf %add3A_489, %mul3A_532 : vector<16xf32>
        %broadcast_in_dim3A_534 = arith.constant 30 : i32
        %broadcast_in_dim3A_535 = vector.broadcast %broadcast_in_dim3A_534 : i32 to vector<16xi32>
        %gather3A_536 = tpu.vector_load_idx %arg10[%broadcast_in_dim3A_84, %broadcast_in_dim3A_535, %and3A_184] : memref<2x64x512xf32, #tpu.memory_space<vmem>>[vector<16xi32>, vector<16xi32>, vector<16xi32>], vector<16xf32>,
        %add3A_537 = arith.constant 30 : i32
        %add3A_538 = vector.broadcast %add3A_537 : i32 to vector<16xi32>
        %add3A_539 = arith.addi %shift_left3A_189, %add3A_538 : vector<16xi32>
        %gather3A_540 = tpu.vector_load_idx %arg11[%iota3A, %add3A_539] : memref<16x128xf32, #tpu.memory_space<vmem>>[vector<16xi32>, vector<16xi32>], vector<16xf32>,
        %sub3A_541 = arith.subf %gather3A_540, %gather3A_536 : vector<16xf32>
        %mul3A_542 = arith.mulf %sub3A_541, %convert_element_type3A_203 : vector<16xf32>
        %mul3A_543 = arith.mulf %mul3A_542, %mul3A_542 : vector<16xf32>
        %add3A_544 = arith.addf %add3A_500, %mul3A_543 : vector<16xf32>
        %broadcast_in_dim3A_545 = arith.constant 31 : i32
        %broadcast_in_dim3A_546 = vector.broadcast %broadcast_in_dim3A_545 : i32 to vector<16xi32>
        %gather3A_547 = tpu.vector_load_idx %arg10[%broadcast_in_dim3A_84, %broadcast_in_dim3A_546, %and3A_184] : memref<2x64x512xf32, #tpu.memory_space<vmem>>[vector<16xi32>, vector<16xi32>, vector<16xi32>], vector<16xf32>,
        %add3A_548 = arith.constant 31 : i32
        %add3A_549 = vector.broadcast %add3A_548 : i32 to vector<16xi32>
        %add3A_550 = arith.addi %shift_left3A_189, %add3A_549 : vector<16xi32>
        %gather3A_551 = tpu.vector_load_idx %arg11[%iota3A, %add3A_550] : memref<16x128xf32, #tpu.memory_space<vmem>>[vector<16xi32>, vector<16xi32>], vector<16xf32>,
        %sub3A_552 = arith.subf %gather3A_551, %gather3A_547 : vector<16xf32>
        %mul3A_553 = arith.mulf %sub3A_552, %convert_element_type3A_203 : vector<16xf32>
        %mul3A_554 = arith.mulf %mul3A_553, %mul3A_553 : vector<16xf32>
        %add3A_555 = arith.addf %add3A_511, %mul3A_554 : vector<16xf32>
        %broadcast_in_dim3A_556 = arith.constant 32 : i32
        %broadcast_in_dim3A_557 = vector.broadcast %broadcast_in_dim3A_556 : i32 to vector<16xi32>
        %gather3A_558 = tpu.vector_load_idx %arg10[%broadcast_in_dim3A_84, %broadcast_in_dim3A_557, %and3A_184] : memref<2x64x512xf32, #tpu.memory_space<vmem>>[vector<16xi32>, vector<16xi32>, vector<16xi32>], vector<16xf32>,
        %add3A_559 = arith.constant 32 : i32
        %add3A_560 = vector.broadcast %add3A_559 : i32 to vector<16xi32>
        %add3A_561 = arith.addi %shift_left3A_189, %add3A_560 : vector<16xi32>
        %gather3A_562 = tpu.vector_load_idx %arg11[%iota3A, %add3A_561] : memref<16x128xf32, #tpu.memory_space<vmem>>[vector<16xi32>, vector<16xi32>], vector<16xf32>,
        %sub3A_563 = arith.subf %gather3A_562, %gather3A_558 : vector<16xf32>
        %mul3A_564 = arith.mulf %sub3A_563, %convert_element_type3A_203 : vector<16xf32>
        %mul3A_565 = arith.mulf %mul3A_564, %mul3A_564 : vector<16xf32>
        %add3A_566 = arith.addf %add3A_522, %mul3A_565 : vector<16xf32>
        %broadcast_in_dim3A_567 = arith.constant 33 : i32
        %broadcast_in_dim3A_568 = vector.broadcast %broadcast_in_dim3A_567 : i32 to vector<16xi32>
        %gather3A_569 = tpu.vector_load_idx %arg10[%broadcast_in_dim3A_84, %broadcast_in_dim3A_568, %and3A_184] : memref<2x64x512xf32, #tpu.memory_space<vmem>>[vector<16xi32>, vector<16xi32>, vector<16xi32>], vector<16xf32>,
        %add3A_570 = arith.constant 33 : i32
        %add3A_571 = vector.broadcast %add3A_570 : i32 to vector<16xi32>
        %add3A_572 = arith.addi %shift_left3A_189, %add3A_571 : vector<16xi32>
        %gather3A_573 = tpu.vector_load_idx %arg11[%iota3A, %add3A_572] : memref<16x128xf32, #tpu.memory_space<vmem>>[vector<16xi32>, vector<16xi32>], vector<16xf32>,
        %sub3A_574 = arith.subf %gather3A_573, %gather3A_569 : vector<16xf32>
        %mul3A_575 = arith.mulf %sub3A_574, %convert_element_type3A_203 : vector<16xf32>
        %mul3A_576 = arith.mulf %mul3A_575, %mul3A_575 : vector<16xf32>
        %add3A_577 = arith.addf %add3A_533, %mul3A_576 : vector<16xf32>
        %broadcast_in_dim3A_578 = arith.constant 34 : i32
        %broadcast_in_dim3A_579 = vector.broadcast %broadcast_in_dim3A_578 : i32 to vector<16xi32>
        %gather3A_580 = tpu.vector_load_idx %arg10[%broadcast_in_dim3A_84, %broadcast_in_dim3A_579, %and3A_184] : memref<2x64x512xf32, #tpu.memory_space<vmem>>[vector<16xi32>, vector<16xi32>, vector<16xi32>], vector<16xf32>,
        %add3A_581 = arith.constant 34 : i32
        %add3A_582 = vector.broadcast %add3A_581 : i32 to vector<16xi32>
        %add3A_583 = arith.addi %shift_left3A_189, %add3A_582 : vector<16xi32>
        %gather3A_584 = tpu.vector_load_idx %arg11[%iota3A, %add3A_583] : memref<16x128xf32, #tpu.memory_space<vmem>>[vector<16xi32>, vector<16xi32>], vector<16xf32>,
        %sub3A_585 = arith.subf %gather3A_584, %gather3A_580 : vector<16xf32>
        %mul3A_586 = arith.mulf %sub3A_585, %convert_element_type3A_203 : vector<16xf32>
        %mul3A_587 = arith.mulf %mul3A_586, %mul3A_586 : vector<16xf32>
        %add3A_588 = arith.addf %add3A_544, %mul3A_587 : vector<16xf32>
        %broadcast_in_dim3A_589 = arith.constant 35 : i32
        %broadcast_in_dim3A_590 = vector.broadcast %broadcast_in_dim3A_589 : i32 to vector<16xi32>
        %gather3A_591 = tpu.vector_load_idx %arg10[%broadcast_in_dim3A_84, %broadcast_in_dim3A_590, %and3A_184] : memref<2x64x512xf32, #tpu.memory_space<vmem>>[vector<16xi32>, vector<16xi32>, vector<16xi32>], vector<16xf32>,
        %add3A_592 = arith.constant 35 : i32
        %add3A_593 = vector.broadcast %add3A_592 : i32 to vector<16xi32>
        %add3A_594 = arith.addi %shift_left3A_189, %add3A_593 : vector<16xi32>
        %gather3A_595 = tpu.vector_load_idx %arg11[%iota3A, %add3A_594] : memref<16x128xf32, #tpu.memory_space<vmem>>[vector<16xi32>, vector<16xi32>], vector<16xf32>,
        %sub3A_596 = arith.subf %gather3A_595, %gather3A_591 : vector<16xf32>
        %mul3A_597 = arith.mulf %sub3A_596, %convert_element_type3A_203 : vector<16xf32>
        %mul3A_598 = arith.mulf %mul3A_597, %mul3A_597 : vector<16xf32>
        %add3A_599 = arith.addf %add3A_555, %mul3A_598 : vector<16xf32>
        %broadcast_in_dim3A_600 = arith.constant 36 : i32
        %broadcast_in_dim3A_601 = vector.broadcast %broadcast_in_dim3A_600 : i32 to vector<16xi32>
        %gather3A_602 = tpu.vector_load_idx %arg10[%broadcast_in_dim3A_84, %broadcast_in_dim3A_601, %and3A_184] : memref<2x64x512xf32, #tpu.memory_space<vmem>>[vector<16xi32>, vector<16xi32>, vector<16xi32>], vector<16xf32>,
        %add3A_603 = arith.constant 36 : i32
        %add3A_604 = vector.broadcast %add3A_603 : i32 to vector<16xi32>
        %add3A_605 = arith.addi %shift_left3A_189, %add3A_604 : vector<16xi32>
        %gather3A_606 = tpu.vector_load_idx %arg11[%iota3A, %add3A_605] : memref<16x128xf32, #tpu.memory_space<vmem>>[vector<16xi32>, vector<16xi32>], vector<16xf32>,
        %sub3A_607 = arith.subf %gather3A_606, %gather3A_602 : vector<16xf32>
        %mul3A_608 = arith.mulf %sub3A_607, %convert_element_type3A_203 : vector<16xf32>
        %mul3A_609 = arith.mulf %mul3A_608, %mul3A_608 : vector<16xf32>
        %add3A_610 = arith.addf %add3A_566, %mul3A_609 : vector<16xf32>
        %broadcast_in_dim3A_611 = arith.constant 37 : i32
        %broadcast_in_dim3A_612 = vector.broadcast %broadcast_in_dim3A_611 : i32 to vector<16xi32>
        %gather3A_613 = tpu.vector_load_idx %arg10[%broadcast_in_dim3A_84, %broadcast_in_dim3A_612, %and3A_184] : memref<2x64x512xf32, #tpu.memory_space<vmem>>[vector<16xi32>, vector<16xi32>, vector<16xi32>], vector<16xf32>,
        %add3A_614 = arith.constant 37 : i32
        %add3A_615 = vector.broadcast %add3A_614 : i32 to vector<16xi32>
        %add3A_616 = arith.addi %shift_left3A_189, %add3A_615 : vector<16xi32>
        %gather3A_617 = tpu.vector_load_idx %arg11[%iota3A, %add3A_616] : memref<16x128xf32, #tpu.memory_space<vmem>>[vector<16xi32>, vector<16xi32>], vector<16xf32>,
        %sub3A_618 = arith.subf %gather3A_617, %gather3A_613 : vector<16xf32>
        %mul3A_619 = arith.mulf %sub3A_618, %convert_element_type3A_203 : vector<16xf32>
        %mul3A_620 = arith.mulf %mul3A_619, %mul3A_619 : vector<16xf32>
        %add3A_621 = arith.addf %add3A_577, %mul3A_620 : vector<16xf32>
        %broadcast_in_dim3A_622 = arith.constant 38 : i32
        %broadcast_in_dim3A_623 = vector.broadcast %broadcast_in_dim3A_622 : i32 to vector<16xi32>
        %gather3A_624 = tpu.vector_load_idx %arg10[%broadcast_in_dim3A_84, %broadcast_in_dim3A_623, %and3A_184] : memref<2x64x512xf32, #tpu.memory_space<vmem>>[vector<16xi32>, vector<16xi32>, vector<16xi32>], vector<16xf32>,
        %add3A_625 = arith.constant 38 : i32
        %add3A_626 = vector.broadcast %add3A_625 : i32 to vector<16xi32>
        %add3A_627 = arith.addi %shift_left3A_189, %add3A_626 : vector<16xi32>
        %gather3A_628 = tpu.vector_load_idx %arg11[%iota3A, %add3A_627] : memref<16x128xf32, #tpu.memory_space<vmem>>[vector<16xi32>, vector<16xi32>], vector<16xf32>,
        %sub3A_629 = arith.subf %gather3A_628, %gather3A_624 : vector<16xf32>
        %mul3A_630 = arith.mulf %sub3A_629, %convert_element_type3A_203 : vector<16xf32>
        %mul3A_631 = arith.mulf %mul3A_630, %mul3A_630 : vector<16xf32>
        %add3A_632 = arith.addf %add3A_588, %mul3A_631 : vector<16xf32>
        %broadcast_in_dim3A_633 = arith.constant 39 : i32
        %broadcast_in_dim3A_634 = vector.broadcast %broadcast_in_dim3A_633 : i32 to vector<16xi32>
        %gather3A_635 = tpu.vector_load_idx %arg10[%broadcast_in_dim3A_84, %broadcast_in_dim3A_634, %and3A_184] : memref<2x64x512xf32, #tpu.memory_space<vmem>>[vector<16xi32>, vector<16xi32>, vector<16xi32>], vector<16xf32>,
        %add3A_636 = arith.constant 39 : i32
        %add3A_637 = vector.broadcast %add3A_636 : i32 to vector<16xi32>
        %add3A_638 = arith.addi %shift_left3A_189, %add3A_637 : vector<16xi32>
        %gather3A_639 = tpu.vector_load_idx %arg11[%iota3A, %add3A_638] : memref<16x128xf32, #tpu.memory_space<vmem>>[vector<16xi32>, vector<16xi32>], vector<16xf32>,
        %sub3A_640 = arith.subf %gather3A_639, %gather3A_635 : vector<16xf32>
        %mul3A_641 = arith.mulf %sub3A_640, %convert_element_type3A_203 : vector<16xf32>
        %mul3A_642 = arith.mulf %mul3A_641, %mul3A_641 : vector<16xf32>
        %add3A_643 = arith.addf %add3A_599, %mul3A_642 : vector<16xf32>
        %broadcast_in_dim3A_644 = arith.constant 40 : i32
        %broadcast_in_dim3A_645 = vector.broadcast %broadcast_in_dim3A_644 : i32 to vector<16xi32>
        %gather3A_646 = tpu.vector_load_idx %arg10[%broadcast_in_dim3A_84, %broadcast_in_dim3A_645, %and3A_184] : memref<2x64x512xf32, #tpu.memory_space<vmem>>[vector<16xi32>, vector<16xi32>, vector<16xi32>], vector<16xf32>,
        %add3A_647 = arith.constant 40 : i32
        %add3A_648 = vector.broadcast %add3A_647 : i32 to vector<16xi32>
        %add3A_649 = arith.addi %shift_left3A_189, %add3A_648 : vector<16xi32>
        %gather3A_650 = tpu.vector_load_idx %arg11[%iota3A, %add3A_649] : memref<16x128xf32, #tpu.memory_space<vmem>>[vector<16xi32>, vector<16xi32>], vector<16xf32>,
        %sub3A_651 = arith.subf %gather3A_650, %gather3A_646 : vector<16xf32>
        %mul3A_652 = arith.mulf %sub3A_651, %convert_element_type3A_203 : vector<16xf32>
        %mul3A_653 = arith.mulf %mul3A_652, %mul3A_652 : vector<16xf32>
        %add3A_654 = arith.addf %add3A_610, %mul3A_653 : vector<16xf32>
        %broadcast_in_dim3A_655 = arith.constant 41 : i32
        %broadcast_in_dim3A_656 = vector.broadcast %broadcast_in_dim3A_655 : i32 to vector<16xi32>
        %gather3A_657 = tpu.vector_load_idx %arg10[%broadcast_in_dim3A_84, %broadcast_in_dim3A_656, %and3A_184] : memref<2x64x512xf32, #tpu.memory_space<vmem>>[vector<16xi32>, vector<16xi32>, vector<16xi32>], vector<16xf32>,
        %add3A_658 = arith.constant 41 : i32
        %add3A_659 = vector.broadcast %add3A_658 : i32 to vector<16xi32>
        %add3A_660 = arith.addi %shift_left3A_189, %add3A_659 : vector<16xi32>
        %gather3A_661 = tpu.vector_load_idx %arg11[%iota3A, %add3A_660] : memref<16x128xf32, #tpu.memory_space<vmem>>[vector<16xi32>, vector<16xi32>], vector<16xf32>,
        %sub3A_662 = arith.subf %gather3A_661, %gather3A_657 : vector<16xf32>
        %mul3A_663 = arith.mulf %sub3A_662, %convert_element_type3A_203 : vector<16xf32>
        %mul3A_664 = arith.mulf %mul3A_663, %mul3A_663 : vector<16xf32>
        %add3A_665 = arith.addf %add3A_621, %mul3A_664 : vector<16xf32>
        %broadcast_in_dim3A_666 = arith.constant 42 : i32
        %broadcast_in_dim3A_667 = vector.broadcast %broadcast_in_dim3A_666 : i32 to vector<16xi32>
        %gather3A_668 = tpu.vector_load_idx %arg10[%broadcast_in_dim3A_84, %broadcast_in_dim3A_667, %and3A_184] : memref<2x64x512xf32, #tpu.memory_space<vmem>>[vector<16xi32>, vector<16xi32>, vector<16xi32>], vector<16xf32>,
        %add3A_669 = arith.constant 42 : i32
        %add3A_670 = vector.broadcast %add3A_669 : i32 to vector<16xi32>
        %add3A_671 = arith.addi %shift_left3A_189, %add3A_670 : vector<16xi32>
        %gather3A_672 = tpu.vector_load_idx %arg11[%iota3A, %add3A_671] : memref<16x128xf32, #tpu.memory_space<vmem>>[vector<16xi32>, vector<16xi32>], vector<16xf32>,
        %sub3A_673 = arith.subf %gather3A_672, %gather3A_668 : vector<16xf32>
        %mul3A_674 = arith.mulf %sub3A_673, %convert_element_type3A_203 : vector<16xf32>
        %mul3A_675 = arith.mulf %mul3A_674, %mul3A_674 : vector<16xf32>
        %add3A_676 = arith.addf %add3A_632, %mul3A_675 : vector<16xf32>
        %broadcast_in_dim3A_677 = arith.constant 43 : i32
        %broadcast_in_dim3A_678 = vector.broadcast %broadcast_in_dim3A_677 : i32 to vector<16xi32>
        %gather3A_679 = tpu.vector_load_idx %arg10[%broadcast_in_dim3A_84, %broadcast_in_dim3A_678, %and3A_184] : memref<2x64x512xf32, #tpu.memory_space<vmem>>[vector<16xi32>, vector<16xi32>, vector<16xi32>], vector<16xf32>,
        %add3A_680 = arith.constant 43 : i32
        %add3A_681 = vector.broadcast %add3A_680 : i32 to vector<16xi32>
        %add3A_682 = arith.addi %shift_left3A_189, %add3A_681 : vector<16xi32>
        %gather3A_683 = tpu.vector_load_idx %arg11[%iota3A, %add3A_682] : memref<16x128xf32, #tpu.memory_space<vmem>>[vector<16xi32>, vector<16xi32>], vector<16xf32>,
        %sub3A_684 = arith.subf %gather3A_683, %gather3A_679 : vector<16xf32>
        %mul3A_685 = arith.mulf %sub3A_684, %convert_element_type3A_203 : vector<16xf32>
        %mul3A_686 = arith.mulf %mul3A_685, %mul3A_685 : vector<16xf32>
        %add3A_687 = arith.addf %add3A_643, %mul3A_686 : vector<16xf32>
        %broadcast_in_dim3A_688 = arith.constant 44 : i32
        %broadcast_in_dim3A_689 = vector.broadcast %broadcast_in_dim3A_688 : i32 to vector<16xi32>
        %gather3A_690 = tpu.vector_load_idx %arg10[%broadcast_in_dim3A_84, %broadcast_in_dim3A_689, %and3A_184] : memref<2x64x512xf32, #tpu.memory_space<vmem>>[vector<16xi32>, vector<16xi32>, vector<16xi32>], vector<16xf32>,
        %add3A_691 = arith.constant 44 : i32
        %add3A_692 = vector.broadcast %add3A_691 : i32 to vector<16xi32>
        %add3A_693 = arith.addi %shift_left3A_189, %add3A_692 : vector<16xi32>
        %gather3A_694 = tpu.vector_load_idx %arg11[%iota3A, %add3A_693] : memref<16x128xf32, #tpu.memory_space<vmem>>[vector<16xi32>, vector<16xi32>], vector<16xf32>,
        %sub3A_695 = arith.subf %gather3A_694, %gather3A_690 : vector<16xf32>
        %mul3A_696 = arith.mulf %sub3A_695, %convert_element_type3A_203 : vector<16xf32>
        %mul3A_697 = arith.mulf %mul3A_696, %mul3A_696 : vector<16xf32>
        %add3A_698 = arith.addf %add3A_654, %mul3A_697 : vector<16xf32>
        %broadcast_in_dim3A_699 = arith.constant 45 : i32
        %broadcast_in_dim3A_700 = vector.broadcast %broadcast_in_dim3A_699 : i32 to vector<16xi32>
        %gather3A_701 = tpu.vector_load_idx %arg10[%broadcast_in_dim3A_84, %broadcast_in_dim3A_700, %and3A_184] : memref<2x64x512xf32, #tpu.memory_space<vmem>>[vector<16xi32>, vector<16xi32>, vector<16xi32>], vector<16xf32>,
        %add3A_702 = arith.constant 45 : i32
        %add3A_703 = vector.broadcast %add3A_702 : i32 to vector<16xi32>
        %add3A_704 = arith.addi %shift_left3A_189, %add3A_703 : vector<16xi32>
        %gather3A_705 = tpu.vector_load_idx %arg11[%iota3A, %add3A_704] : memref<16x128xf32, #tpu.memory_space<vmem>>[vector<16xi32>, vector<16xi32>], vector<16xf32>,
        %sub3A_706 = arith.subf %gather3A_705, %gather3A_701 : vector<16xf32>
        %mul3A_707 = arith.mulf %sub3A_706, %convert_element_type3A_203 : vector<16xf32>
        %mul3A_708 = arith.mulf %mul3A_707, %mul3A_707 : vector<16xf32>
        %add3A_709 = arith.addf %add3A_665, %mul3A_708 : vector<16xf32>
        %broadcast_in_dim3A_710 = arith.constant 46 : i32
        %broadcast_in_dim3A_711 = vector.broadcast %broadcast_in_dim3A_710 : i32 to vector<16xi32>
        %gather3A_712 = tpu.vector_load_idx %arg10[%broadcast_in_dim3A_84, %broadcast_in_dim3A_711, %and3A_184] : memref<2x64x512xf32, #tpu.memory_space<vmem>>[vector<16xi32>, vector<16xi32>, vector<16xi32>], vector<16xf32>,
        %add3A_713 = arith.constant 46 : i32
        %add3A_714 = vector.broadcast %add3A_713 : i32 to vector<16xi32>
        %add3A_715 = arith.addi %shift_left3A_189, %add3A_714 : vector<16xi32>
        %gather3A_716 = tpu.vector_load_idx %arg11[%iota3A, %add3A_715] : memref<16x128xf32, #tpu.memory_space<vmem>>[vector<16xi32>, vector<16xi32>], vector<16xf32>,
        %sub3A_717 = arith.subf %gather3A_716, %gather3A_712 : vector<16xf32>
        %mul3A_718 = arith.mulf %sub3A_717, %convert_element_type3A_203 : vector<16xf32>
        %mul3A_719 = arith.mulf %mul3A_718, %mul3A_718 : vector<16xf32>
        %add3A_720 = arith.addf %add3A_676, %mul3A_719 : vector<16xf32>
        %broadcast_in_dim3A_721 = arith.constant 47 : i32
        %broadcast_in_dim3A_722 = vector.broadcast %broadcast_in_dim3A_721 : i32 to vector<16xi32>
        %gather3A_723 = tpu.vector_load_idx %arg10[%broadcast_in_dim3A_84, %broadcast_in_dim3A_722, %and3A_184] : memref<2x64x512xf32, #tpu.memory_space<vmem>>[vector<16xi32>, vector<16xi32>, vector<16xi32>], vector<16xf32>,
        %add3A_724 = arith.constant 47 : i32
        %add3A_725 = vector.broadcast %add3A_724 : i32 to vector<16xi32>
        %add3A_726 = arith.addi %shift_left3A_189, %add3A_725 : vector<16xi32>
        %gather3A_727 = tpu.vector_load_idx %arg11[%iota3A, %add3A_726] : memref<16x128xf32, #tpu.memory_space<vmem>>[vector<16xi32>, vector<16xi32>], vector<16xf32>,
        %sub3A_728 = arith.subf %gather3A_727, %gather3A_723 : vector<16xf32>
        %mul3A_729 = arith.mulf %sub3A_728, %convert_element_type3A_203 : vector<16xf32>
        %mul3A_730 = arith.mulf %mul3A_729, %mul3A_729 : vector<16xf32>
        %add3A_731 = arith.addf %add3A_687, %mul3A_730 : vector<16xf32>
        %broadcast_in_dim3A_732 = arith.constant 48 : i32
        %broadcast_in_dim3A_733 = vector.broadcast %broadcast_in_dim3A_732 : i32 to vector<16xi32>
        %gather3A_734 = tpu.vector_load_idx %arg10[%broadcast_in_dim3A_84, %broadcast_in_dim3A_733, %and3A_184] : memref<2x64x512xf32, #tpu.memory_space<vmem>>[vector<16xi32>, vector<16xi32>, vector<16xi32>], vector<16xf32>,
        %add3A_735 = arith.constant 48 : i32
        %add3A_736 = vector.broadcast %add3A_735 : i32 to vector<16xi32>
        %add3A_737 = arith.addi %shift_left3A_189, %add3A_736 : vector<16xi32>
        %gather3A_738 = tpu.vector_load_idx %arg11[%iota3A, %add3A_737] : memref<16x128xf32, #tpu.memory_space<vmem>>[vector<16xi32>, vector<16xi32>], vector<16xf32>,
        %sub3A_739 = arith.subf %gather3A_738, %gather3A_734 : vector<16xf32>
        %mul3A_740 = arith.mulf %sub3A_739, %convert_element_type3A_203 : vector<16xf32>
        %mul3A_741 = arith.mulf %mul3A_740, %mul3A_740 : vector<16xf32>
        %add3A_742 = arith.addf %add3A_698, %mul3A_741 : vector<16xf32>
        %broadcast_in_dim3A_743 = arith.constant 49 : i32
        %broadcast_in_dim3A_744 = vector.broadcast %broadcast_in_dim3A_743 : i32 to vector<16xi32>
        %gather3A_745 = tpu.vector_load_idx %arg10[%broadcast_in_dim3A_84, %broadcast_in_dim3A_744, %and3A_184] : memref<2x64x512xf32, #tpu.memory_space<vmem>>[vector<16xi32>, vector<16xi32>, vector<16xi32>], vector<16xf32>,
        %add3A_746 = arith.constant 49 : i32
        %add3A_747 = vector.broadcast %add3A_746 : i32 to vector<16xi32>
        %add3A_748 = arith.addi %shift_left3A_189, %add3A_747 : vector<16xi32>
        %gather3A_749 = tpu.vector_load_idx %arg11[%iota3A, %add3A_748] : memref<16x128xf32, #tpu.memory_space<vmem>>[vector<16xi32>, vector<16xi32>], vector<16xf32>,
        %sub3A_750 = arith.subf %gather3A_749, %gather3A_745 : vector<16xf32>
        %mul3A_751 = arith.mulf %sub3A_750, %convert_element_type3A_203 : vector<16xf32>
        %mul3A_752 = arith.mulf %mul3A_751, %mul3A_751 : vector<16xf32>
        %add3A_753 = arith.addf %add3A_709, %mul3A_752 : vector<16xf32>
        %broadcast_in_dim3A_754 = arith.constant 50 : i32
        %broadcast_in_dim3A_755 = vector.broadcast %broadcast_in_dim3A_754 : i32 to vector<16xi32>
        %gather3A_756 = tpu.vector_load_idx %arg10[%broadcast_in_dim3A_84, %broadcast_in_dim3A_755, %and3A_184] : memref<2x64x512xf32, #tpu.memory_space<vmem>>[vector<16xi32>, vector<16xi32>, vector<16xi32>], vector<16xf32>,
        %add3A_757 = arith.constant 50 : i32
        %add3A_758 = vector.broadcast %add3A_757 : i32 to vector<16xi32>
        %add3A_759 = arith.addi %shift_left3A_189, %add3A_758 : vector<16xi32>
        %gather3A_760 = tpu.vector_load_idx %arg11[%iota3A, %add3A_759] : memref<16x128xf32, #tpu.memory_space<vmem>>[vector<16xi32>, vector<16xi32>], vector<16xf32>,
        %sub3A_761 = arith.subf %gather3A_760, %gather3A_756 : vector<16xf32>
        %mul3A_762 = arith.mulf %sub3A_761, %convert_element_type3A_203 : vector<16xf32>
        %mul3A_763 = arith.mulf %mul3A_762, %mul3A_762 : vector<16xf32>
        %add3A_764 = arith.addf %add3A_720, %mul3A_763 : vector<16xf32>
        %broadcast_in_dim3A_765 = arith.constant 51 : i32
        %broadcast_in_dim3A_766 = vector.broadcast %broadcast_in_dim3A_765 : i32 to vector<16xi32>
        %gather3A_767 = tpu.vector_load_idx %arg10[%broadcast_in_dim3A_84, %broadcast_in_dim3A_766, %and3A_184] : memref<2x64x512xf32, #tpu.memory_space<vmem>>[vector<16xi32>, vector<16xi32>, vector<16xi32>], vector<16xf32>,
        %add3A_768 = arith.constant 51 : i32
        %add3A_769 = vector.broadcast %add3A_768 : i32 to vector<16xi32>
        %add3A_770 = arith.addi %shift_left3A_189, %add3A_769 : vector<16xi32>
        %gather3A_771 = tpu.vector_load_idx %arg11[%iota3A, %add3A_770] : memref<16x128xf32, #tpu.memory_space<vmem>>[vector<16xi32>, vector<16xi32>], vector<16xf32>,
        %sub3A_772 = arith.subf %gather3A_771, %gather3A_767 : vector<16xf32>
        %mul3A_773 = arith.mulf %sub3A_772, %convert_element_type3A_203 : vector<16xf32>
        %mul3A_774 = arith.mulf %mul3A_773, %mul3A_773 : vector<16xf32>
        %add3A_775 = arith.addf %add3A_731, %mul3A_774 : vector<16xf32>
        %broadcast_in_dim3A_776 = arith.constant 52 : i32
        %broadcast_in_dim3A_777 = vector.broadcast %broadcast_in_dim3A_776 : i32 to vector<16xi32>
        %gather3A_778 = tpu.vector_load_idx %arg10[%broadcast_in_dim3A_84, %broadcast_in_dim3A_777, %and3A_184] : memref<2x64x512xf32, #tpu.memory_space<vmem>>[vector<16xi32>, vector<16xi32>, vector<16xi32>], vector<16xf32>,
        %add3A_779 = arith.constant 52 : i32
        %add3A_780 = vector.broadcast %add3A_779 : i32 to vector<16xi32>
        %add3A_781 = arith.addi %shift_left3A_189, %add3A_780 : vector<16xi32>
        %gather3A_782 = tpu.vector_load_idx %arg11[%iota3A, %add3A_781] : memref<16x128xf32, #tpu.memory_space<vmem>>[vector<16xi32>, vector<16xi32>], vector<16xf32>,
        %sub3A_783 = arith.subf %gather3A_782, %gather3A_778 : vector<16xf32>
        %mul3A_784 = arith.mulf %sub3A_783, %convert_element_type3A_203 : vector<16xf32>
        %mul3A_785 = arith.mulf %mul3A_784, %mul3A_784 : vector<16xf32>
        %add3A_786 = arith.addf %add3A_742, %mul3A_785 : vector<16xf32>
        %broadcast_in_dim3A_787 = arith.constant 53 : i32
        %broadcast_in_dim3A_788 = vector.broadcast %broadcast_in_dim3A_787 : i32 to vector<16xi32>
        %gather3A_789 = tpu.vector_load_idx %arg10[%broadcast_in_dim3A_84, %broadcast_in_dim3A_788, %and3A_184] : memref<2x64x512xf32, #tpu.memory_space<vmem>>[vector<16xi32>, vector<16xi32>, vector<16xi32>], vector<16xf32>,
        %add3A_790 = arith.constant 53 : i32
        %add3A_791 = vector.broadcast %add3A_790 : i32 to vector<16xi32>
        %add3A_792 = arith.addi %shift_left3A_189, %add3A_791 : vector<16xi32>
        %gather3A_793 = tpu.vector_load_idx %arg11[%iota3A, %add3A_792] : memref<16x128xf32, #tpu.memory_space<vmem>>[vector<16xi32>, vector<16xi32>], vector<16xf32>,
        %sub3A_794 = arith.subf %gather3A_793, %gather3A_789 : vector<16xf32>
        %mul3A_795 = arith.mulf %sub3A_794, %convert_element_type3A_203 : vector<16xf32>
        %mul3A_796 = arith.mulf %mul3A_795, %mul3A_795 : vector<16xf32>
        %add3A_797 = arith.addf %add3A_753, %mul3A_796 : vector<16xf32>
        %broadcast_in_dim3A_798 = arith.constant 54 : i32
        %broadcast_in_dim3A_799 = vector.broadcast %broadcast_in_dim3A_798 : i32 to vector<16xi32>
        %gather3A_800 = tpu.vector_load_idx %arg10[%broadcast_in_dim3A_84, %broadcast_in_dim3A_799, %and3A_184] : memref<2x64x512xf32, #tpu.memory_space<vmem>>[vector<16xi32>, vector<16xi32>, vector<16xi32>], vector<16xf32>,
        %add3A_801 = arith.constant 54 : i32
        %add3A_802 = vector.broadcast %add3A_801 : i32 to vector<16xi32>
        %add3A_803 = arith.addi %shift_left3A_189, %add3A_802 : vector<16xi32>
        %gather3A_804 = tpu.vector_load_idx %arg11[%iota3A, %add3A_803] : memref<16x128xf32, #tpu.memory_space<vmem>>[vector<16xi32>, vector<16xi32>], vector<16xf32>,
        %sub3A_805 = arith.subf %gather3A_804, %gather3A_800 : vector<16xf32>
        %mul3A_806 = arith.mulf %sub3A_805, %convert_element_type3A_203 : vector<16xf32>
        %mul3A_807 = arith.mulf %mul3A_806, %mul3A_806 : vector<16xf32>
        %add3A_808 = arith.addf %add3A_764, %mul3A_807 : vector<16xf32>
        %broadcast_in_dim3A_809 = arith.constant 55 : i32
        %broadcast_in_dim3A_810 = vector.broadcast %broadcast_in_dim3A_809 : i32 to vector<16xi32>
        %gather3A_811 = tpu.vector_load_idx %arg10[%broadcast_in_dim3A_84, %broadcast_in_dim3A_810, %and3A_184] : memref<2x64x512xf32, #tpu.memory_space<vmem>>[vector<16xi32>, vector<16xi32>, vector<16xi32>], vector<16xf32>,
        %add3A_812 = arith.constant 55 : i32
        %add3A_813 = vector.broadcast %add3A_812 : i32 to vector<16xi32>
        %add3A_814 = arith.addi %shift_left3A_189, %add3A_813 : vector<16xi32>
        %gather3A_815 = tpu.vector_load_idx %arg11[%iota3A, %add3A_814] : memref<16x128xf32, #tpu.memory_space<vmem>>[vector<16xi32>, vector<16xi32>], vector<16xf32>,
        %sub3A_816 = arith.subf %gather3A_815, %gather3A_811 : vector<16xf32>
        %mul3A_817 = arith.mulf %sub3A_816, %convert_element_type3A_203 : vector<16xf32>
        %mul3A_818 = arith.mulf %mul3A_817, %mul3A_817 : vector<16xf32>
        %add3A_819 = arith.addf %add3A_775, %mul3A_818 : vector<16xf32>
        %broadcast_in_dim3A_820 = arith.constant 56 : i32
        %broadcast_in_dim3A_821 = vector.broadcast %broadcast_in_dim3A_820 : i32 to vector<16xi32>
        %gather3A_822 = tpu.vector_load_idx %arg10[%broadcast_in_dim3A_84, %broadcast_in_dim3A_821, %and3A_184] : memref<2x64x512xf32, #tpu.memory_space<vmem>>[vector<16xi32>, vector<16xi32>, vector<16xi32>], vector<16xf32>,
        %add3A_823 = arith.constant 56 : i32
        %add3A_824 = vector.broadcast %add3A_823 : i32 to vector<16xi32>
        %add3A_825 = arith.addi %shift_left3A_189, %add3A_824 : vector<16xi32>
        %gather3A_826 = tpu.vector_load_idx %arg11[%iota3A, %add3A_825] : memref<16x128xf32, #tpu.memory_space<vmem>>[vector<16xi32>, vector<16xi32>], vector<16xf32>,
        %sub3A_827 = arith.subf %gather3A_826, %gather3A_822 : vector<16xf32>
        %mul3A_828 = arith.mulf %sub3A_827, %convert_element_type3A_203 : vector<16xf32>
        %mul3A_829 = arith.mulf %mul3A_828, %mul3A_828 : vector<16xf32>
        %add3A_830 = arith.addf %add3A_786, %mul3A_829 : vector<16xf32>
        %broadcast_in_dim3A_831 = arith.constant 57 : i32
        %broadcast_in_dim3A_832 = vector.broadcast %broadcast_in_dim3A_831 : i32 to vector<16xi32>
        %gather3A_833 = tpu.vector_load_idx %arg10[%broadcast_in_dim3A_84, %broadcast_in_dim3A_832, %and3A_184] : memref<2x64x512xf32, #tpu.memory_space<vmem>>[vector<16xi32>, vector<16xi32>, vector<16xi32>], vector<16xf32>,
        %add3A_834 = arith.constant 57 : i32
        %add3A_835 = vector.broadcast %add3A_834 : i32 to vector<16xi32>
        %add3A_836 = arith.addi %shift_left3A_189, %add3A_835 : vector<16xi32>
        %gather3A_837 = tpu.vector_load_idx %arg11[%iota3A, %add3A_836] : memref<16x128xf32, #tpu.memory_space<vmem>>[vector<16xi32>, vector<16xi32>], vector<16xf32>,
        %sub3A_838 = arith.subf %gather3A_837, %gather3A_833 : vector<16xf32>
        %mul3A_839 = arith.mulf %sub3A_838, %convert_element_type3A_203 : vector<16xf32>
        %mul3A_840 = arith.mulf %mul3A_839, %mul3A_839 : vector<16xf32>
        %add3A_841 = arith.addf %add3A_797, %mul3A_840 : vector<16xf32>
        %broadcast_in_dim3A_842 = arith.constant 58 : i32
        %broadcast_in_dim3A_843 = vector.broadcast %broadcast_in_dim3A_842 : i32 to vector<16xi32>
        %gather3A_844 = tpu.vector_load_idx %arg10[%broadcast_in_dim3A_84, %broadcast_in_dim3A_843, %and3A_184] : memref<2x64x512xf32, #tpu.memory_space<vmem>>[vector<16xi32>, vector<16xi32>, vector<16xi32>], vector<16xf32>,
        %add3A_845 = arith.constant 58 : i32
        %add3A_846 = vector.broadcast %add3A_845 : i32 to vector<16xi32>
        %add3A_847 = arith.addi %shift_left3A_189, %add3A_846 : vector<16xi32>
        %gather3A_848 = tpu.vector_load_idx %arg11[%iota3A, %add3A_847] : memref<16x128xf32, #tpu.memory_space<vmem>>[vector<16xi32>, vector<16xi32>], vector<16xf32>,
        %sub3A_849 = arith.subf %gather3A_848, %gather3A_844 : vector<16xf32>
        %mul3A_850 = arith.mulf %sub3A_849, %convert_element_type3A_203 : vector<16xf32>
        %mul3A_851 = arith.mulf %mul3A_850, %mul3A_850 : vector<16xf32>
        %add3A_852 = arith.addf %add3A_808, %mul3A_851 : vector<16xf32>
        %broadcast_in_dim3A_853 = arith.constant 59 : i32
        %broadcast_in_dim3A_854 = vector.broadcast %broadcast_in_dim3A_853 : i32 to vector<16xi32>
        %gather3A_855 = tpu.vector_load_idx %arg10[%broadcast_in_dim3A_84, %broadcast_in_dim3A_854, %and3A_184] : memref<2x64x512xf32, #tpu.memory_space<vmem>>[vector<16xi32>, vector<16xi32>, vector<16xi32>], vector<16xf32>,
        %add3A_856 = arith.constant 59 : i32
        %add3A_857 = vector.broadcast %add3A_856 : i32 to vector<16xi32>
        %add3A_858 = arith.addi %shift_left3A_189, %add3A_857 : vector<16xi32>
        %gather3A_859 = tpu.vector_load_idx %arg11[%iota3A, %add3A_858] : memref<16x128xf32, #tpu.memory_space<vmem>>[vector<16xi32>, vector<16xi32>], vector<16xf32>,
        %sub3A_860 = arith.subf %gather3A_859, %gather3A_855 : vector<16xf32>
        %mul3A_861 = arith.mulf %sub3A_860, %convert_element_type3A_203 : vector<16xf32>
        %mul3A_862 = arith.mulf %mul3A_861, %mul3A_861 : vector<16xf32>
        %add3A_863 = arith.addf %add3A_819, %mul3A_862 : vector<16xf32>
        %broadcast_in_dim3A_864 = arith.constant 60 : i32
        %broadcast_in_dim3A_865 = vector.broadcast %broadcast_in_dim3A_864 : i32 to vector<16xi32>
        %gather3A_866 = tpu.vector_load_idx %arg10[%broadcast_in_dim3A_84, %broadcast_in_dim3A_865, %and3A_184] : memref<2x64x512xf32, #tpu.memory_space<vmem>>[vector<16xi32>, vector<16xi32>, vector<16xi32>], vector<16xf32>,
        %add3A_867 = arith.constant 60 : i32
        %add3A_868 = vector.broadcast %add3A_867 : i32 to vector<16xi32>
        %add3A_869 = arith.addi %shift_left3A_189, %add3A_868 : vector<16xi32>
        %gather3A_870 = tpu.vector_load_idx %arg11[%iota3A, %add3A_869] : memref<16x128xf32, #tpu.memory_space<vmem>>[vector<16xi32>, vector<16xi32>], vector<16xf32>,
        %sub3A_871 = arith.subf %gather3A_870, %gather3A_866 : vector<16xf32>
        %mul3A_872 = arith.mulf %sub3A_871, %convert_element_type3A_203 : vector<16xf32>
        %mul3A_873 = arith.mulf %mul3A_872, %mul3A_872 : vector<16xf32>
        %add3A_874 = arith.addf %add3A_830, %mul3A_873 : vector<16xf32>
        %broadcast_in_dim3A_875 = arith.constant 61 : i32
        %broadcast_in_dim3A_876 = vector.broadcast %broadcast_in_dim3A_875 : i32 to vector<16xi32>
        %gather3A_877 = tpu.vector_load_idx %arg10[%broadcast_in_dim3A_84, %broadcast_in_dim3A_876, %and3A_184] : memref<2x64x512xf32, #tpu.memory_space<vmem>>[vector<16xi32>, vector<16xi32>, vector<16xi32>], vector<16xf32>,
        %add3A_878 = arith.constant 61 : i32
        %add3A_879 = vector.broadcast %add3A_878 : i32 to vector<16xi32>
        %add3A_880 = arith.addi %shift_left3A_189, %add3A_879 : vector<16xi32>
        %gather3A_881 = tpu.vector_load_idx %arg11[%iota3A, %add3A_880] : memref<16x128xf32, #tpu.memory_space<vmem>>[vector<16xi32>, vector<16xi32>], vector<16xf32>,
        %sub3A_882 = arith.subf %gather3A_881, %gather3A_877 : vector<16xf32>
        %mul3A_883 = arith.mulf %sub3A_882, %convert_element_type3A_203 : vector<16xf32>
        %mul3A_884 = arith.mulf %mul3A_883, %mul3A_883 : vector<16xf32>
        %add3A_885 = arith.addf %add3A_841, %mul3A_884 : vector<16xf32>
        %broadcast_in_dim3A_886 = arith.constant 62 : i32
        %broadcast_in_dim3A_887 = vector.broadcast %broadcast_in_dim3A_886 : i32 to vector<16xi32>
        %gather3A_888 = tpu.vector_load_idx %arg10[%broadcast_in_dim3A_84, %broadcast_in_dim3A_887, %and3A_184] : memref<2x64x512xf32, #tpu.memory_space<vmem>>[vector<16xi32>, vector<16xi32>, vector<16xi32>], vector<16xf32>,
        %add3A_889 = arith.constant 62 : i32
        %add3A_890 = vector.broadcast %add3A_889 : i32 to vector<16xi32>
        %add3A_891 = arith.addi %shift_left3A_189, %add3A_890 : vector<16xi32>
        %gather3A_892 = tpu.vector_load_idx %arg11[%iota3A, %add3A_891] : memref<16x128xf32, #tpu.memory_space<vmem>>[vector<16xi32>, vector<16xi32>], vector<16xf32>,
        %sub3A_893 = arith.subf %gather3A_892, %gather3A_888 : vector<16xf32>
        %mul3A_894 = arith.mulf %sub3A_893, %convert_element_type3A_203 : vector<16xf32>
        %mul3A_895 = arith.mulf %mul3A_894, %mul3A_894 : vector<16xf32>
        %add3A_896 = arith.addf %add3A_852, %mul3A_895 : vector<16xf32>
        %broadcast_in_dim3A_897 = arith.constant 63 : i32
        %broadcast_in_dim3A_898 = vector.broadcast %broadcast_in_dim3A_897 : i32 to vector<16xi32>
        %gather3A_899 = tpu.vector_load_idx %arg10[%broadcast_in_dim3A_84, %broadcast_in_dim3A_898, %and3A_184] : memref<2x64x512xf32, #tpu.memory_space<vmem>>[vector<16xi32>, vector<16xi32>, vector<16xi32>], vector<16xf32>,
        %add3A_900 = arith.constant 63 : i32
        %add3A_901 = vector.broadcast %add3A_900 : i32 to vector<16xi32>
        %add3A_902 = arith.addi %shift_left3A_189, %add3A_901 : vector<16xi32>
        %gather3A_903 = tpu.vector_load_idx %arg11[%iota3A, %add3A_902] : memref<16x128xf32, #tpu.memory_space<vmem>>[vector<16xi32>, vector<16xi32>], vector<16xf32>,
        %sub3A_904 = arith.subf %gather3A_903, %gather3A_899 : vector<16xf32>
        %mul3A_905 = arith.mulf %sub3A_904, %convert_element_type3A_203 : vector<16xf32>
        %mul3A_906 = arith.mulf %mul3A_905, %mul3A_905 : vector<16xf32>
        %add3A_907 = arith.addf %add3A_863, %mul3A_906 : vector<16xf32>
        scf.yield %add3A_874, %add3A_885, %add3A_896, %add3A_907 : vector<16xf32>, vector<16xf32>, vector<16xf32>, vector<16xf32>
      }
      scf.yield %while3A_168#0, %while3A_168#1, %while3A_168#2, %while3A_168#3 : vector<16xf32>, vector<16xf32>, vector<16xf32>, vector<16xf32>
    }
    %scan3A_69 = arith.constant 62 : i32
    %add3A_70 = arith.addf %scan3A_68#0, %scan3A_68#1 : vector<16xf32>
    %add3A_71 = arith.addf %scan3A_68#2, %scan3A_68#3 : vector<16xf32>
    %add3A_72 = arith.addf %add3A_70, %add3A_71 : vector<16xf32>
    %swap3A = arith.constant 0 : index
    %swap3A_73 = tpu.vector_load %arg12[%swap3A] {strides = array<i32>} : memref<16xf32, #tpu.memory_space<vmem>>, vector<16xf32>,
    tpu.vector_store %arg12[%swap3A], %add3A_72 {strides = array<i32>} : memref<16xf32, #tpu.memory_space<vmem>>, vector<16xf32>,
    "tpu.region"() ({
      %run_scoped3A = tpu.sem_alloc : memref<!tpu.dma_semaphore, #tpu.memory_space<semaphore_mem>>
      %dma_start3A = arith.constant 0 : i32
      %dma_start3A_74 = tpu.memref_slice %arg6[%add3A, %dma_start3A] : memref<32x16xf32, #tpu.memory_space<hbm>> -> memref<1x16xf32, #tpu.memory_space<hbm>>
      %dma_start3A_75 = tpu.memref_squeeze %dma_start3A_74 : memref<1x16xf32, #tpu.memory_space<hbm>> -> memref<16xf32, #tpu.memory_space<hbm>>
      %dma_start3A_76 = arith.constant 0 : i32
      %dma_start3A_77 = tpu.memref_slice %arg6[%add3A, %dma_start3A_76] : memref<32x16xf32, #tpu.memory_space<hbm>> -> memref<1x16xf32, #tpu.memory_space<hbm>>
      %dma_start3A_78 = tpu.memref_squeeze %dma_start3A_77 : memref<1x16xf32, #tpu.memory_space<hbm>> -> memref<16xf32, #tpu.memory_space<hbm>>
      tpu.enqueue_dma source(%arg12 : memref<16xf32, #tpu.memory_space<vmem>>) target(%dma_start3A_78 : memref<16xf32, #tpu.memory_space<hbm>>) target_semaphore(%run_scoped3A : memref<!tpu.dma_semaphore, #tpu.memory_space<semaphore_mem>>)
      %dma_wait3A = arith.constant 0 : i32
      %dma_wait3A_79 = tpu.memref_slice %arg6[%add3A, %dma_wait3A] : memref<32x16xf32, #tpu.memory_space<hbm>> -> memref<1x16xf32, #tpu.memory_space<hbm>>
      %dma_wait3A_80 = tpu.memref_squeeze %dma_wait3A_79 : memref<1x16xf32, #tpu.memory_space<hbm>> -> memref<16xf32, #tpu.memory_space<hbm>>
      %dma_wait3A_81 = arith.constant 0 : i32
      %dma_wait3A_82 = tpu.memref_slice %arg6[%add3A, %dma_wait3A_81] : memref<32x16xf32, #tpu.memory_space<hbm>> -> memref<1x16xf32, #tpu.memory_space<hbm>>
      %dma_wait3A_83 = tpu.memref_squeeze %dma_wait3A_82 : memref<1x16xf32, #tpu.memory_space<hbm>> -> memref<16xf32, #tpu.memory_space<hbm>>
      tpu.wait_dma2 semaphore(%run_scoped3A : memref<!tpu.dma_semaphore, #tpu.memory_space<semaphore_mem>>) src(%arg12 : memref<16xf32, #tpu.memory_space<vmem>>) dst(%dma_wait3A_83 : memref<16xf32, #tpu.memory_space<hbm>>)
      tpu.yield
    }) : () -> ()
    return
  }
}

</mosaic_0001>

<sc_bundles>
// kernel: kernel.3.cloned.1.call-start
scs
__scs_entry_jumppad:
0x0: {  	(pc) =	sbr.rel $0x88, $3  }
0x1: {  	(tag) =	ssettag $0x0;
	lr =	simm.s32 $0x1  }
0x2: {  	[smem:$0x3F9E] =	sst lr;
	_ =	strace $0xD0000000  }
0x3: {  	_ = 	snop  }
0x4: {  	_ = 	snop  }
0x5: {  	_ = 	snop  }
0x6: {  	_ = 	snop  }
0x7: {  	_ = 	snop  }
__scs_overlays_trampoline_lowered:
0x8: {  	[smem:$0x3FAD] =	sst s0  }
0x9: {  	[smem:$0x3FAE] =	sst s1  }
0xa: {  	[smem:$0x3FAF] =	sst s2  }
0xb: {  	[smem:$0x3FB0] =	sst s3  }
0xc: {  	[smem:$0x3FB1] =	sst s4  }
0xd: {  	[smem:$0x3FB2] =	sst s5  }
0xe: {  	[smem:$0x3FB3] =	sst s6  }
0xf: {  	[smem:$0x3FB4] =	sst s7  }
0x10: {  	[smem:$0x3FB5] =	sst s8  }
0x11: {  	[smem:$0x3FB6] =	sst s9;
	s0 =	simm.s32 @!p0 $0x0  }
0x12: {  	s1 =	sld [smem:$0x3F9C];
	s0 =	simm.s32 @p0 $0x1  }
0x13: {  	[smem:$0x3FB7] =	sst s0;
	s0 =	simm.s32 @!p1 $0x0  }
0x14: {  	s2 =	sld [smem:$0x3F9B];
	s0 =	simm.s32 @p1 $0x1  }
0x15: {  	[smem:$0x3FB8] =	sst s0;
	s0 =	simm.s32 @!p2 $0x0  }
0x16: {  	s3 =	sld [smem:$0x3FDB];
	s0 =	simm.s32 @p2 $0x1  }
0x17: {  	s4 =	simm.s32 $0x1BF5;
	[smem:$0x3FBA] =	sst s0  }
0x18: {  	s0 =	sld [smem:$0x3F9D];
	_ =	swait.ge [sflag:s4], $0x0  }
0x19: {  	s7 =	sld [smem:$0x3F9E]  }
0x1a: {  	s8 =	sadd.s32 $0xFFFFE003, lr  }
0x1b: {  	s9 =	sadd.s32 $0xFFFFFEF7, lr;
	s5 =	simm.s32 $0xFFFFFFFF;
	p2 =	slt.u32 s8, $0xFFFFF086  }
0x1c: {  	p1 =	slt.u32 s9, $0xF7A;
	s5 =	simm.s32 @!p2 $0x0  }
0x1d: {  	s5 =	simm.s32 @p1 $0x1;
	p0 =	seq.s32 s7, s2  }
0x1e: {  	s7 =	smul.u32 @!p0 $0xF7A, s2;
	p2 =	seq.s32 @!p0 s5, $0x0  }
0x1f: {  	s9 =	smul.u32 $0xF7A, s1;
	s8 =	simm.s32 @!p0 $0x1BF5;
	p2 =	por !p2, p0  }
0x20: {  	[sflag:s8] =	ssyncset.s32 @!p0 $0xFFFFF086;
	s6 =	sadd.s32 @!p0 s3, s7;
	s7 =	simm.s32 @!p0 $0x108  }
0x21: {  	s3 =	sadd.s32 s3, s9;
	s6 =	sadd.s32 @!p0 $0x88, s6;
	s7 =	simm.s32 @p2 $0x1082  }
0x22: {  	[simem:s7], [sflag:s8] =	dma.local @!p0 [hbm:s6], $0xF7A  }
0x23: {  	s9 =	sor.u32 $0xD0000000, s2;
	s6 =	simm.s32 $0x108;
	_ =	swait.ge @!p0 [sflag:s8], $0x0  }
0x24: {  	s3 =	sadd.s32 $0x88, s3;
	s6 =	simm.s32 @!p1 $0x1082;
	[sflag:s4] =	ssyncset.s32 $0xFFFFF086  }
0x25: {  	[simem:s6], [sflag:s4] =	dma.local [hbm:s3], $0xF7A  }
0x26: {  	[smem:$0x3F9E] =	sst s1;
	(tag) =	ssettag s2;
	_ =	strace s9  }
0x27: {  	s1 =	sld [smem:$0x3FAE]  }
0x28: {  	s2 =	sld [smem:$0x3FAF]  }
0x29: {  	s4 =	sld [smem:$0x3FB1]  }
0x2a: {  	p0 =	seq.s32 s5, $0x0;
	s5 =	sld [smem:$0x3FB2]  }
0x2b: {  	s6 =	sld [smem:$0x3FB3]  }
0x2c: {  	s7 =	sld [smem:$0x3FB4]  }
0x2d: {  	s3 =	simm.s32 $0x108;
	s8 =	sld [smem:$0x3FB5]  }
0x2e: {  	s3 =	simm.s32 @!p0 $0x1082;
	s9 =	sld [smem:$0x3FB6]  }
0x2f: {  	lr =	sadd.s32 s0, s3;
	s0 =	sld [smem:$0x3FAD]  }
0x30: {  	s3 =	sld [smem:$0x3FB0]  }
0x31: {  	[smem:$0x3FB9] =	sst s10  }
0x32: {  	s10 =	sld [smem:$0x3FB7];
	_ =	sdelay $0x3  }
0x33: {  	p0 =	seq.s32 s10, $0x1;
	s10 =	sld [smem:$0x3FB9];
	_ =	sdelay $0x3  }
0x34: {  	[smem:$0x3FB9] =	sst s10  }
0x35: {  	s10 =	sld [smem:$0x3FB8];
	_ =	sdelay $0x3  }
0x36: {  	p1 =	seq.s32 s10, $0x1;
	s10 =	sld [smem:$0x3FB9];
	_ =	sdelay $0x3  }
0x37: {  	[smem:$0x3FB9] =	sst s10  }
0x38: {  	s10 =	sld [smem:$0x3FBA]  }
0x39: {  	_ = 	snop;
	(pc) =	sbr.ind lr, $3  }
0x3a: {  	_ = 	snop  }
0x3b: {  	_ = 	snop  }
0x3c: {  	p2 =	seq.s32 s10, $0x1;
	s10 =	sld [smem:$0x3FB9]  }
0x3d: {  	_ =	shalt  }
0x3e: {  	_ =	shalt  }
0x3f: {  	_ =	shalt  }
0x40: {  	_ =	shalt  }
0x41: {  	_ =	shalt  }
0x42: {  	_ =	shalt  }
0x43: {  	_ =	shalt  }
0x44: {  	_ =	shalt  }
0x45: {  	_ =	shalt  }
0x46: {  	_ =	shalt  }
0x47: {  	_ =	shalt  }
0x48: {  	_ =	shalt  }
0x49: {  	_ =	shalt  }
0x4a: {  	_ =	shalt  }
0x4b: {  	_ =	shalt  }
0x4c: {  	_ =	shalt  }
0x4d: {  	_ =	shalt  }
0x4e: {  	_ =	shalt  }
0x4f: {  	_ =	shalt  }
0x50: {  	_ =	shalt  }
0x51: {  	_ =	shalt  }
0x52: {  	_ =	shalt  }
0x53: {  	_ =	shalt  }
0x54: {  	_ =	shalt  }
0x55: {  	_ =	shalt  }
0x56: {  	_ =	shalt  }
0x57: {  	_ =	shalt  }
0x58: {  	_ =	shalt  }
0x59: {  	_ =	shalt  }
0x5a: {  	_ =	shalt  }
0x5b: {  	_ =	shalt  }
0x5c: {  	_ =	shalt  }
0x5d: {  	_ =	shalt  }
0x5e: {  	_ =	shalt  }
0x5f: {  	_ =	shalt  }
0x60: {  	_ =	shalt  }
0x61: {  	_ =	shalt  }
0x62: {  	_ =	shalt  }
0x63: {  	_ =	shalt  }
0x64: {  	_ =	shalt  }
0x65: {  	_ =	shalt  }
0x66: {  	_ =	shalt  }
0x67: {  	_ =	shalt  }
0x68: {  	_ =	shalt  }
0x69: {  	_ =	shalt  }
0x6a: {  	_ =	shalt  }
0x6b: {  	_ =	shalt  }
0x6c: {  	_ =	shalt  }
0x6d: {  	_ =	shalt  }
0x6e: {  	_ =	shalt  }
0x6f: {  	_ =	shalt  }
0x70: {  	_ =	shalt  }
0x71: {  	_ =	shalt  }
0x72: {  	_ =	shalt  }
0x73: {  	_ =	shalt  }
0x74: {  	_ =	shalt  }
0x75: {  	_ =	shalt  }
0x76: {  	_ =	shalt  }
0x77: {  	_ =	shalt  }
0x78: {  	_ =	shalt  }
0x79: {  	_ =	shalt  }
0x7a: {  	_ =	shalt  }
0x7b: {  	_ =	shalt  }
0x7c: {  	_ =	shalt  }
0x7d: {  	_ =	shalt  }
0x7e: {  	_ =	shalt  }
0x7f: {  	_ =	shalt  }
0x80: {  	_ =	shalt  }
0x81: {  	_ =	shalt  }
0x82: {  	_ =	shalt  }
0x83: {  	_ =	shalt  }
0x84: {  	_ =	shalt  }
0x85: {  	_ =	shalt  }
0x86: {  	_ =	shalt  }
0x87: {  	_ =	shalt  }
.Lfunc_end0:
.L_simem_size_0:
called_computation_lowered:
.L_overlay_start_0:
0x88: {  	s2 =	sld [smem:$0x3FD9]  }
0x89: {  	s3 =	sld [smem:$0x3FFE];
	_ =	sdelay $0x1  }
0x8a: {  	s1 =	srdreg.scid  }
0x8b: {  	s0 =	sand.u32 $0x1, s1  }
0x8c: {  	s17 =	sshll.u32 s0, $0xA;
	s2 =	sadd.s32 s3, s2  }
0x8d: {  	s2 =	sadd.s32 s2, s17  }
0x8e: {  	[smem:$0x3FC5] =	sst s2  }
0x8f: {  	_ = 	snop  }
0x90: {  	s2 =	sld [smem:$0x3FC8]  }
0x91: {  	s18 =	sld [smem:$0x3FC7];
	(tm) =	ssettm $0x1  }
0x92: {  	s4 =	sld [smem:$0x3FFB];
	_ =	sdelay $0x3  }
0x93: {  	_ =	strace s4  }
0x94: {  	s4 =	sld [smem:$0x3FFC];
	_ =	sdelay $0x3  }
0x95: {  	_ =	strace s4  }
0x96: {  	s4 =	sld [smem:$0x3FFD];
	_ =	sdelay $0x3  }
0x97: {  	_ =	strace s4  }
0x98: {  	_ =	strace $0x8FFFFFFF  }
0x99: {  	s19 =	sld [smem:$0x3FDB];
	_ =	sdelay $0x1  }
0x9a: {  	s5 =	simm.s32 $_scs_section_size  }
0x9b: {  	s6 =	simm.s32 $_size__tile_overlayer_lowered;
	s7 =	simm.s32 $_tile_overlayer_lowered  }
0x9c: {  	s22 =	simm.s32 $0x1BFF;
	s21 =	sshll.u32 s7, $0x1;
	s4 =	sadd.s32 s5, s19  }
0x9d: {  	s8 =	simm.s32 $0x0;
	s20 =	sshll.u32 s6, $0x1;
	s6 =	sadd.s32 s21, s4  }
0x9e: {  	[timem:s8], [sflag:s22] =	dma.local [hbm:s6], s20  }
0x9f: {  	_ =	swait.ge [sflag:s22], s20  }
0xa0: {  	s5 =	ssub.s32 $0x0, s20;
	[sflag:s22] =	ssyncset.done $0x0  }
0xa1: {  	[sflag:s22] =	ssyncadd.s32 s5;
	_ =	sdelay $0x1  }
0xa2: {  	s23 =	simm.s32 $0x1B8B  }
0xa3: {  	_ =	swait.ge [sflag:s23], $0x1  }
0xa4: {  	[sflag:s23] =	ssyncset.done $0x0  }
0xa5: {  	s25 =	simm.s32 $0x1B8E;
	s24 =	sld [smem:$0x3FFE];
	[sflag:s23] =	ssyncadd.s32 $0xFFFFFFFF  }
0xa6: {  	s26 =	simm.s32 $execute0_lowered;
	[smem:$0x3FD2] =	sst s25  }
0xa7: {  	s6 =	sshll.u32 s26, $0x1;
	_ =	strace $0x80000046;
	[dreg:$0x1] =	wrdreg $0xFFFFFFFF  }
0xa8: {  	s28 =	simm.s32 $_size_execute0_lowered;
	s4 =	sadd.s32 s4, s6;
	[dreg:$0x0] =	wrdreg $0x0  }
0xa9: {  	s6 =	sshll.u32 s28, $0x1;
	[dreg:$0x2] =	wrdreg s4  }
0xaa: {  	[dreg:$0x3] =	wrdreg s6  }
0xab: {  	[dreg:$0x4] =	wrdreg $0xC0  }
0xac: {  	_ =	task [dreg:s8], $0x5FFFF  }
0xad: {  	[dreg:$0x1] =	wrdreg $0xFFFFFFFF  }
0xae: {  	[dreg:$0x0] =	wrdreg $0x60  }
0xaf: {  	[dreg:$0x2] =	wrdreg s24  }
0xb0: {  	[dreg:$0x3] =	wrdreg s2  }
0xb1: {  	[dreg:$0x4] =	wrdreg s18  }
0xb2: {  	[dreg:$0x5] =	wrdreg $0x9  }
0xb3: {  	_ =	task.clear_ibuf [dreg:s8], $0x6FFFF;
	_ =	strace $0x90000046  }
0xb4: {  	s29 =	simm.s32 $0x9;
	_ =	strace $0x80000048  }
0xb5: {  	_ =	swait.ge [sflag:s29], $0x1  }
0xb6: {  	[sflag:s29] =	ssyncadd.s32 $0xFFFFFFFF  }
0xb7: {  	_ =	strace $0x90000048  }
0xb8: {  	_ =	sfence  }
0xb9: {  	s30 =	sld [smem:$0x0];
	_ =	sdelay $0x2  }
0xba: {  	s31 =	sshll.u32 s1, $0xD;
	s1 =	sshrl.u32 s1, $0x2  }
0xbb: {  	s3 =	sand.u32 $0x4000, s31;
	s1 =	sadd.s32 s1, s30  }
0xbc: {  	s0 =	sor.u32 s3, s0;
	s1 =	sshll.u32 s1, $0x11  }
0xbd: {  	s0 =	sor.u32 s1, s0  }
0xbe: {  	s0 =	sadd.s32 $0x8F2B, s0  }
0xbf: {  	[sflag:s0] =	ssyncadd.remote.s32 $0x1  }
0xc0: {  	_ =	sfence.sel $0xFFFF  }
0xc1: {  	[dreg:$0x0] =	wrdreg $0xFFFFFFFF;
	(pc) =	sbr.abs _section_cstart, $3  }
0xc2: {  	[dreg:$0x1] =	wrdreg $0xFFFFFFFF  }
0xc3: {  	_ =	task.clear_ibuf [dreg:s8], $0x2FFFF;
	_ =	strace $0x9FFFFFFF  }
0xc4: {  	(tm) =	ssettm $0x7FFFFFFF  }
0xc5: {  	_ =	shalt  }
tec
execute0_lowered:
.L_overlay_start_1:
0x0: {  	(tag) =	ssettag $0x1  }
0x1: {  	s1 =	rddreg [dreg:$0x0]  }
0x2: {  	s4 =	rddreg [dreg:$0x2];
	s5 =	simm.s32 $0x0  }
0x3: {  	s0 =	srdreg.scid;
	s2 =	stileid.u32;
	s18 =	simm.s32 $0x8000  }
0x4: {  	s19 =	simm.s32 $0x4000;
	s20 =	simm.s32 $0x4;
	s23 =	simm.s32 $0xC000  }
0x5: {  	s24 =	simm.s32 $0x1C000;
	s25 =	simm.s32 $0x3;
	s26 =	simm.s32 $0x1C800  }
0x6: {  	s28 =	simm.s32 $0x0;
	[smem:$0x7FF] =	sst s5;
	s0 =	sand.u32 $0x1, s0  }
0x7: {  	s3 =	sshll.u32 s2, $0x1;
	s7 =	sadd.s32 $0x20000, s1;
	s11 =	sadd.s32 $0x20080, s1  }
0x8: {  	s12 =	sadd.s32 $0x20100, s1;
	s13 =	sadd.s32 $0x20180, s1;
	s14 =	sadd.s32 $0x20200, s1  }
.Ltmp0:
0x9: {  	s15 =	sadd.s32 $0x20280, s1;
	s16 =	sadd.s32 $0x20300, s1;
	(pc) =	sbr.rel .LBB2_1-.Ltmp0, $4  }
0xa: {  	s17 =	sadd.s32 $0x20380, s1;
	s6 =	sor.u32 s0, s3;
	s0 =	ssub.s32 $0x2, s0  }
0xb: {  	_ =	strace $0x80000047;
	s3 =	sshll.u32 s6, $0x4;
	s8 =	sshrl.u32 s0, $0x1  }
0xc: {  	v1 =	vimm.s32 $0x0;
	s9 =	sshll.u32 s6, $0x9;
	s3 =	sadd.s32 s3, s1;
	s0 =	ssub.s32 s0, s8  }
0xd: {  	v2 =	vlaneseq.u32;
	vm0 =	vmmov $0xffff;
	v0 =	vmov s6;
	s8 =	sadd.s32 s4, s9;
	s9 =	sadd.s32 $0x20400, s3;
	s10 =	smax.u32 s0, $0x1  }
.LBB2_20:
0xe: {  	v3 =	vadd.f32 v27, v24;
	v4 =	vadd.f32 v25, v26;
	_ =	sdelay $0x1  }
0xf: {  	s28 =	sadd.s32 $0x1, s28;
	v3 =	vadd.f32 v4, v3  }
0x10: {  	p0 =	sne.s32 s28, s10  }
.Ltmp1:
0x11: {  	[tilespmem:$0x1C800] =	vst v3;
	(pc) =	sbr.rel @!p0 .LBB2_21-.Ltmp1, $4  }
0x12: {  	[hbm4b:s9+s5] =	stream.linear.scatter [tilespmem:s26], [sflag:$0x4], $0x80, $0x38;
	[tilespmem:$0x1C880] =	vst v63  }
0x13: {  	_ =	swait.ge [sflag:s20], $0x80  }
0x14: {  	[sflag:s20] =	ssyncset.done $0x0  }
0x15: {  	[sflag:s20] =	ssyncadd.s32 $0xFFFFFF80  }
.LBB2_1:
0x16: {  	v3 =	vlaneseq.u32;
	_ =	sdelay $0x3  }
0x17: {  	s0 =	simm.s32 $0x3FF;
	[tilespmem:v2+s18+$0x0] =	vst.idx.msk $0xffff, v1  }
.LBB2_2:
0x18: {  	p0 =	sne.s32 s0, $0x1;
	s0 =	sadd.s32 $0xFFFFFFFF, s0;
	[tilespmem:v3+s19+$0x0] =	vst.idx.msk $0xffff, v1;
	v3 =	vadd.s32 $0x10, v3  }
.Ltmp2:
0x19: {  	(pc) =	sbr.rel @p0 .LBB2_2-.Ltmp2, $2  }
0x1a: {  	_ =	sdelay $0x2  }
0x1b: {  	[tilespmem:v3+s18+$0x0] =	vst.idx.msk $0xffff, v1  }
0x1c: {  	_ =	sdelay $0x3  }
0x1d: {  	[tilespmem:v3+s19+$0x0] =	vst.idx.msk $0xffff, v1;
	s0 =	rddreg [dreg:$0x1]  }
0x1e: {  	v3 =	vlaneseq.u32;
	[tilespmem:s5], [sflag:$0x4] =	stream.linear.gather [hbm4b:s0+s5], $0x4000, $0x38;
	[tilespmem:$0x1C880] =	vst v63  }
0x1f: {  	_ =	swait.ge [sflag:s20], $0x4000  }
0x20: {  	v4 =	vadd.s32 $0x10, v3;
	[sflag:s20] =	ssyncset.done $0x0  }
0x21: {  	s31 =	simm.s32 $0x1000;
	s2 =	simm.s32 $0x7A1400;
	[sflag:s20] =	ssyncadd.s32 $0xFFFFC000  }
0x22: {  	v5 =	vadd.s32 $0x20, v3;
	[tilespmem:s23], [sflag:$0x1] =	stream.strided.gather [hbm4b:s8+s31], $0x8000, s2, s31, $0x38;
	[tilespmem:$0x1C880] =	vst v63  }
0x23: {  	v6 =	vld.idx.msk [tilespmem:v3+s5+$0x0], $0xffff  }
0x24: {  	v8 =	vadd.s32 $0x30, v3  }
0x25: {  	v9 =	vld.idx.msk [tilespmem:v4+s5+$0x0], $0xffff;
	_ =	sdelay $0x1  }
0x26: {  	v10 =	vld.idx.msk [tilespmem:v5+s5+$0x0], $0xffff  }
0x27: {  	v11 =	vshrl.u32 v6, $0x9  }
0x28: {  	v12 =	vld.idx.msk [tilespmem:v8+s5+$0x0], $0xffff;
	v13 =	vand.u32 $0x1F, v11  }
0x29: {  	v14 =	vshrl.u32 v9, $0x9;
	v7 =	vxor.u32 v0, v13  }
0x2a: {  	v15 =	vand.u32 $0x1F, v14;
	v7 =	vmin.u32 v7, $0x1  }
0x2b: {  	v17 =	vshrl.u32 v10, $0x9;
	v16 =	vxor.u32 v0, v15;
	v7 =	vxor.u32 $0x1, v7  }
0x2c: {  	v18 =	vand.u32 $0x1F, v17;
	v16 =	vmin.u32 v16, $0x1;
	(xrf0) =	vadd.scan.msk.s32 $0xffff, v7  }
0x2d: {  	v19 =	vxor.u32 v0, v18;
	v16 =	vxor.u32 $0x1, v16;
	v7 =	vshrl.u32 v12, $0x9  }
0x2e: {  	v19 =	vmin.u32 v19, $0x1;
	v20 =	vand.u32 $0x1F, v7;
	(xrf0) =	vadd.scan.msk.s32 $0xffff, v16  }
0x2f: {  	v50 =	vxor.u32 $0x1, v19;
	v51 =	vxor.u32 v0, v20  }
0x30: {  	(xrf0) =	vadd.scan.msk.s32 $0xffff, v50;
	v19 =	vmin.u32 v51, $0x1  }
0x31: {  	vm2 =	veq.s32 v13, v0;
	v52 =	vxor.u32 $0x1, v19  }
0x32: {  	v53 =	vimm.s32 $0x0;
	v54 =	vmpcnt.ones.xlane vm2;
	v21, _, _ =	vpop (xrf0);
	(xrf0) =	vadd.scan.msk.s32 $0xffff, v52  }
0x33: {  	vm3 =	veq.s32 v15, v0;
	v55 =	vadd.s32 v21, v53  }
0x34: {  	v57 =	vmpcnt.ones.xlane vm3;
	v56 =	vadd.s32 v53, v54;
	v58, _, _ =	vpop (xrf0);
	v13 =	vadd.s32 $0xFFFFFFFF, v55  }
0x35: {  	v62 =	vshll.u32 v3, $0x9;
	vm4 =	veq.s32 v18, v0;
	v19 =	vadd.s32 v58, v56  }
0x36: {  	v60 =	vmpcnt.ones.xlane vm4;
	v15 =	vadd.s32 v56, v57;
	v61, _, _ =	vpop (xrf0);
	v59 =	vadd.s32 $0xFFFFFFFF, v19  }
0x37: {  	v4 =	vshll.u32 v4, $0x9;
	v6 =	vand.u32 $0x1FF, v6;
	v19 =	vadd.s32 v15, v61  }
0x38: {  	v6 =	vor.u32 v62, v6;
	v15 =	vadd.s32 v15, v60;
	v19 =	vadd.s32 $0xFFFFFFFF, v19;
	v63, _, _ =	vpop (xrf0)  }
0x39: {  	v9 =	vand.u32 $0x1FF, v9;
	vm1 =	veq.s32 v20, v0;
	[tilespmem:v13+s19+$0x0] =	vst.idx.msk vm2, v6;
	v6 =	vadd.s32 v15, v63  }
0x3a: {  	v4 =	vor.u32 v4, v9;
	[tilespmem:v13+s5+$0x0] =	vst.idx.msk vm2, v11;
	v9 =	vadd.s32 $0xFFFFFFFF, v6  }
0x3b: {  	v5 =	vshll.u32 v5, $0x9;
	v6 =	vand.u32 $0x1FF, v10;
	[tilespmem:v59+s19+$0x0] =	vst.idx.msk vm3, v4  }
0x3c: {  	v4 =	vadd.s32 $0x40, v3;
	v3 =	vor.u32 v5, v6;
	[tilespmem:v59+s5+$0x0] =	vst.idx.msk vm3, v14  }
0x3d: {  	v8 =	vshll.u32 v8, $0x9;
	v5 =	vand.u32 $0x1FF, v12;
	v6 =	vmpcnt.ones.xlane vm1;
	[tilespmem:v19+s19+$0x0] =	vst.idx.msk vm4, v3  }
0x3e: {  	v10 =	vor.u32 v8, v5;
	v5 =	vadd.s32 $0x10, v4;
	[tilespmem:v19+s5+$0x0] =	vst.idx.msk vm4, v17  }
0x3f: {  	s0 =	simm.s32 $0xFE;
	v8 =	vadd.s32 $0x40, v4;
	v3 =	vadd.s32 $0x20, v4;
	v6 =	vadd.s32 v15, v6;
	[tilespmem:v9+s19+$0x0] =	vst.idx.msk vm1, v10  }
.LBB2_4:
0x40: {  	v10 =	vadd.s32 $0x20, v8;
	p0 =	sne.s32 s0, $0x1;
	s0 =	sadd.s32 $0xFFFFFFFF, s0;
	[tilespmem:v9+s5+$0x0] =	vst.idx.msk vm1, v7  }
0x41: {  	v7 =	vld.idx.msk [tilespmem:v4+s5+$0x0], $0xffff  }
0x42: {  	v11 =	vadd.s32 $0x30, v4  }
0x43: {  	v9 =	vld.idx.msk [tilespmem:v5+s5+$0x0], $0xffff;
	_ =	sdelay $0x1  }
0x44: {  	v12 =	vld.idx.msk [tilespmem:v3+s5+$0x0], $0xffff;
	_ =	sdelay $0x1  }
0x45: {  	v14 =	vshrl.u32 v7, $0x9;
	v15 =	vand.u32 $0x1FF, v7;
	v13 =	vld.idx.msk [tilespmem:v11+s5+$0x0], $0xffff  }
0x46: {  	v16 =	vand.u32 $0x1F, v14  }
0x47: {  	v7 =	vxor.u32 v0, v16;
	v17 =	vshrl.u32 v9, $0x9;
	v9 =	vand.u32 $0x1FF, v9  }
0x48: {  	v7 =	vmin.u32 v7, $0x1;
	v18 =	vand.u32 $0x1F, v17  }
0x49: {  	v7 =	vxor.u32 $0x1, v7;
	v19 =	vxor.u32 v0, v18;
	v20 =	vshrl.u32 v12, $0x9  }
0x4a: {  	v12 =	vand.u32 $0x1FF, v12;
	v19 =	vmin.u32 v19, $0x1;
	v21 =	vand.u32 $0x1F, v20;
	(xrf0) =	vadd.scan.msk.s32 $0xffff, v7  }
0x4b: {  	v19 =	vxor.u32 $0x1, v19;
	v22 =	vxor.u32 v0, v21;
	v7 =	vshrl.u32 v13, $0x9  }
0x4c: {  	v13 =	vand.u32 $0x1FF, v13;
	v22 =	vmin.u32 v22, $0x1;
	v23 =	vand.u32 $0x1F, v7;
	(xrf0) =	vadd.scan.msk.s32 $0xffff, v19  }
0x4d: {  	v19 =	vxor.u32 $0x1, v22;
	v22 =	vxor.u32 v0, v23  }
0x4e: {  	v24 =	vmin.u32 v22, $0x1;
	(xrf0) =	vadd.scan.msk.s32 $0xffff, v19  }
0x4f: {  	vm2 =	veq.s32 v16, v0;
	v16 =	vxor.u32 $0x1, v24  }
0x50: {  	v24 =	vmpcnt.ones.xlane vm2;
	v22, _, _ =	vpop (xrf0);
	(xrf0) =	vadd.scan.msk.s32 $0xffff, v16  }
0x51: {  	vm3 =	veq.s32 v18, v0;
	v16 =	vadd.s32 v22, v6  }
0x52: {  	v18 =	vmpcnt.ones.xlane vm3;
	v6 =	vadd.s32 v6, v24;
	v16 =	vadd.s32 $0xFFFFFFFF, v16;
	v19, _, _ =	vpop (xrf0)  }
0x53: {  	vm4 =	veq.s32 v21, v0;
	vm1 =	veq.s32 v23, v0;
	v19 =	vadd.s32 v19, v6  }
0x54: {  	v24 =	vmpcnt.ones.xlane vm4;
	v6 =	vadd.s32 v6, v18;
	v19 =	vadd.s32 $0xFFFFFFFF, v19;
	v21, _, _ =	vpop (xrf0)  }
0x55: {  	v23 =	vmpcnt.ones.xlane vm1;
	v22 =	vshll.u32 v4, $0x9;
	v4 =	vmovc v8;
	v21 =	vadd.s32 v6, v21  }
0x56: {  	v15 =	vor.u32 v22, v15;
	v6 =	vadd.s32 v6, v24;
	v21 =	vadd.s32 $0xFFFFFFFF, v21;
	v18, _, _ =	vpop (xrf0)  }
0x57: {  	v5 =	vshll.u32 v5, $0x9;
	[tilespmem:v16+s19+$0x0] =	vst.idx.msk vm2, v15;
	v15 =	vadd.s32 v6, v18;
	v6 =	vadd.s32 v6, v23  }
0x58: {  	v5 =	vor.u32 v5, v9;
	[tilespmem:v16+s5+$0x0] =	vst.idx.msk vm2, v14;
	v9 =	vadd.s32 $0xFFFFFFFF, v15  }
.Ltmp3:
0x59: {  	[tilespmem:v19+s19+$0x0] =	vst.idx.msk vm3, v5;
	v5 =	vshll.u32 v3, $0x9;
	v3 =	vmov v10;
	(pc) =	sbr.rel @p0 .LBB2_4-.Ltmp3, $4  }
0x5a: {  	[tilespmem:v19+s5+$0x0] =	vst.idx.msk vm3, v17;
	v5 =	vor.u32 v5, v12  }
0x5b: {  	v10 =	vshll.u32 v11, $0x9;
	[tilespmem:v21+s19+$0x0] =	vst.idx.msk vm4, v5  }
0x5c: {  	v10 =	vor.u32 v10, v13;
	v5 =	vadd.s32 $0x10, v8;
	[tilespmem:v21+s5+$0x0] =	vst.idx.msk vm4, v20  }
0x5d: {  	v8 =	vadd.s32 $0x40, v8;
	[tilespmem:v9+s19+$0x0] =	vst.idx.msk vm1, v10  }
0x5e: {  	_ =	sdelay $0x4  }
0x5f: {  	[tilespmem:v9+s5+$0x0] =	vst.idx.msk vm1, v7  }
0x60: {  	v7 =	vld.idx.msk [tilespmem:v4+s5+$0x0], $0xffff  }
0x61: {  	v9 =	vld.idx.msk [tilespmem:v5+s5+$0x0], $0xffff  }
0x62: {  	v8 =	vadd.s32 $0x30, v4;
	v10 =	vld.idx.msk [tilespmem:v3+s5+$0x0], $0xffff;
	_ =	sdelay $0x4  }
0x63: {  	v11 =	vld.idx.msk [tilespmem:v8+s5+$0x0], $0xffff;
	v12 =	vshrl.u32 v7, $0x9;
	v13 =	vshrl.u32 v9, $0x9;
	v18 =	vshrl.u32 v10, $0x9  }
0x64: {  	v14 =	vand.u32 $0x1F, v12;
	v15 =	vand.u32 $0x1F, v13;
	v19 =	vand.u32 $0x1F, v18  }
0x65: {  	v16 =	vxor.u32 v0, v14;
	v17 =	vxor.u32 v0, v15;
	v20 =	vxor.u32 v0, v19  }
0x66: {  	vm4 =	veq.s32 v14, v0;
	vm3 =	veq.s32 v15, v0;
	vm2 =	veq.s32 v19, v0  }
0x67: {  	v16 =	vmin.u32 v16, $0x1;
	v17 =	vmin.u32 v17, $0x1;
	v44 =	vmin.u32 v20, $0x1  }
0x68: {  	v45 =	vmpcnt.ones.xlane vm4;
	v22 =	vmpcnt.ones.xlane vm3;
	v21 =	vshrl.u32 v11, $0x9  }
0x69: {  	v48 =	vmpcnt.ones.xlane vm2;
	v16 =	vxor.u32 $0x1, v16;
	v46 =	vand.u32 $0x1F, v21  }
0x6a: {  	v17 =	vxor.u32 $0x1, v17;
	v47 =	vadd.s32 v6, v45;
	vm1 =	veq.s32 v46, v0  }
0x6b: {  	(xrf0) =	vadd.scan.msk.s32 $0xffff, v16;
	v15 =	vxor.u32 v0, v46;
	v49 =	vadd.s32 v47, v22;
	v50 =	vmpcnt.ones.xlane vm1  }
0x6c: {  	v14 =	vxor.u32 $0x1, v44;
	(xrf0) =	vadd.scan.msk.s32 $0xffff, v17;
	v15 =	vmin.u32 v15, $0x1;
	v51 =	vadd.s32 v49, v48  }
0x6d: {  	(xrf0) =	vadd.scan.msk.s32 $0xffff, v14;
	v52 =	vxor.u32 $0x1, v15;
	v53 =	vadd.s32 v51, v50  }
0x6e: {  	(xrf0) =	vadd.scan.msk.s32 $0xffff, v52;
	v54 =	vxor.u32 $0x80000000, v53  }
0x6f: {  	(xrf0) =	vmax.scan.msk.u32 $0xffff, v54;
	_ =	sdelay $0x1  }
0x70: {  	v55, _, _ =	vpop (xrf0)  }
0x71: {  	v56, _, _ =	vpop (xrf0)  }
0x72: {  	v57, _, _ =	vpop (xrf0)  }
0x73: {  	v58, _, _ =	vpop (xrf0)  }
0x74: {  	v23, _, _ =	vpop (xrf0)  }
0x75: {  	(v2sf) =	vpush v23, $0xF;
	_ =	sdelay $0x9  }
0x76: {  	v59 =	vadd.s32 v55, v6  }
0x77: {  	v6 =	vadd.s32 $0xFFFFFFFF, v59  }
0x78: {  	v60 =	vadd.s32 v56, v47  }
0x79: {  	v14 =	vadd.s32 $0xFFFFFFFF, v60  }
0x7a: {  	v4 =	vshll.u32 v4, $0x9;
	v7 =	vand.u32 $0x1FF, v7;
	v61 =	vadd.s32 v49, v57  }
0x7b: {  	v4 =	vor.u32 v4, v7;
	v62 =	vadd.s32 $0xFFFFFFFF, v61;
	s0 =	spop (v2sf)  }
0x7c: {  	v9 =	vand.u32 $0x1FF, v9;
	[tilespmem:v6+s19+$0x0] =	vst.idx.msk vm4, v4;
	v4 =	vshll.u32 v5, $0x9;
	v5 =	vadd.s32 v51, v58;
	s3 =	sadd.s32 $0x8000001F, s0  }
0x7d: {  	[tilespmem:v6+s5+$0x0] =	vst.idx.msk vm4, v12;
	v4 =	vor.u32 v4, v9;
	v5 =	vadd.s32 $0xFFFFFFFF, v5;
	s29 =	sand.u32 $0x1F, s3  }
0x7e: {  	v3 =	vshll.u32 v3, $0x9;
	v63 =	vand.u32 $0x1FF, v10;
	[tilespmem:v14+s19+$0x0] =	vst.idx.msk vm3, v4;
	p1 =	slt.s32 s3, $0x1;
	p0 =	sne.s32 s29, $0x0;
	s29 =	sshra.s32 s3, $0x1F  }
.Ltmp4:
0x7f: {  	v3 =	vor.u32 v3, v63;
	[tilespmem:v14+s5+$0x0] =	vst.idx.msk vm3, v13;
	s29 =	sshrl.u32 s29, $0x1B;
	p0 =	por !p1, !p0;
	(pc) =	sbr.rel .LBB2_7-.Ltmp4, $4  }
0x80: {  	v4 =	vand.u32 $0x1FF, v11;
	[tilespmem:v62+s19+$0x0] =	vst.idx.msk vm2, v3;
	v3 =	vshll.u32 v8, $0x9;
	s3 =	sadd.s32 s29, s3;
	p0 =	por !p0, !p0;
	s29 =	simm.s32 $0x1  }
0x81: {  	[tilespmem:v62+s5+$0x0] =	vst.idx.msk vm2, v18;
	v4 =	vor.u32 v3, v4;
	s3 =	sshra.s32 s3, $0x5;
	s29 =	simm.s32 @!p0 $0x0  }
0x82: {  	v25 =	vimm.f32 $0.0e+00;
	v26 =	vimm.f32 $0.0e+00;
	[tilespmem:v5+s19+$0x0] =	vst.idx.msk vm1, v4;
	s0 =	sxor.u32 $0x80000000, s0;
	s29 =	ssub.s32 s3, s29  }
0x83: {  	s30 =	simm.s32 $0x0;
	v27 =	vimm.f32 $0.0e+00;
	v24 =	vimm.f32 $0.0e+00;
	[tilespmem:v5+s5+$0x0] =	vst.idx.msk vm1, v21;
	v3 =	vmov s0;
	p0 =	slt.s32 s29, $0x1  }
.LBB2_6:
0x84: {  	p1 =	seq.s32 s30, $0x3E  }
.Ltmp5:
0x85: {  	_ = 	snop;
	(pc) =	sbr.rel @p1 .LBB2_20-.Ltmp5, $1  }
0x86: {  	_ =	sdelay $0x3  }
.LBB2_7:
0x87: {  	s0 =	smov.u32 s30  }
0x88: {  	s30 =	sadd.s32 $0x1, s30;
	p1 =	seq.s32 s0, $0x3D  }
0x89: {  	s3 =	sand.u32 @!p1 $0x1, s30  }
0x8a: {  	s31 =	sshll.u32 @!p1 s30, $0x5;
	p2 =	seq.s32 @!p1 s3, $0x1  }
0x8b: {  	s3 =	sor.u32 @!p1 s6, s31;
	p4 =	por !p2, p1  }
0x8c: {  	p3 =	sgt.u32 @!p4 s3, $0x7A0  }
0x8d: {  	p5 =	por @!p1 !p3, !p2  }
0x8e: {  	p5 =	por p5, p1  }
0x8f: {  	p5 =	sne.s32 @!p5 s3, $0x7A1  }
0x90: {  	p4 =	por @!p4 p5, !p3  }
0x91: {  	p4 =	por @!p1 p4, !p2  }
0x92: {  	p4 =	por p4, p1  }
0x93: {  	s31 =	simm.s32 @!p4 $0x0;
	s2 =	simm.s32 @!p4 $0x14000  }
0x94: {  	[tilespmem:s2], [sflag:$0x2] =	stream.linear.gather @!p4 [hbm4b:s7+s31], $0x400, $0x38;
	[tilespmem:$0x1C880] =	vst v63  }
0x95: {  	s2 =	simm.s32 @!p4 $0x15000  }
0x96: {  	[tilespmem:s2], [sflag:$0x2] =	stream.linear.gather @!p4 [hbm4b:s11+s31], $0x400, $0x38;
	[tilespmem:$0x1C880] =	vst v63  }
0x97: {  	s2 =	simm.s32 @!p4 $0x16000  }
0x98: {  	[tilespmem:s2], [sflag:$0x2] =	stream.linear.gather @!p4 [hbm4b:s12+s31], $0x400, $0x38;
	[tilespmem:$0x1C880] =	vst v63  }
0x99: {  	s2 =	simm.s32 @!p4 $0x17000  }
0x9a: {  	[tilespmem:s2], [sflag:$0x2] =	stream.linear.gather @!p4 [hbm4b:s13+s31], $0x400, $0x38;
	[tilespmem:$0x1C880] =	vst v63  }
0x9b: {  	s2 =	simm.s32 @!p4 $0x18000  }
0x9c: {  	[tilespmem:s2], [sflag:$0x2] =	stream.linear.gather @!p4 [hbm4b:s14+s31], $0x400, $0x38;
	[tilespmem:$0x1C880] =	vst v63  }
0x9d: {  	s2 =	simm.s32 @!p4 $0x19000  }
0x9e: {  	[tilespmem:s2], [sflag:$0x2] =	stream.linear.gather @!p4 [hbm4b:s15+s31], $0x400, $0x38;
	[tilespmem:$0x1C880] =	vst v63  }
0x9f: {  	p3 =	por @!p1 p3, !p2;
	s2 =	simm.s32 @!p4 $0x1A000  }
0xa0: {  	[tilespmem:s2], [sflag:$0x2] =	stream.linear.gather @!p4 [hbm4b:s16+s31], $0x400, $0x38;
	[tilespmem:$0x1C880] =	vst v63  }
0xa1: {  	p3 =	por p3, p1;
	s2 =	simm.s32 @!p4 $0x1B000  }
0xa2: {  	[tilespmem:s2], [sflag:$0x2] =	stream.linear.gather @!p4 [hbm4b:s17+s31], $0x400, $0x38;
	[tilespmem:$0x1C880] =	vst v63  }
0xa3: {  	s21 =	simm.s32 @!p3 $0x7A1400;
	s2 =	sshll.u32 @!p3 s3, $0x9  }
0xa4: {  	s22 =	simm.s32 @!p3 $0x14000;
	s31 =	simm.s32 @!p3 $0x1000;
	s2 =	sadd.s32 @!p3 s4, s2  }
0xa5: {  	[tilespmem:s22], [sflag:$0x2] =	stream.strided.gather @!p3 [hbm4b:s2+s31], $0x8000, s21, s31, $0x38;
	[tilespmem:$0x1C880] =	vst v63  }
0xa6: {  	p3 =	por p2, p1  }
0xa7: {  	p3 =	sgt.u32 @!p3 s3, $0x7A0  }
0xa8: {  	p2 =	por @!p1 p3, p2  }
0xa9: {  	p2 =	por p2, p1  }
0xaa: {  	s2 =	sshll.u32 @!p2 s3, $0x9;
	s3 =	simm.s32 @!p2 $0x1000  }
0xab: {  	s21 =	simm.s32 @!p2 $0x7A1400;
	s22 =	simm.s32 @!p2 $0xC000;
	s2 =	sadd.s32 @!p2 s4, s2  }
0xac: {  	[tilespmem:s22], [sflag:$0x1] =	stream.strided.gather @!p2 [hbm4b:s2+s3], $0x8000, s21, s3, $0x38;
	[tilespmem:$0x1C880] =	vst v63  }
0xad: {  	s2 =	sand.u32 @!p1 $0x1, s0  }
0xae: {  	p2 =	seq.s32 @!p1 s2, $0x1  }
0xaf: {  	p1 =	por p1, p2  }
.Ltmp6:
0xb0: {  	_ = 	snop;
	(pc) =	sbr.rel @!p1 .LBB2_8-.Ltmp6, $3  }
0xb1: {  	_ =	sdelay $0x1  }
0xb2: {  	s22 =	sshll.u32 s0, $0x5  }
0xb3: {  	s31 =	sor.u32 s6, s22  }
0xb4: {  	p1 =	sgt.u32 s31, $0x7A0  }
0xb5: {  	p2 =	sne.s32 @p1 s31, $0x7A1  }
0xb6: {  	p2 =	por p2, !p1  }
0xb7: {  	s2 =	simm.s32 @!p2 $0x2  }
0xb8: {  	_ =	swait.ge @!p2 [sflag:s2], $0x2000  }
.Ltmp7:
0xb9: {  	[sflag:s2] =	ssyncset.done @!p2 $0x0;
	(pc) =	sbr.rel .LBB2_10-.Ltmp7, $4  }
0xba: {  	[sflag:s2] =	ssyncadd.s32 @!p2 $0xFFFFE000;
	s2 =	simm.s32 @!p1 $0x2  }
0xbb: {  	_ =	swait.ge @!p1 [sflag:s2], $0x8000  }
0xbc: {  	[sflag:s2] =	ssyncset.done @!p1 $0x0  }
0xbd: {  	[sflag:s2] =	ssyncadd.s32 @!p1 $0xFFFF8000  }
.LBB2_8:
0xbe: {  	p1 =	sgt.u32 s31, $0x7A0  }
0xbf: {  	s2 =	simm.s32 @!p1 $0x1  }
0xc0: {  	_ =	swait.ge @!p1 [sflag:s2], $0x8000  }
0xc1: {  	[sflag:s2] =	ssyncset.done @!p1 $0x0  }
0xc2: {  	[sflag:s2] =	ssyncadd.s32 @!p1 $0xFFFF8000  }
.LBB2_10:
.Ltmp8:
0xc3: {  	(pc) =	sbr.rel @p0 .LBB2_11-.Ltmp8, $1  }
0xc4: {  	_ =	sdelay $0x3  }
0xc5: {  	p2 =	sne.s32 s29, $0x1  }
.Ltmp9:
0xc6: {  	_ = 	snop;
	(pc) =	sbr.rel @!p2 .LBB2_13-.Ltmp9, $4  }
0xc7: {  	_ = 	snop  }
0xc8: {  	v4 =	vlaneseq.u32  }
0xc9: {  	v5 =	vadd.s32 $0x10, v4  }
0xca: {  	v6 =	vmov s31;
	v7 =	vimm.s32 $0x0;
	s31 =	sadd.s32 $0xFFFFFFFF, s29;
	p1 =	por $0x0, $0x0;
	v8 =	vsub.s32 v3, v5  }
0xcb: {  	_ =	sdelay $0x3  }
0xcc: {  	v9 =	vld.idx.msk [tilespmem:v4+s5+$0x0], $0xffff;
	_ =	sdelay $0x3  }
0xcd: {  	v10 =	vld.idx.msk [tilespmem:v5+s5+$0x0], $0xffff  }
0xce: {  	v9 =	vxor.u32 v6, v9  }
0xcf: {  	vm1 =	vlt.s32 v9, $0x1  }
0xd0: {  	v11 =	vsub.s32 v3, v4;
	v9 =	vnsel vm1, $0x1, v9  }
0xd1: {  	vm1 =	vgt.s32 v11, $0x0;
	v9 =	vsub.s32 $0x1, v9  }
0xd2: {  	v10 =	vxor.u32 v6, v10;
	v9 =	vnsel vm1, $0x0, v9  }
0xd3: {  	vm1 =	vlt.s32 v10, $0x1;
	(xrf0) =	vadd.scan.msk.s32 $0xffff, v9  }
0xd4: {  	v10 =	vnsel vm1, $0x1, v10  }
0xd5: {  	vm1 =	vgt.s32 v8, $0x0;
	v8 =	vsub.s32 $0x1, v10  }
0xd6: {  	v8 =	vnsel vm1, $0x0, v8  }
0xd7: {  	(xrf0) =	vadd.scan.msk.s32 $0xffff, v8;
	_ =	sdelay $0x1  }
0xd8: {  	v10, _, _ =	vpop (xrf0)  }
0xd9: {  	vm2 =	veq.s32 v9, $0x1;
	v9 =	vadd.s32 v10, v7  }
0xda: {  	v12 =	vadd.s32 $0xFFFFFFFF, v9;
	v9 =	vmpcnt.ones.xlane vm2;
	_ =	sdelay $0x1  }
0xdb: {  	vm1 =	veq.s32 v8, $0x1;
	v8, _, _ =	vpop (xrf0);
	v7 =	vadd.s32 v7, v9  }
0xdc: {  	p2 =	sne.s32 s31, $0x1;
	v11 =	vld.idx.msk [tilespmem:v4+s19+$0x0], $0xffff;
	v8 =	vadd.s32 v8, v7  }
.Ltmp10:
0xdd: {  	v9 =	vld.idx.msk [tilespmem:v5+s19+$0x0], $0xffff;
	v10 =	vadd.s32 $0xFFFFFFFF, v8;
	(pc) =	sbr.rel @!p2 .LBB2_16-.Ltmp10, $3  }
0xde: {  	v4 =	vadd.s32 $0x20, v4  }
0xdf: {  	v13 =	vmpcnt.ones.xlane vm1;
	v5 =	vadd.s32 $0x10, v4;
	_ =	sdelay $0x1  }
0xe0: {  	s31 =	sadd.s32 $0xFFFFFFFF, s31;
	p1 =	por $0x1, $0x1;
	v7 =	vadd.s32 v7, v13;
	v8 =	vsub.s32 v3, v5;
	[tilespmem:v12+s18+$0x0] =	vst.idx.msk vm2, v11  }
.LBB2_15:
0xe1: {  	p2 =	sne.s32 s31, $0x1;
	s31 =	sadd.s32 $0xFFFFFFFF, s31;
	[tilespmem:v10+s18+$0x0] =	vst.idx.msk vm1, v9  }
0xe2: {  	v9 =	vld.idx.msk [tilespmem:v4+s5+$0x0], $0xffff  }
0xe3: {  	v10 =	vld.idx.msk [tilespmem:v5+s5+$0x0], $0xffff;
	_ =	sdelay $0x4  }
0xe4: {  	v9 =	vxor.u32 v6, v9  }
0xe5: {  	vm1 =	vlt.s32 v9, $0x1;
	v10 =	vxor.u32 v6, v10  }
0xe6: {  	v11 =	vsub.s32 v3, v4;
	v9 =	vnsel vm1, $0x1, v9;
	vm1 =	vlt.s32 v10, $0x1  }
0xe7: {  	vm2 =	vgt.s32 v11, $0x0;
	v9 =	vsub.s32 $0x1, v9;
	v10 =	vnsel vm1, $0x1, v10  }
0xe8: {  	vm1 =	vgt.s32 v8, $0x0;
	v9 =	vnsel vm2, $0x0, v9;
	v8 =	vsub.s32 $0x1, v10  }
0xe9: {  	v8 =	vnsel vm1, $0x0, v8;
	(xrf0) =	vadd.scan.msk.s32 $0xffff, v9  }
0xea: {  	(xrf0) =	vadd.scan.msk.s32 $0xffff, v8;
	_ =	sdelay $0x2  }
0xeb: {  	vm2 =	veq.s32 v9, $0x1  }
0xec: {  	v9 =	vmpcnt.ones.xlane vm2  }
0xed: {  	v10, _, _ =	vpop (xrf0)  }
0xee: {  	v11 =	vld.idx.msk [tilespmem:v4+s19+$0x0], $0xffff;
	v10 =	vadd.s32 v10, v7;
	v7 =	vadd.s32 v7, v9;
	v12, _, _ =	vpop (xrf0)  }
0xef: {  	vm1 =	veq.s32 v8, $0x1;
	v9 =	vld.idx.msk [tilespmem:v5+s19+$0x0], $0xffff;
	v13 =	vadd.s32 $0xFFFFFFFF, v10;
	v5 =	vadd.s32 v12, v7  }
.Ltmp11:
0xf0: {  	v8 =	vmpcnt.ones.xlane vm1;
	v10 =	vadd.s32 $0xFFFFFFFF, v5;
	(pc) =	sbr.rel @p2 .LBB2_15-.Ltmp11, $4  }
0xf1: {  	v4 =	vadd.s32 $0x20, v4  }
0xf2: {  	v7 =	vadd.s32 v7, v8;
	v5 =	vadd.s32 $0x10, v4  }
0xf3: {  	v8 =	vsub.s32 v3, v5  }
0xf4: {  	[tilespmem:v13+s18+$0x0] =	vst.idx.msk vm2, v11  }
.LBB2_16:
0xf5: {  	_ =	sdelay $0x4  }
0xf6: {  	[tilespmem:v10+s18+$0x0] =	vst.idx.msk @p1 vm1, v9  }
0xf7: {  	v9 =	vld.idx.msk [tilespmem:v4+s5+$0x0], $0xffff  }
0xf8: {  	v10 =	vld.idx.msk [tilespmem:v5+s5+$0x0], $0xffff;
	_ =	sdelay $0x3  }
0xf9: {  	v9 =	vxor.u32 v6, v9  }
0xfa: {  	v6 =	vxor.u32 v6, v10;
	vm1 =	vlt.s32 v9, $0x1  }
0xfb: {  	v59 =	vsub.s32 v3, v4;
	v9 =	vnsel vm1, $0x1, v9;
	vm1 =	vlt.s32 v6, $0x1  }
0xfc: {  	vm2 =	vgt.s32 v59, $0x0;
	v9 =	vsub.s32 $0x1, v9;
	v6 =	vnsel vm1, $0x1, v6  }
0xfd: {  	vm1 =	vgt.s32 v8, $0x0;
	v9 =	vnsel vm2, $0x0, v9;
	v6 =	vsub.s32 $0x1, v6  }
0xfe: {  	v6 =	vnsel vm1, $0x0, v6;
	(xrf0) =	vadd.scan.msk.s32 $0xffff, v9  }
0xff: {  	(xrf0) =	vadd.scan.msk.s32 $0xffff, v6;
	_ =	sdelay $0x2  }
0x100: {  	vm1 =	veq.s32 v9, $0x1  }
0x101: {  	v60 =	vmpcnt.ones.xlane vm1  }
0x102: {  	v61, _, _ =	vpop (xrf0)  }
0x103: {  	v9 =	vadd.s32 v61, v7;
	v7 =	vadd.s32 v7, v60;
	v62, _, _ =	vpop (xrf0)  }
0x104: {  	v4 =	vld.idx.msk [tilespmem:v4+s19+$0x0], $0xffff;
	vm2 =	veq.s32 v6, $0x1;
	v9 =	vadd.s32 $0xFFFFFFFF, v9;
	v6 =	vadd.s32 v62, v7  }
0x105: {  	v5 =	vld.idx.msk [tilespmem:v5+s19+$0x0], $0xffff;
	v6 =	vadd.s32 $0xFFFFFFFF, v6  }
.Ltmp12:
0x106: {  	_ = 	snop;
	(pc) =	sbr.rel .LBB2_17-.Ltmp12, $3  }
0x107: {  	v63 =	vmpcnt.ones.xlane vm2;
	_ =	sdelay $0x1  }
0x108: {  	v7 =	vadd.s32 v7, v63;
	[tilespmem:v9+s18+$0x0] =	vst.idx.msk vm1, v4  }
0x109: {  	v4 =	vxor.u32 $0x80000000, v7;
	[tilespmem:v6+s18+$0x0] =	vst.idx.msk vm2, v5  }
.LBB2_11:
0x10a: {  	v4 =	vimm.s32 $0x80000000  }
.LBB2_17:
0x10b: {  	(xrf0) =	vmax.scan.msk.u32 $0xffff, v4;
	_ =	sdelay $0x5  }
0x10c: {  	v4, _, _ =	vpop (xrf0)  }
0x10d: {  	(v2sf) =	vpush v4, $0xF;
	_ =	sdelay $0xe  }
0x10e: {  	s3 =	spop (v2sf)  }
0x10f: {  	s2 =	sadd.s32 $0x8000000F, s3  }
0x110: {  	s21 =	sand.u32 $0xF, s2  }
0x111: {  	s22 =	sshra.s32 s2, $0x1F;
	p2 =	slt.s32 s2, $0x1;
	p1 =	sne.s32 s21, $0x0  }
0x112: {  	s21 =	sshrl.u32 s22, $0x1C;
	p1 =	por !p2, !p1  }
0x113: {  	s2 =	sadd.s32 s21, s2;
	s21 =	simm.s32 $0x1;
	p1 =	por !p1, !p1  }
0x114: {  	s2 =	sshra.s32 s2, $0x4;
	s21 =	simm.s32 @!p1 $0x0  }
0x115: {  	s31 =	ssub.s32 s2, s21  }
0x116: {  	p1 =	slt.s32 s31, $0x1  }
.Ltmp13:
0x117: {  	_ = 	snop;
	(pc) =	sbr.rel @p1 .LBB2_6-.Ltmp13, $1  }
0x118: {  	_ =	sdelay $0x3  }
0x119: {  	s0 =	sand.u32 $0x1, s0  }
0x11a: {  	s0 =	sshll.u32 s0, $0xF  }
0x11b: {  	s2 =	sxor.u32 $0x80000000, s3;
	v4 =	vmov s0  }
0x11c: {  	v5 =	vmov s2;
	v6 =	vor.u32 $0x1000, v4  }
0x11d: {  	v7 =	vor.u32 $0x2000, v4;
	v8 =	vor.u32 $0x3000, v4;
	v9 =	vor.u32 $0x4000, v4  }
0x11e: {  	s0 =	simm.s32 $0x0;
	v10 =	vor.u32 $0x5000, v4;
	v11 =	vor.u32 $0x6000, v4;
	v12 =	vor.u32 $0x7000, v4  }
.LBB2_19:
0x11f: {  	v13 =	vor.u32 s0, v2  }
0x120: {  	vm1 =	vlt.s32 v13, $0x3FFF  }
0x121: {  	v14 =	vnsel vm1, $0x3FFF, v13;
	_ =	sdelay $0x4  }
0x122: {  	v14 =	vld.idx.msk [tilespmem:v14+s18+$0x0], $0xffff;
	_ =	sdelay $0x4  }
0x123: {  	v16 =	vshrl.u32 v14, $0xA  }
0x124: {  	v15 =	vshll.u32 v14, $0x3  }
0x125: {  	v17 =	vshrl.u32 v14, $0x3;
	v23 =	vand.u32 $0xC00, v15  }
0x126: {  	v21 =	vand.u32 $0x7F, v14;
	v15 =	vmul.u32 $0x80, v2;
	v28 =	vor.u32 v4, v23  }
0x127: {  	v14 =	vand.u32 $0x40, v17;
	v47 =	vor.u32 v21, v28  }
0x128: {  	v22 =	vor.u32 $0x80, v21;
	v48 =	vor.u32 v15, v14;
	[tilespmem:s24], [sflag:$0x3] =	stream.indirect_vreg.gather [hbm4b:s1+s5], $0x80, v16, vm0, $0xb8;
	[tilespmem:$0x1C880] =	vst v63  }
0x129: {  	v18 =	vor.u32 v28, v22;
	v19 =	vor.u32 $0x1, v15;
	_ =	swait.ge [sflag:s25], $0x800  }
0x12a: {  	v20 =	vor.u32 $0x100, v21;
	v19 =	vor.u32 v19, v14;
	[sflag:s25] =	ssyncset.done $0x0  }
0x12b: {  	v31 =	vor.u32 v28, v20;
	v49 =	vor.u32 $0x2, v15;
	[sflag:s25] =	ssyncadd.s32 $0xFFFFF800  }
0x12c: {  	v17 =	vor.u32 $0x180, v21;
	v32 =	vor.u32 v49, v14;
	v29 =	vld.idx.msk [tilespmem:v47+s23+$0x0], $0xffff  }
0x12d: {  	v50 =	vor.u32 v28, v17;
	v51 =	vor.u32 $0x3, v15;
	v30 =	vld.idx.msk [tilespmem:v48+s24+$0x0], $0xffff  }
0x12e: {  	v36 =	vor.u32 $0x4, v15;
	v34 =	vor.u32 v51, v14;
	v33 =	vld.idx.msk [tilespmem:v18+s23+$0x0], $0xffff  }
0x12f: {  	v13 =	vsub.s32 v5, v13;
	v55 =	vor.u32 $0x5, v15;
	v53 =	vor.u32 v36, v14;
	v19 =	vld.idx.msk [tilespmem:v19+s24+$0x0], $0xffff  }
0x130: {  	vm1 =	vgt.s32 v13, $0x0;
	v45 =	vor.u32 $0xA, v15;
	v38 =	vor.u32 v55, v14;
	v52 =	vld.idx.msk [tilespmem:v31+s23+$0x0], $0xffff  }
0x131: {  	v41 =	vor.u32 $0x7, v15;
	v46 =	vor.u32 v45, v14;
	v16 =	vor.u32 $0x200, v21;
	v32 =	vld.idx.msk [tilespmem:v32+s24+$0x0], $0xffff  }
0x132: {  	v57 =	vor.u32 v41, v14;
	v41 =	vor.u32 v6, v23;
	v35 =	vor.u32 v28, v16;
	v54 =	vld.idx.msk [tilespmem:v50+s23+$0x0], $0xffff  }
0x133: {  	v13 =	vsel vm1, $0x3F800000, v1;
	v59 =	vor.u32 v41, v21;
	v34 =	vld.idx.msk [tilespmem:v34+s24+$0x0], $0xffff  }
0x134: {  	v40 =	vor.u32 $0x6, v15;
	v42 =	vor.u32 $0x8, v15;
	v44 =	vor.u32 v41, v20;
	v31 =	vld.idx.msk [tilespmem:v53+s24+$0x0], $0xffff  }
0x135: {  	v43 =	vor.u32 $0x9, v15;
	v40 =	vor.u32 v40, v14;
	v18 =	vor.u32 $0x280, v21;
	v58 =	vld.idx.msk [tilespmem:v38+s24+$0x0], $0xffff  }
0x136: {  	v61 =	vor.u32 v42, v14;
	v43 =	vor.u32 v43, v14;
	v38 =	vld.idx.msk [tilespmem:v46+s24+$0x0], $0xffff;
	v37 =	vor.u32 v28, v18  }
0x137: {  	v42 =	vor.u32 v7, v23;
	v62 =	vor.u32 v41, v22;
	v55 =	vor.u32 v41, v16;
	v35 =	vld.idx.msk [tilespmem:v35+s23+$0x0], $0xffff  }
0x138: {  	v53 =	vor.u32 $0xB, v15;
	v46 =	vor.u32 $0xE, v15;
	v63 =	vld.idx.msk [tilespmem:v59+s23+$0x0], $0xffff;
	v29 =	vsub.f32 v30, v29  }
0x139: {  	v59 =	vor.u32 $0xD, v15;
	v33 =	vsub.f32 v19, v33;
	v34 =	vsub.f32 v34, v54;
	v54 =	vld.idx.msk [tilespmem:v44+s23+$0x0], $0xffff  }
0x13a: {  	v40 =	vld.idx.msk [tilespmem:v40+s24+$0x0], $0xffff;
	v19 =	vor.u32 $0x300, v21;
	v30 =	vsub.f32 v32, v52;
	v52 =	vor.u32 v41, v17  }
0x13b: {  	v39 =	vor.u32 v28, v19;
	v56 =	vld.idx.msk [tilespmem:v37+s23+$0x0], $0xffff;
	v29 =	vmul.f32 v13, v29;
	v33 =	vmul.f32 v13, v33  }
0x13c: {  	v47 =	vld.idx.msk [tilespmem:v61+s24+$0x0], $0xffff;
	v30 =	vmul.f32 v13, v30;
	v31 =	vsub.f32 v31, v35;
	v34 =	vmul.f32 v13, v34  }
0x13d: {  	v51 =	vld.idx.msk [tilespmem:v43+s24+$0x0], $0xffff;
	v45 =	vor.u32 v41, v19;
	v29 =	vmul.f32 v29, v29;
	v33 =	vmul.f32 v33, v33  }
0x13e: {  	v49 =	vld.idx.msk [tilespmem:v62+s23+$0x0], $0xffff;
	v30 =	vmul.f32 v30, v30;
	v31 =	vmul.f32 v13, v31;
	v62 =	vsub.f32 v38, v54  }
0x13f: {  	v37 =	vld.idx.msk [tilespmem:v57+s24+$0x0], $0xffff;
	v38 =	vor.u32 v46, v14;
	v29 =	vadd.f32 v29, v24;
	v24 =	vor.u32 $0x380, v21  }
0x140: {  	v60 =	vld.idx.msk [tilespmem:v39+s23+$0x0], $0xffff;
	v31 =	vmul.f32 v31, v31;
	v32 =	vsub.f32 v58, v56;
	v39 =	vor.u32 v53, v14  }
0x141: {  	v35 =	vld.idx.msk [tilespmem:v52+s23+$0x0], $0xffff;
	v26 =	vadd.f32 v30, v26;
	v56 =	vor.u32 $0xC, v15;
	v58 =	vor.u32 v41, v18  }
0x142: {  	v30 =	vsub.f32 v47, v63;
	v63 =	vld.idx.msk [tilespmem:v55+s23+$0x0], $0xffff;
	v28 =	vor.u32 v28, v24;
	v48 =	vmul.f32 v13, v32  }
0x143: {  	v57 =	vor.u32 v56, v14;
	v29 =	vadd.f32 v31, v29;
	v32 =	vsub.f32 v51, v49;
	v51 =	vld.idx.msk [tilespmem:v45+s23+$0x0], $0xffff  }
0x144: {  	v49 =	vor.u32 $0xF, v15;
	v31 =	vmul.f32 v48, v48;
	v48 =	vor.u32 v41, v24;
	v53 =	vld.idx.msk [tilespmem:v38+s24+$0x0], $0xffff  }
0x145: {  	v34 =	vmul.f32 v34, v34;
	v27 =	vadd.f32 v33, v27;
	v41 =	vor.u32 v49, v14;
	v61 =	vld.idx.msk [tilespmem:v39+s24+$0x0], $0xffff  }
0x146: {  	v32 =	vmul.f32 v13, v32;
	v50 =	vsub.f32 v40, v60;
	v60 =	vor.u32 v59, v14;
	v47 =	vld.idx.msk [tilespmem:v58+s23+$0x0], $0xffff  }
0x147: {  	v54 =	vor.u32 v42, v22;
	v55 =	vor.u32 $0x11, v15;
	v59 =	vor.u32 v42, v20;
	v28 =	vld.idx.msk [tilespmem:v28+s23+$0x0], $0xffff  }
0x148: {  	v27 =	vadd.f32 v31, v27;
	v31 =	vld.idx.msk [tilespmem:v57+s24+$0x0], $0xffff;
	v32 =	vmul.f32 v32, v32;
	v33 =	vmul.f32 v13, v50  }
0x149: {  	v25 =	vadd.f32 v34, v25;
	v38 =	vor.u32 v55, v14;
	v57 =	vld.idx.msk [tilespmem:v48+s23+$0x0], $0xffff  }
0x14a: {  	v50 =	vor.u32 $0x10, v15;
	v27 =	vadd.f32 v32, v27;
	v33 =	vmul.f32 v33, v33;
	v58 =	vld.idx.msk [tilespmem:v41+s24+$0x0], $0xffff  }
0x14b: {  	v52 =	vor.u32 v50, v14;
	v48 =	vor.u32 $0x14, v15;
	v36 =	vld.idx.msk [tilespmem:v60+s24+$0x0], $0xffff;
	v60 =	vor.u32 $0x12, v15  }
0x14c: {  	v45 =	vld.idx.msk [tilespmem:v59+s23+$0x0], $0xffff;
	v59 =	vor.u32 v42, v24;
	v28 =	vsub.f32 v37, v28;
	v26 =	vadd.f32 v33, v26  }
0x14d: {  	v33 =	vsub.f32 v61, v35;
	v31 =	vsub.f32 v31, v63;
	v41 =	vor.u32 v60, v14;
	v37 =	vld.idx.msk [tilespmem:v54+s23+$0x0], $0xffff  }
0x14e: {  	v61 =	vor.u32 v42, v17;
	v63 =	vld.idx.msk [tilespmem:v38+s24+$0x0], $0xffff;
	v38 =	vor.u32 v48, v14;
	v54 =	vor.u32 $0x16, v15  }
0x14f: {  	v60 =	vor.u32 $0x17, v15;
	v28 =	vmul.f32 v13, v28;
	v33 =	vmul.f32 v13, v33  }
0x150: {  	v40 =	vor.u32 v60, v14;
	v31 =	vmul.f32 v13, v31;
	v32 =	vld.idx.msk [tilespmem:v52+s24+$0x0], $0xffff;
	v52 =	vor.u32 $0x15, v15  }
0x151: {  	v28 =	vmul.f32 v28, v28;
	v56 =	vsub.f32 v36, v47;
	v33 =	vmul.f32 v33, v33  }
0x152: {  	v31 =	vmul.f32 v31, v31;
	v47 =	vor.u32 v42, v16;
	v36 =	vsub.f32 v58, v57  }
0x153: {  	v48 =	vld.idx.msk [tilespmem:v59+s23+$0x0], $0xffff;
	v59 =	vor.u32 $0x1C, v15;
	v25 =	vadd.f32 v28, v25;
	v28 =	vmul.f32 v13, v30  }
0x154: {  	v46 =	vld.idx.msk [tilespmem:v41+s24+$0x0], $0xffff;
	v41 =	vor.u32 v52, v14;
	v30 =	vmul.f32 v13, v62;
	v34 =	vmul.f32 v13, v56  }
0x155: {  	v62 =	vor.u32 $0x13, v15;
	v36 =	vmul.f32 v13, v36;
	v56 =	vor.u32 v54, v14  }
0x156: {  	v44 =	vor.u32 v62, v14;
	v28 =	vmul.f32 v28, v28;
	v30 =	vmul.f32 v30, v30  }
0x157: {  	v49 =	vld.idx.msk [tilespmem:v61+s23+$0x0], $0xffff;
	v34 =	vmul.f32 v34, v34;
	v25 =	vadd.f32 v33, v25;
	v33 =	vsub.f32 v63, v37  }
0x158: {  	v57 =	vld.idx.msk [tilespmem:v38+s24+$0x0], $0xffff;
	v55 =	vmul.f32 v36, v36;
	v28 =	vadd.f32 v28, v29;
	v29 =	vor.u32 v42, v21  }
0x159: {  	v35 =	vld.idx.msk [tilespmem:v47+s23+$0x0], $0xffff;
	v26 =	vadd.f32 v30, v26;
	v30 =	vsub.f32 v53, v51;
	v51 =	vor.u32 v42, v18  }
0x15a: {  	v62 =	vor.u32 $0x18, v15;
	v27 =	vadd.f32 v34, v27;
	v53 =	vor.u32 v42, v19;
	v41 =	vld.idx.msk [tilespmem:v41+s24+$0x0], $0xffff  }
0x15b: {  	v33 =	vmul.f32 v13, v33;
	v42 =	vor.u32 v8, v23;
	v25 =	vadd.f32 v55, v25;
	v50 =	vld.idx.msk [tilespmem:v44+s24+$0x0], $0xffff  }
0x15c: {  	v55 =	vor.u32 $0x1A, v15;
	v28 =	vadd.f32 v31, v28;
	v31 =	vsub.f32 v46, v45;
	v45 =	vld.idx.msk [tilespmem:v56+s24+$0x0], $0xffff  }
0x15d: {  	v61 =	vor.u32 v42, v21;
	v30 =	vmul.f32 v13, v30;
	v46 =	vor.u32 v62, v14;
	v29 =	vld.idx.msk [tilespmem:v29+s23+$0x0], $0xffff  }
0x15e: {  	v54 =	vor.u32 v42, v20;
	v39 =	vor.u32 v55, v14;
	v34 =	vsub.f32 v57, v35;
	v58 =	vld.idx.msk [tilespmem:v51+s23+$0x0], $0xffff  }
0x15f: {  	v63 =	vmul.f32 v33, v33;
	v56 =	vor.u32 v42, v17;
	v30 =	vmul.f32 v30, v30;
	v37 =	vld.idx.msk [tilespmem:v53+s23+$0x0], $0xffff  }
0x160: {  	v62 =	vor.u32 v59, v14;
	v31 =	vmul.f32 v13, v31;
	v34 =	vmul.f32 v13, v34  }
0x161: {  	v27 =	vadd.f32 v63, v27;
	v57 =	vor.u32 $0x1B, v15;
	v26 =	vadd.f32 v30, v26  }
0x162: {  	v36 =	vld.idx.msk [tilespmem:v46+s24+$0x0], $0xffff;
	v46 =	vor.u32 v42, v18;
	v34 =	vmul.f32 v34, v34;
	v29 =	vsub.f32 v32, v29  }
0x163: {  	v53 =	vld.idx.msk [tilespmem:v61+s23+$0x0], $0xffff;
	v32 =	vsub.f32 v50, v49;
	v49 =	vor.u32 v42, v22;
	v50 =	vor.u32 $0x19, v15  }
0x164: {  	v52 =	vsub.f32 v41, v58;
	v33 =	vsub.f32 v45, v37;
	v41 =	vor.u32 v57, v14  }
0x165: {  	v58 =	vor.u32 v42, v16;
	v57 =	vor.u32 $0x20, v15;
	v51 =	vor.u32 v50, v14  }
0x166: {  	v50 =	vor.u32 $0x1E, v15;
	v29 =	vmul.f32 v13, v29;
	v32 =	vmul.f32 v13, v32  }
0x167: {  	v61 =	vld.idx.msk [tilespmem:v54+s23+$0x0], $0xffff;
	v59 =	vor.u32 v57, v14;
	v35 =	vmul.f32 v13, v52;
	v33 =	vmul.f32 v13, v33  }
0x168: {  	v63 =	vld.idx.msk [tilespmem:v39+s24+$0x0], $0xffff;
	v60 =	vsub.f32 v36, v53;
	v53 =	vor.u32 $0x1F, v15;
	v29 =	vmul.f32 v29, v29  }
0x169: {  	v44 =	vld.idx.msk [tilespmem:v56+s23+$0x0], $0xffff;
	v52 =	vor.u32 v42, v24;
	v54 =	vor.u32 v53, v14;
	v47 =	vmul.f32 v32, v32  }
0x16a: {  	v35 =	vmul.f32 v35, v35;
	v32 =	vld.idx.msk [tilespmem:v49+s23+$0x0], $0xffff;
	v28 =	vadd.f32 v29, v28;
	v29 =	vmul.f32 v31, v31  }
0x16b: {  	v33 =	vmul.f32 v33, v33;
	v30 =	vmul.f32 v13, v60;
	v49 =	vor.u32 v42, v19;
	v31 =	vld.idx.msk [tilespmem:v51+s24+$0x0], $0xffff  }
0x16c: {  	v25 =	vadd.f32 v47, v25;
	v47 =	vor.u32 $0x1D, v15;
	v26 =	vadd.f32 v29, v26;
	v29 =	vld.idx.msk [tilespmem:v40+s24+$0x0], $0xffff  }
0x16d: {  	v45 =	vld.idx.msk [tilespmem:v41+s24+$0x0], $0xffff;
	v41 =	vor.u32 v9, v23;
	v27 =	vadd.f32 v35, v27;
	v38 =	vor.u32 v47, v14  }
0x16e: {  	v37 =	vld.idx.msk [tilespmem:v62+s24+$0x0], $0xffff;
	v30 =	vmul.f32 v30, v30;
	v56 =	vor.u32 v41, v21;
	v60 =	vor.u32 v41, v22  }
0x16f: {  	v35 =	vld.idx.msk [tilespmem:v46+s23+$0x0], $0xffff;
	v62 =	vor.u32 v41, v20;
	v53 =	vor.u32 v41, v17;
	v46 =	vor.u32 v41, v19  }
0x170: {  	v28 =	vadd.f32 v34, v28;
	v34 =	vsub.f32 v63, v61;
	v61 =	vor.u32 $0x21, v15;
	v36 =	vld.idx.msk [tilespmem:v54+s24+$0x0], $0xffff  }
0x171: {  	v54 =	vor.u32 $0x23, v15;
	v31 =	vsub.f32 v31, v32;
	v29 =	vsub.f32 v29, v48;
	v48 =	vld.idx.msk [tilespmem:v58+s23+$0x0], $0xffff  }
0x172: {  	v63 =	vor.u32 $0x22, v15;
	v43 =	vor.u32 v61, v14;
	v39 =	vor.u32 v54, v14;
	v55 =	vld.idx.msk [tilespmem:v38+s24+$0x0], $0xffff  }
0x173: {  	v26 =	vadd.f32 v33, v26;
	v32 =	vsub.f32 v45, v44;
	v47 =	vld.idx.msk [tilespmem:v56+s23+$0x0], $0xffff;
	v31 =	vmul.f32 v13, v31  }
0x174: {  	v28 =	vadd.f32 v30, v28;
	v34 =	vmul.f32 v13, v34;
	v58 =	vld.idx.msk [tilespmem:v49+s23+$0x0], $0xffff;
	v29 =	vmul.f32 v13, v29  }
0x175: {  	v56 =	vor.u32 v41, v16;
	v32 =	vmul.f32 v13, v32;
	v49 =	vld.idx.msk [tilespmem:v59+s24+$0x0], $0xffff;
	v51 =	vmul.f32 v31, v31  }
0x176: {  	v61 =	vld.idx.msk [tilespmem:v53+s23+$0x0], $0xffff;
	v29 =	vmul.f32 v29, v29;
	v37 =	vsub.f32 v37, v48;
	v48 =	vor.u32 v63, v14  }
0x177: {  	v59 =	vor.u32 v41, v18;
	v31 =	vld.idx.msk [tilespmem:v52+s23+$0x0], $0xffff;
	v33 =	vsub.f32 v55, v35;
	v27 =	vadd.f32 v51, v27  }
0x178: {  	v51 =	vld.idx.msk [tilespmem:v60+s23+$0x0], $0xffff;
	v60 =	vor.u32 $0x25, v15;
	v25 =	vadd.f32 v29, v25;
	v29 =	vor.u32 v50, v14  }
0x179: {  	v32 =	vmul.f32 v32, v32;
	v55 =	vld.idx.msk [tilespmem:v62+s23+$0x0], $0xffff;
	v62 =	vor.u32 v60, v14;
	v50 =	vmul.f32 v13, v33  }
0x17a: {  	v34 =	vmul.f32 v34, v34;
	v30 =	vsub.f32 v49, v47;
	v63 =	vld.idx.msk [tilespmem:v39+s24+$0x0], $0xffff;
	v37 =	vmul.f32 v13, v37  }
0x17b: {  	v25 =	vadd.f32 v32, v25;
	v32 =	vmul.f32 v50, v50;
	v50 =	vor.u32 $0x27, v15;
	v38 =	vld.idx.msk [tilespmem:v48+s24+$0x0], $0xffff  }
0x17c: {  	v49 =	vor.u32 v41, v24;
	v37 =	vmul.f32 v37, v37;
	v41 =	vor.u32 v50, v14;
	v48 =	vld.idx.msk [tilespmem:v59+s23+$0x0], $0xffff  }
0x17d: {  	v57 =	vor.u32 $0x24, v15;
	v31 =	vsub.f32 v36, v31;
	v30 =	vmul.f32 v13, v30;
	v29 =	vld.idx.msk [tilespmem:v29+s24+$0x0], $0xffff  }
0x17e: {  	v42 =	vor.u32 v10, v23;
	v26 =	vadd.f32 v34, v26;
	v28 =	vadd.f32 v37, v28;
	v37 =	vld.idx.msk [tilespmem:v62+s24+$0x0], $0xffff  }
0x17f: {  	v47 =	vor.u32 $0x26, v15;
	v31 =	vmul.f32 v13, v31;
	v30 =	vmul.f32 v30, v30  }
0x180: {  	v52 =	vld.idx.msk [tilespmem:v43+s24+$0x0], $0xffff;
	v27 =	vadd.f32 v32, v27;
	v33 =	vsub.f32 v63, v61;
	v59 =	vor.u32 $0x29, v15  }
0x181: {  	v61 =	vor.u32 v42, v20;
	v60 =	vld.idx.msk [tilespmem:v41+s24+$0x0], $0xffff;
	v44 =	vsub.f32 v38, v55;
	v38 =	vor.u32 v47, v14  }
0x182: {  	v31 =	vmul.f32 v31, v31;
	v29 =	vsub.f32 v29, v58;
	v58 =	vor.u32 v57, v14;
	v57 =	vld.idx.msk [tilespmem:v49+s23+$0x0], $0xffff  }
0x183: {  	v45 =	vld.idx.msk [tilespmem:v56+s23+$0x0], $0xffff;
	v62 =	vor.u32 $0x2A, v15;
	v47 =	vor.u32 $0x2B, v15;
	v56 =	vsub.f32 v37, v48  }
0x184: {  	v54 =	vmul.f32 v13, v33;
	v49 =	vor.u32 v47, v14;
	v29 =	vmul.f32 v13, v29  }
0x185: {  	v25 =	vadd.f32 v31, v25;
	v34 =	vmul.f32 v13, v56;
	v56 =	vor.u32 v42, v19  }
0x186: {  	v28 =	vadd.f32 v30, v28;
	v29 =	vmul.f32 v29, v29;
	v55 =	vld.idx.msk [tilespmem:v38+s24+$0x0], $0xffff;
	v38 =	vor.u32 v59, v14  }
0x187: {  	v32 =	vld.idx.msk [tilespmem:v58+s24+$0x0], $0xffff;
	v58 =	vor.u32 v42, v22;
	v36 =	vsub.f32 v60, v57;
	v57 =	vor.u32 $0x2E, v15  }
0x188: {  	v26 =	vadd.f32 v29, v26;
	v29 =	vsub.f32 v52, v51;
	v51 =	vor.u32 v42, v21  }
0x189: {  	v47 =	vor.u32 $0x33, v15;
	v31 =	vmul.f32 v13, v44;
	v33 =	vld.idx.msk [tilespmem:v49+s24+$0x0], $0xffff;
	v59 =	vor.u32 v57, v14  }
0x18a: {  	v44 =	vor.u32 v11, v23;
	v23 =	vor.u32 v12, v23;
	v52 =	vor.u32 $0x28, v15;
	v49 =	vld.idx.msk [tilespmem:v56+s23+$0x0], $0xffff  }
0x18b: {  	v31 =	vmul.f32 v31, v31;
	v53 =	vor.u32 v52, v14;
	v29 =	vmul.f32 v13, v29;
	v50 =	vld.idx.msk [tilespmem:v38+s24+$0x0], $0xffff  }
0x18c: {  	v34 =	vmul.f32 v34, v34;
	v60 =	vor.u32 $0x2F, v15;
	v52 =	vor.u32 $0x2C, v15;
	v48 =	vld.idx.msk [tilespmem:v58+s23+$0x0], $0xffff  }
0x18d: {  	v57 =	vor.u32 v44, v17;
	v38 =	vor.u32 v52, v14;
	v29 =	vmul.f32 v29, v29;
	v35 =	vld.idx.msk [tilespmem:v51+s23+$0x0], $0xffff  }
0x18e: {  	v26 =	vadd.f32 v31, v26;
	v31 =	vmul.f32 v54, v54;
	v54 =	vor.u32 v42, v18;
	v37 =	vld.idx.msk [tilespmem:v59+s24+$0x0], $0xffff  }
0x18f: {  	v32 =	vsub.f32 v32, v45;
	v45 =	vor.u32 v62, v14;
	v27 =	vadd.f32 v29, v27;
	v29 =	vld.idx.msk [tilespmem:v46+s23+$0x0], $0xffff  }
0x190: {  	v36 =	vmul.f32 v13, v36;
	v62 =	vor.u32 v44, v21;
	v21 =	vor.u32 v23, v21;
	v30 =	vld.idx.msk [tilespmem:v53+s24+$0x0], $0xffff  }
0x191: {  	v52 =	vor.u32 $0x31, v15;
	v25 =	vadd.f32 v31, v25;
	v51 =	vor.u32 v42, v16;
	v53 =	vld.idx.msk [tilespmem:v61+s23+$0x0], $0xffff  }
0x192: {  	v59 =	vor.u32 v44, v16;
	v16 =	vor.u32 v23, v16;
	v32 =	vmul.f32 v13, v32;
	v38 =	vld.idx.msk [tilespmem:v38+s24+$0x0], $0xffff  }
0x193: {  	v46 =	vor.u32 v42, v17;
	v42 =	vor.u32 v42, v24;
	v27 =	vadd.f32 v34, v27;
	v34 =	vld.idx.msk [tilespmem:v54+s23+$0x0], $0xffff  }
0x194: {  	v61 =	vor.u32 v60, v14;
	v60 =	vor.u32 $0x34, v15;
	v63 =	vmul.f32 v32, v32;
	v32 =	vld.idx.msk [tilespmem:v45+s24+$0x0], $0xffff  }
0x195: {  	v17 =	vor.u32 v23, v17;
	v54 =	vor.u32 v44, v20;
	v20 =	vor.u32 v23, v20;
	v21 =	vld.idx.msk [tilespmem:v21+s23+$0x0], $0xffff  }
0x196: {  	v31 =	vsub.f32 v50, v48;
	v28 =	vadd.f32 v63, v28;
	v58 =	vld.idx.msk [tilespmem:v51+s23+$0x0], $0xffff;
	v63 =	vor.u32 $0x30, v15  }
0x197: {  	v51 =	vor.u32 v44, v22;
	v22 =	vor.u32 v23, v22;
	v16 =	vld.idx.msk [tilespmem:v16+s23+$0x0], $0xffff;
	v29 =	vsub.f32 v55, v29  }
0x198: {  	v30 =	vsub.f32 v30, v35;
	v55 =	vor.u32 $0x2D, v15;
	v41 =	vld.idx.msk [tilespmem:v46+s23+$0x0], $0xffff;
	v48 =	vmul.f32 v13, v31  }
0x199: {  	v50 =	vor.u32 v63, v14;
	v35 =	vld.idx.msk [tilespmem:v61+s24+$0x0], $0xffff;
	v46 =	vor.u32 $0x32, v15;
	v63 =	vor.u32 v44, v18  }
0x19a: {  	v31 =	vsub.f32 v37, v49;
	v37 =	vld.idx.msk [tilespmem:v57+s23+$0x0], $0xffff;
	v57 =	vor.u32 $0x37, v15;
	v29 =	vmul.f32 v13, v29  }
0x19b: {  	v18 =	vor.u32 v23, v18;
	v17 =	vld.idx.msk [tilespmem:v17+s23+$0x0], $0xffff;
	v40 =	vor.u32 v55, v14;
	v30 =	vmul.f32 v13, v30  }
0x19c: {  	v56 =	vor.u32 v46, v14;
	v20 =	vld.idx.msk [tilespmem:v20+s23+$0x0], $0xffff;
	v32 =	vsub.f32 v32, v53;
	v29 =	vmul.f32 v29, v29  }
0x19d: {  	v53 =	vor.u32 v52, v14;
	v52 =	vor.u32 $0x35, v15;
	v30 =	vmul.f32 v30, v30;
	v22 =	vld.idx.msk [tilespmem:v22+s23+$0x0], $0xffff  }
0x19e: {  	v33 =	vsub.f32 v33, v41;
	v41 =	vld.idx.msk [tilespmem:v42+s23+$0x0], $0xffff;
	v32 =	vmul.f32 v13, v32;
	v26 =	vadd.f32 v29, v26  }
0x19f: {  	v43 =	vld.idx.msk [tilespmem:v50+s24+$0x0], $0xffff;
	v29 =	vmul.f32 v36, v36;
	v28 =	vadd.f32 v30, v28;
	v30 =	vmul.f32 v48, v48  }
0x1a0: {  	v36 =	vsub.f32 v38, v58;
	v58 =	vor.u32 v47, v14;
	v55 =	vmul.f32 v13, v33;
	v33 =	vld.idx.msk [tilespmem:v62+s23+$0x0], $0xffff  }
0x1a1: {  	v48 =	vor.u32 $0x36, v15;
	v32 =	vmul.f32 v32, v32;
	v25 =	vadd.f32 v29, v25;
	v29 =	vld.idx.msk [tilespmem:v40+s24+$0x0], $0xffff  }
0x1a2: {  	v62 =	vor.u32 v60, v14;
	v27 =	vadd.f32 v30, v27;
	v61 =	vmul.f32 v13, v36;
	v36 =	vld.idx.msk [tilespmem:v54+s23+$0x0], $0xffff  }
0x1a3: {  	v54 =	vor.u32 v44, v19;
	v44 =	vor.u32 v44, v24;
	v40 =	vld.idx.msk [tilespmem:v63+s23+$0x0], $0xffff;
	v63 =	vor.u32 $0x3A, v15  }
0x1a4: {  	v38 =	vld.idx.msk [tilespmem:v51+s23+$0x0], $0xffff;
	v19 =	vor.u32 v23, v19;
	v23 =	vor.u32 v23, v24;
	v30 =	vmul.f32 v55, v55  }
0x1a5: {  	v26 =	vadd.f32 v32, v26;
	v32 =	vld.idx.msk [tilespmem:v53+s24+$0x0], $0xffff;
	v53 =	vor.u32 v52, v14;
	v55 =	vmul.f32 v13, v31  }
0x1a6: {  	v31 =	vld.idx.msk [tilespmem:v59+s23+$0x0], $0xffff;
	v46 =	vor.u32 v63, v14;
	v52 =	vor.u32 $0x3C, v15;
	v59 =	vsub.f32 v35, v41  }
0x1a7: {  	v25 =	vadd.f32 v30, v25;
	v30 =	vmul.f32 v61, v61;
	v39 =	vld.idx.msk [tilespmem:v58+s24+$0x0], $0xffff;
	v58 =	vor.u32 $0x38, v15  }
0x1a8: {  	v18 =	vld.idx.msk [tilespmem:v18+s23+$0x0], $0xffff;
	v61 =	vor.u32 $0x39, v15;
	v60 =	vor.u32 v58, v14;
	v33 =	vsub.f32 v43, v33  }
0x1a9: {  	v45 =	vld.idx.msk [tilespmem:v62+s24+$0x0], $0xffff;
	v43 =	vor.u32 v61, v14;
	v58 =	vor.u32 $0x3E, v15;
	v29 =	vsub.f32 v29, v34  }
0x1aa: {  	v34 =	vld.idx.msk [tilespmem:v56+s24+$0x0], $0xffff;
	v28 =	vadd.f32 v30, v28;
	v56 =	vor.u32 v48, v14;
	v30 =	vmul.f32 v55, v55  }
0x1ab: {  	v48 =	vor.u32 v57, v14;
	v35 =	vld.idx.msk [tilespmem:v54+s23+$0x0], $0xffff;
	v54 =	vor.u32 v52, v14;
	v57 =	vor.u32 $0x3D, v15  }
0x1ac: {  	v32 =	vsub.f32 v32, v38;
	v38 =	vld.idx.msk [tilespmem:v44+s23+$0x0], $0xffff;
	v33 =	vmul.f32 v13, v33;
	v29 =	vmul.f32 v13, v29  }
0x1ad: {  	v26 =	vadd.f32 v30, v26;
	v30 =	vmul.f32 v13, v59;
	v59 =	vor.u32 v58, v14;
	v41 =	vld.idx.msk [tilespmem:v60+s24+$0x0], $0xffff  }
0x1ae: {  	v32 =	vmul.f32 v13, v32;
	v33 =	vmul.f32 v33, v33;
	v55 =	vsub.f32 v39, v37;
	v51 =	vld.idx.msk [tilespmem:v43+s24+$0x0], $0xffff  }
0x1af: {  	v39 =	vor.u32 v57, v14;
	v29 =	vmul.f32 v29, v29;
	v30 =	vmul.f32 v30, v30;
	v42 =	vld.idx.msk [tilespmem:v56+s24+$0x0], $0xffff  }
0x1b0: {  	v31 =	vsub.f32 v45, v31;
	v62 =	vld.idx.msk [tilespmem:v48+s24+$0x0], $0xffff;
	v48 =	vor.u32 $0x3B, v15;
	v49 =	vmul.f32 v32, v32  }
0x1b1: {  	v56 =	vld.idx.msk [tilespmem:v46+s24+$0x0], $0xffff;
	v24 =	vmul.f32 v13, v55;
	v15 =	vor.u32 $0x3F, v15;
	v27 =	vadd.f32 v29, v27  }
0x1b2: {  	v29 =	vld.idx.msk [tilespmem:v53+s24+$0x0], $0xffff;
	v25 =	vadd.f32 v30, v25;
	v50 =	vor.u32 v48, v14;
	v53 =	vsub.f32 v34, v36  }
0x1b3: {  	v19 =	vld.idx.msk [tilespmem:v19+s23+$0x0], $0xffff;
	v31 =	vmul.f32 v13, v31;
	v14 =	vor.u32 v15, v14;
	v15 =	vmul.f32 v24, v24  }
0x1b4: {  	v28 =	vadd.f32 v33, v28;
	v34 =	vld.idx.msk [tilespmem:v54+s24+$0x0], $0xffff;
	v27 =	vadd.f32 v49, v27;
	v30 =	vmul.f32 v13, v53  }
0x1b5: {  	v23 =	vld.idx.msk [tilespmem:v23+s23+$0x0], $0xffff;
	v60 =	vmul.f32 v31, v31;
	v15 =	vadd.f32 v15, v25;
	v21 =	vsub.f32 v41, v21  }
0x1b6: {  	v61 =	vld.idx.msk [tilespmem:v39+s24+$0x0], $0xffff;
	v22 =	vsub.f32 v51, v22;
	v30 =	vmul.f32 v30, v30;
	v25 =	vsub.f32 v62, v38  }
0x1b7: {  	v62 =	vld.idx.msk [tilespmem:v59+s24+$0x0], $0xffff;
	v20 =	vsub.f32 v56, v20;
	v29 =	vsub.f32 v29, v40;
	v21 =	vmul.f32 v13, v21  }
0x1b8: {  	v28 =	vadd.f32 v60, v28;
	v32 =	vld.idx.msk [tilespmem:v50+s24+$0x0], $0xffff;
	v22 =	vmul.f32 v13, v22;
	v25 =	vmul.f32 v13, v25  }
0x1b9: {  	v14 =	vld.idx.msk [tilespmem:v14+s24+$0x0], $0xffff;
	v16 =	vsub.f32 v34, v16;
	v20 =	vmul.f32 v13, v20;
	v24 =	vmul.f32 v13, v29  }
0x1ba: {  	v26 =	vadd.f32 v30, v26;
	v21 =	vmul.f32 v21, v21;
	v22 =	vmul.f32 v22, v22  }
0x1bb: {  	v29 =	vsub.f32 v42, v35;
	v16 =	vmul.f32 v13, v16;
	v25 =	vmul.f32 v25, v25  }
0x1bc: {  	v18 =	vsub.f32 v61, v18;
	v20 =	vmul.f32 v20, v20;
	v24 =	vmul.f32 v24, v24  }
0x1bd: {  	v29 =	vmul.f32 v13, v29;
	v19 =	vsub.f32 v62, v19;
	v17 =	vsub.f32 v32, v17  }
0x1be: {  	v21 =	vadd.f32 v21, v28;
	v18 =	vmul.f32 v13, v18;
	v14 =	vsub.f32 v14, v23  }
0x1bf: {  	v24 =	vadd.f32 v24, v27;
	v27 =	vmul.f32 v29, v29;
	v17 =	vmul.f32 v13, v17  }
0x1c0: {  	p1 =	seq.s32 s31, $0x1;
	v16 =	vmul.f32 v16, v16;
	v15 =	vadd.f32 v25, v15;
	v19 =	vmul.f32 v13, v19  }
.Ltmp14:
0x1c1: {  	v13 =	vmul.f32 v13, v14;
	v26 =	vadd.f32 v27, v26;
	v17 =	vmul.f32 v17, v17;
	(pc) =	sbr.rel @!p1 .LBB2_19-.Ltmp14, $4  }
0x1c2: {  	v18 =	vmul.f32 v18, v18;
	v22 =	vadd.f32 v22, v24;
	v63 =	vmul.f32 v19, v19  }
0x1c3: {  	v13 =	vmul.f32 v13, v13;
	v14 =	vadd.f32 v20, v26;
	v15 =	vadd.f32 v17, v15  }
0x1c4: {  	v24 =	vadd.f32 v16, v21;
	v27 =	vadd.f32 v18, v22  }
0x1c5: {  	s0 =	sadd.s32 $0x10, s0;
	s31 =	sadd.s32 $0xFFFFFFFF, s31;
	v26 =	vadd.f32 v63, v14;
	v25 =	vadd.f32 v13, v15  }
.Ltmp15:
0x1c6: {  	_ = 	snop;
	(pc) =	sbr.rel .LBB2_6-.Ltmp15, $1  }
0x1c7: {  	_ =	sdelay $0x3  }
.LBB2_13:
.Ltmp16:
0x1c8: {  	(pc) =	sbr.rel .LBB2_16-.Ltmp16, $2  }
0x1c9: {  	_ =	sdelay $0x2  }
0x1ca: {  	_ = 	snop  }
.LBB2_21:
0x1cb: {  	_ =	sfence.sel $0x180000  }
0x1cc: {  	[bflag:$0x0] =	sbarrier.arrive $0xFFFF  }
0x1cd: {  	_ =	strace $0x90000047  }
0x1ce: {  	s0 =	stileid.u32;
	[bflag:$0x2] =	sbarrier.arrive $0xFFFF  }
0x1cf: {  	p0 =	sne.s32 s0, $0x0;
	s0 =	rddreg [dreg:$0x3]  }
0x1d0: {  	s0 =	sadd.s32 @!p0 $0x100000, s0  }
0x1d1: {  	[sflag:s0] =	ssyncadd.tile.s32 @!p0 $0x1;
	_ =	shalt  }
.Lfunc_end2:
_tile_overlayer_lowered:
.L_overlay_start_2:
0x1d2: {  	(tag) =	ssettag $0x2  }
0x1d3: {  	s0 =	rddreg [dreg:$0x0];
	s2 =	stileid.u32  }
0x1d4: {  	s1 =	rddreg [dreg:$0x1];
	p0 =	sne.s32 s2, $0x0  }
0x1d5: {  	s3 =	rddreg [dreg:$0x2];
	[bflag:$0x3] =	sbarrier.arrive $0xFFFF;
	s2 =	simm.s32 @!p0 $0x1C04  }
0x1d6: {  	[timem:s3], [sflag:s2] =	dma.local @!p0 [hbm:s0], s1  }
0x1d7: {  	s0 =	simm.s32 @!p0 $0x4  }
0x1d8: {  	_ =	swait.ge @!p0 [sflag:s0], s1  }
0x1d9: {  	s1 =	ssub.s32 @!p0 $0x0, s1;
	[sflag:s0] =	ssyncset.done @!p0 $0x0  }
0x1da: {  	[sflag:s0] =	ssyncadd.s32 @!p0 s1  }
0x1db: {  	[bflag:$0x3] =	sbarrier.arrive $0xFFFF  }
0x1dc: {  	_ =	shalt  }

</sc_bundles>
